<compile_context>
chip_gen: v7x
topology: tpu7x:2x2x1
jax: 0.10.2.dev20260603
libtpu: 0.0.44.dev20260713+nightly
codegen_flags: <defaults>
</compile_context>

<pallas_src>
import jax
import jax.numpy as jnp
from jax import lax
from jax.experimental import pallas as pl
from jax.experimental.pallas import tpu as pltpu
from jax.experimental.pallas import tpu_sc as plsc

D = 256
E = 16384
G = 101
TAB = G * G
TABP = TAB + 7
NC = 2
NS = 16
NW = NC * NS
DPW = D // NW
L = 16
CHUNKS = E // L
JV = D // L
RADIUS = 50


def _sc_body(ev_hbm, t0_hbm, t1_hbm, ct_hbm, calib_hbm,
             c0_hbm, c1_hbm, m_hbm, pd_hbm, corr_hbm,
             new0_hbm, new1_hbm, ne_hbm,
             fex_v, fey_v, t0_v, t1_v, ct_v, calib_v,
             c0_v, c1_v, m_v, pd_v, corr_v,
             n0_v, n1_v, ne_v, sem_big, sem_small):
    c = lax.axis_index("c")
    s = lax.axis_index("s")
    wid = s * NC + c

    big = [
        pltpu.async_copy(ev_hbm.at[0], fex_v, sem_big),
        pltpu.async_copy(ev_hbm.at[1], fey_v, sem_big),
        pltpu.async_copy(t0_hbm, t0_v, sem_big),
        pltpu.async_copy(t1_hbm, t1_v, sem_big),
        pltpu.async_copy(ct_hbm, ct_v, sem_big),
    ]
    small = [
        pltpu.async_copy(
            calib_hbm.at[pl.ds(wid * (2 * DPW), 2 * DPW)], calib_v,
            sem_small),
        pltpu.async_copy(c0_hbm, c0_v, sem_small),
        pltpu.async_copy(c1_hbm, c1_v, sem_small),
        pltpu.async_copy(m_hbm.at[pl.ds(wid * DPW, DPW), :], m_v, sem_small),
        pltpu.async_copy(pd_hbm.at[pl.ds(wid * DPW, DPW), :], pd_v,
                         sem_small),
        pltpu.async_copy(corr_hbm, corr_v, sem_small),
    ]
    for h in small:
        h.wait()

    cvec = calib_v[...]
    cxs = [cvec[2 * d + 1] for d in range(DPW)]
    cys = [cvec[2 * d] for d in range(DPW)]

    zf = jnp.zeros((L,), jnp.float32)
    zi = jnp.zeros((L,), jnp.int32)

    def reg_body(jv, carry):
        rac = list(carry)
        c1j = c1_v[pl.ds(jv * L, L)]
        c0j = c0_v[pl.ds(jv * L, L)]
        for d in range(DPW):
            mj = m_v[d, pl.ds(jv * L, L)]
            pj = pd_v[d, pl.ds(jv * L, L)]
            dxc = c1j - cxs[d]
            dyc = c0j - cys[d]
            sdx = dxc * mj
            sdy = dyc * mj
            radi = sdx * sdx + sdy * sdy - pj * pj
            rac[d] = rac[d] + dxc * radi
            rac[DPW + d] = rac[DPW + d] + dyc * radi
        return tuple(rac)

    rac = lax.fori_loop(0, JV, reg_body, tuple([zf] * (2 * DPW)))

    lanes = lax.iota(jnp.int32, L)
    cdxv = zf
    cdyv = zf
    c0d = zf
    c1d = zf
    for d in range(DPW):
        cdxv = jnp.where(lanes == d, jnp.sum(rac[d]), cdxv)
        cdyv = jnp.where(lanes == d, jnp.sum(rac[DPW + d]), cdyv)
        c0d = jnp.where(lanes == d, cvec[2 * d], c0d)
        c1d = jnp.where(lanes == d, cvec[2 * d + 1], c1d)

    for h in big:
        h.wait()

    init = tuple([zf] * DPW + [zf] * DPW + [zi] * DPW)

    @plsc.parallel_loop(0, CHUNKS, step=1, unroll=16, carry=init)
    def accs(i, carry):
        accs = list(carry)
        ex = fex_v[pl.ds(i * L, L)]
        ey = fey_v[pl.ds(i * L, L)]
        fr = jnp.float32(RADIUS)
        for d in range(DPW):
            ix = jnp.clip(ex - cxs[d], -fr, fr).astype(jnp.int32)
            iy = jnp.clip(ey - cys[d], -fr, fr).astype(jnp.int32)
            flat = ix * G + (iy + (RADIUS * G + RADIUS))
            g0 = plsc.load_gather(t0_v, [flat])
            g1 = plsc.load_gather(t1_v, [flat])
            gc = plsc.load_gather(ct_v, [flat])
            accs[d] = accs[d] + g0
            accs[DPW + d] = accs[DPW + d] + g1
            accs[2 * DPW + d] = accs[2 * DPW + d] + gc
        return tuple(accs)

    o0 = zf
    o1 = zf
    oc = zi
    for d in range(DPW):
        o0 = jnp.where(lanes == d, jnp.sum(accs[d]), o0)
        o1 = jnp.where(lanes == d, jnp.sum(accs[DPW + d]), o1)
        oc = jnp.where(lanes == d, jnp.sum(accs[2 * DPW + d]), oc)

    dec = ((oc & 0xFFFF) >= 10).astype(jnp.float32)
    nev = lax.shift_right_arithmetic(oc, 16)
    lr = jnp.float32(200 * 1.5e-05)
    rfc = corr_v[...] * jnp.float32(4.0 * 1.0 * 2.5e-07)
    new1 = c1d - lr * dec * (jnp.clip(o0, -400.0, 400.0) - rfc * cdxv)
    new0 = c0d - lr * dec * (jnp.clip(o1, -400.0, 400.0) - rfc * cdyv)
    n0_v[...] = new0
    n1_v[...] = new1
    ne_v[...] = nev
    pltpu.sync_copy(n0_v, new0_hbm.at[pl.ds(wid * L, L)])
    pltpu.sync_copy(n1_v, new1_hbm.at[pl.ds(wid * L, L)])
    pltpu.sync_copy(ne_v, ne_hbm.at[pl.ds(wid * L, L)])


_sc_all = pl.kernel(
    _sc_body,
    out_type=[
        jax.ShapeDtypeStruct((NW * L,), jnp.float32),
        jax.ShapeDtypeStruct((NW * L,), jnp.float32),
        jax.ShapeDtypeStruct((NW * L,), jnp.int32),
    ],
    mesh=plsc.VectorSubcoreMesh(core_axis_name="c", subcore_axis_name="s"),
    compiler_params=pltpu.CompilerParams(needs_layout_passes=False),
    scratch_types=[
        pltpu.VMEM((E,), jnp.float32),
        pltpu.VMEM((E,), jnp.float32),
        pltpu.VMEM((TABP,), jnp.float32),
        pltpu.VMEM((TABP,), jnp.float32),
        pltpu.VMEM((TABP,), jnp.int32),
        pltpu.VMEM((2 * DPW,), jnp.float32),
        pltpu.VMEM((D,), jnp.float32),
        pltpu.VMEM((D,), jnp.float32),
        pltpu.VMEM((DPW, D), jnp.float32),
        pltpu.VMEM((DPW, D), jnp.float32),
        pltpu.VMEM((L,), jnp.float32),
        pltpu.VMEM((L,), jnp.float32),
        pltpu.VMEM((L,), jnp.float32),
        pltpu.VMEM((L,), jnp.int32),
        pltpu.SemaphoreType.DMA,
        pltpu.SemaphoreType.DMA,
    ],
)


def kernel(events_x, events_y, calib_center, precompute_grid,
           pairwise_dists_mask, pairwise_dists, correction):
    fex = events_x.astype(jnp.float32)
    fey = events_y.astype(jnp.float32)
    t0 = precompute_grid[:, :, 0].reshape(-1)
    t1 = precompute_grid[:, :, 1].reshape(-1)
    nz = (t0 != 0).astype(jnp.int32) + (t1 != 0).astype(jnp.int32)
    ii = jnp.arange(G, dtype=jnp.int32)
    interior = jnp.logical_and(ii >= 1, ii <= G - 2)
    vic = jnp.logical_and(interior[:, None], interior[None, :])
    ct = nz + (vic.reshape(-1).astype(jnp.int32) << 16)
    t0p = jnp.pad(t0, (0, TABP - TAB))
    t1p = jnp.pad(t1, (0, TABP - TAB))
    ctp = jnp.pad(ct, (0, TABP - TAB))
    corrv = jnp.full((L,), correction, jnp.float32)
    ev = jnp.stack([fex, fey])

    new0, new1, ne = _sc_all(
        ev, t0p, t1p, ctp, calib_center.reshape(2 * D),
        calib_center[:, 0], calib_center[:, 1],
        pairwise_dists_mask, pairwise_dists, corrv)
    new0 = new0.reshape(NW, L)[:, :DPW].reshape(D)
    new1 = new1.reshape(NW, L)[:, :DPW].reshape(D)
    ne = ne.reshape(NW, L)[:, :DPW].reshape(D)
    calib_out = jnp.stack([new0, new1], axis=1)
    return (calib_out, ne)

# --- scband reference (transcript-rebuilt; emitter-appended) ---
"""Pipeline reference for scband-dot-tracking-onnx-model-filterw-num-events-13322988552666 (READ-ONLY COPY).

The authoritative reference and input builder live on the scoring server;
editing this copy changes nothing except your own understanding.
"""

import jax, jax.numpy as jnp
import numpy as np

D = 256
E = 16384
RADIUS = 50
DOT_REG_FACTOR = 1.0
REGULARIZE_TRACKING = True


def setup_inputs(seed: int = 0) -> dict:
    key = jax.random.key(seed)
    k1, k2, k3, k4, k5, k6 = jax.random.split(key, 6)
    events_x = jax.random.randint(k1, (E,), 0, 640, dtype=jnp.int32)
    events_y = jax.random.randint(k2, (E,), 0, 640, dtype=jnp.int32)
    calib_center = jax.random.uniform(k3, (D, 2), dtype=jnp.float32) * 640.0
    precompute_grid = jax.random.normal(k4, (101, 101, 2), dtype=jnp.float32)
    pairwise_dists_mask = (jax.random.uniform(k5, (D, D), dtype=jnp.float32) < 0.1).astype(jnp.float32)
    pairwise_dists = jax.random.uniform(k6, (D, D), dtype=jnp.float32) * 100.0
    correction = jnp.float32(1.0)
    return {
        'events_x': events_x,
        'events_y': events_y,
        'calib_center': calib_center,
        'precompute_grid': precompute_grid,
        'pairwise_dists_mask': pairwise_dists_mask,
        'pairwise_dists': pairwise_dists,
        'correction': correction,
    }


def reference(events_x, events_y, calib_center, precompute_grid, pairwise_dists_mask, pairwise_dists, correction):
    # dx/dy: [D, E]; torch does float sub then .long() (truncation toward zero)
    dx = (events_x[None, :].astype(jnp.float32) - calib_center[:, 1][:, None]).astype(jnp.int32)
    dy = (events_y[None, :].astype(jnp.float32) - calib_center[:, 0][:, None]).astype(jnp.int32)
    vicinity = jnp.logical_and(jnp.abs(dx) < RADIUS, jnp.abs(dy) < RADIUS)
    num_events_per_dot = jnp.sum(vicinity, axis=1)
    ix = jnp.clip(dx, -50, 50) + 50
    iy = jnp.clip(dy, -50, 50) + 50
    # large gather from the [101,101,2] table: [D, E, 2]
    test = precompute_grid[ix, iy, :]
    decider = jnp.sum(jnp.sum((test != 0).astype(jnp.int32), axis=2), axis=1) >= 10
    update_dx_fast = jnp.sum(test[:, :, 0], axis=1)
    update_dy_fast = jnp.sum(test[:, :, 1], axis=1)
    dec = decider.astype(jnp.float32)
    if REGULARIZE_TRACKING:
        c1 = calib_center[:, 1]
        c0 = calib_center[:, 0]
        dx_centers = c1[None, :] - c1[:, None]
        dy_centers = c0[None, :] - c0[:, None]
        selected_dxs = dx_centers * pairwise_dists_mask
        selected_dys = dy_centers * pairwise_dists_mask
        radi = selected_dxs ** 2 + selected_dys ** 2 - pairwise_dists ** 2
        dtx_centers = 4.0 * dx_centers * radi
        dty_centers = 4.0 * dy_centers * radi
        center_dx_update = correction * jnp.sum(dtx_centers, axis=1)
        center_dy_update = correction * jnp.sum(dty_centers, axis=1)
        new1 = calib_center[:, 1] - 200 * 1.5e-05 * dec * (jnp.clip(update_dx_fast, -400, 400) - DOT_REG_FACTOR * 2.5e-07 * center_dx_update)
        new0 = calib_center[:, 0] - 200 * 1.5e-05 * dec * (jnp.clip(update_dy_fast, -400, 400) - DOT_REG_FACTOR * 2.5e-07 * center_dy_update)
    else:
        new1 = calib_center[:, 1] - 200 * 1.5e-05 * dec * jnp.clip(update_dx_fast, -400, 400)
        new0 = calib_center[:, 0] - 200 * 1.5e-05 * dec * jnp.clip(update_dy_fast, -400, 400)
    calib_out = calib_center.at[:, 1].set(new1).at[:, 0].set(new0)
    return (calib_out, num_events_per_dot)

if __name__ == "__main__":
    import jax
    _d = setup_inputs()
    print(jax.jit(kernel)(*tuple(_d.values())))

</pallas_src>

<mosaic_0001>
#map = affine_map<(d0, d1) -> (0, 0)>
#map1 = affine_map<(d0, d1) -> (0)>
module attributes {stable_mosaic.version = 14 : i64} {
  func.func @_sc_body(%arg0: i32, %arg1: i32, %arg2: memref<2x16384xf32, #tpu.memory_space<hbm>>, %arg3: memref<10208xf32, #tpu.memory_space<hbm>>, %arg4: memref<10208xf32, #tpu.memory_space<hbm>>, %arg5: memref<10208xi32, #tpu.memory_space<hbm>>, %arg6: memref<512xf32, #tpu.memory_space<hbm>>, %arg7: memref<256xf32, #tpu.memory_space<hbm>>, %arg8: memref<256xf32, #tpu.memory_space<hbm>>, %arg9: memref<256x256xf32, #tpu.memory_space<hbm>>, %arg10: memref<256x256xf32, #tpu.memory_space<hbm>>, %arg11: memref<16xf32, #tpu.memory_space<hbm>>, %arg12: memref<512xf32, #tpu.memory_space<hbm>>, %arg13: memref<512xf32, #tpu.memory_space<hbm>>, %arg14: memref<512xi32, #tpu.memory_space<hbm>>, %arg15: memref<16384xf32, #tpu.memory_space<vmem>>, %arg16: memref<16384xf32, #tpu.memory_space<vmem>>, %arg17: memref<10208xf32, #tpu.memory_space<vmem>>, %arg18: memref<10208xf32, #tpu.memory_space<vmem>>, %arg19: memref<10208xi32, #tpu.memory_space<vmem>>, %arg20: memref<16xf32, #tpu.memory_space<vmem>>, %arg21: memref<256xf32, #tpu.memory_space<vmem>>, %arg22: memref<256xf32, #tpu.memory_space<vmem>>, %arg23: memref<8x256xf32, #tpu.memory_space<vmem>>, %arg24: memref<8x256xf32, #tpu.memory_space<vmem>>, %arg25: memref<16xf32, #tpu.memory_space<vmem>>, %arg26: memref<16xf32, #tpu.memory_space<vmem>>, %arg27: memref<16xf32, #tpu.memory_space<vmem>>, %arg28: memref<16xi32, #tpu.memory_space<vmem>>, %arg29: memref<!tpu.dma_semaphore, #tpu.memory_space<semaphore_mem>>, %arg30: memref<!tpu.dma_semaphore, #tpu.memory_space<semaphore_mem>>) attributes {dimension_semantics = [#tpu.dimension_semantics<core_parallel>, #tpu.dimension_semantics<subcore_parallel>], iteration_bounds = array<i64: 2, 16>, scalar_prefetch = 0 : i64, scratch_operands = 16 : i64, tpu.core_type = #tpu.core_type<sc_vector_subcore>, window_params = [{transform_indices = #map}, {transform_indices = #map1}, {transform_indices = #map1}, {transform_indices = #map1}, {transform_indices = #map1}, {transform_indices = #map1}, {transform_indices = #map1}, {transform_indices = #map}, {transform_indices = #map}, {transform_indices = #map1}, {transform_indices = #map1}, {transform_indices = #map1}, {transform_indices = #map1}]} {
    %mul3A = arith.constant 2 : i32
    %mul3A_0 = arith.muli %arg1, %mul3A : i32
    %add3A = arith.addi %mul3A_0, %arg0 : i32
    %dma_start3A = arith.constant 0 : i32
    %dma_start3A_1 = arith.constant 0 : i32
    %dma_start3A_2 = tpu.memref_slice %arg2[%dma_start3A, %dma_start3A_1] : memref<2x16384xf32, #tpu.memory_space<hbm>> -> memref<1x16384xf32, #tpu.memory_space<hbm>>
    %dma_start3A_3 = tpu.memref_squeeze %dma_start3A_2 : memref<1x16384xf32, #tpu.memory_space<hbm>> -> memref<16384xf32, #tpu.memory_space<hbm>>
    %dma_start3A_4 = arith.constant 0 : i32
    %dma_start3A_5 = tpu.memref_slice %arg2[%dma_start3A, %dma_start3A_4] : memref<2x16384xf32, #tpu.memory_space<hbm>> -> memref<1x16384xf32, #tpu.memory_space<hbm>>
    %dma_start3A_6 = tpu.memref_squeeze %dma_start3A_5 : memref<1x16384xf32, #tpu.memory_space<hbm>> -> memref<16384xf32, #tpu.memory_space<hbm>>
    tpu.enqueue_dma source(%dma_start3A_6 : memref<16384xf32, #tpu.memory_space<hbm>>) target(%arg15 : memref<16384xf32, #tpu.memory_space<vmem>>) target_semaphore(%arg29 : memref<!tpu.dma_semaphore, #tpu.memory_space<semaphore_mem>>)
    %dma_start3A_7 = arith.constant 1 : i32
    %dma_start3A_8 = arith.constant 0 : i32
    %dma_start3A_9 = tpu.memref_slice %arg2[%dma_start3A_7, %dma_start3A_8] : memref<2x16384xf32, #tpu.memory_space<hbm>> -> memref<1x16384xf32, #tpu.memory_space<hbm>>
    %dma_start3A_10 = tpu.memref_squeeze %dma_start3A_9 : memref<1x16384xf32, #tpu.memory_space<hbm>> -> memref<16384xf32, #tpu.memory_space<hbm>>
    %dma_start3A_11 = arith.constant 0 : i32
    %dma_start3A_12 = tpu.memref_slice %arg2[%dma_start3A_7, %dma_start3A_11] : memref<2x16384xf32, #tpu.memory_space<hbm>> -> memref<1x16384xf32, #tpu.memory_space<hbm>>
    %dma_start3A_13 = tpu.memref_squeeze %dma_start3A_12 : memref<1x16384xf32, #tpu.memory_space<hbm>> -> memref<16384xf32, #tpu.memory_space<hbm>>
    tpu.enqueue_dma source(%dma_start3A_13 : memref<16384xf32, #tpu.memory_space<hbm>>) target(%arg16 : memref<16384xf32, #tpu.memory_space<vmem>>) target_semaphore(%arg29 : memref<!tpu.dma_semaphore, #tpu.memory_space<semaphore_mem>>)
    tpu.enqueue_dma source(%arg3 : memref<10208xf32, #tpu.memory_space<hbm>>) target(%arg17 : memref<10208xf32, #tpu.memory_space<vmem>>) target_semaphore(%arg29 : memref<!tpu.dma_semaphore, #tpu.memory_space<semaphore_mem>>)
    tpu.enqueue_dma source(%arg4 : memref<10208xf32, #tpu.memory_space<hbm>>) target(%arg18 : memref<10208xf32, #tpu.memory_space<vmem>>) target_semaphore(%arg29 : memref<!tpu.dma_semaphore, #tpu.memory_space<semaphore_mem>>)
    tpu.enqueue_dma source(%arg5 : memref<10208xi32, #tpu.memory_space<hbm>>) target(%arg19 : memref<10208xi32, #tpu.memory_space<vmem>>) target_semaphore(%arg29 : memref<!tpu.dma_semaphore, #tpu.memory_space<semaphore_mem>>)
    %mul3A_14 = arith.constant 16 : i32
    %mul3A_15 = arith.muli %add3A, %mul3A_14 : i32
    %dma_start3A_16 = tpu.memref_slice %arg6[%mul3A_15] : memref<512xf32, #tpu.memory_space<hbm>> -> memref<16xf32, #tpu.memory_space<hbm>>
    %dma_start3A_17 = tpu.memref_slice %arg6[%mul3A_15] : memref<512xf32, #tpu.memory_space<hbm>> -> memref<16xf32, #tpu.memory_space<hbm>>
    tpu.enqueue_dma source(%dma_start3A_17 : memref<16xf32, #tpu.memory_space<hbm>>) target(%arg20 : memref<16xf32, #tpu.memory_space<vmem>>) target_semaphore(%arg30 : memref<!tpu.dma_semaphore, #tpu.memory_space<semaphore_mem>>)
    tpu.enqueue_dma source(%arg7 : memref<256xf32, #tpu.memory_space<hbm>>) target(%arg21 : memref<256xf32, #tpu.memory_space<vmem>>) target_semaphore(%arg30 : memref<!tpu.dma_semaphore, #tpu.memory_space<semaphore_mem>>)
    tpu.enqueue_dma source(%arg8 : memref<256xf32, #tpu.memory_space<hbm>>) target(%arg22 : memref<256xf32, #tpu.memory_space<vmem>>) target_semaphore(%arg30 : memref<!tpu.dma_semaphore, #tpu.memory_space<semaphore_mem>>)
    %mul3A_18 = arith.constant 8 : i32
    %mul3A_19 = arith.muli %add3A, %mul3A_18 : i32
    %dma_start3A_20 = arith.constant 0 : i32
    %dma_start3A_21 = tpu.memref_slice %arg9[%mul3A_19, %dma_start3A_20] : memref<256x256xf32, #tpu.memory_space<hbm>> -> memref<8x256xf32, #tpu.memory_space<hbm>>
    %dma_start3A_22 = arith.constant 0 : i32
    %dma_start3A_23 = tpu.memref_slice %arg9[%mul3A_19, %dma_start3A_22] : memref<256x256xf32, #tpu.memory_space<hbm>> -> memref<8x256xf32, #tpu.memory_space<hbm>>
    tpu.enqueue_dma source(%dma_start3A_23 : memref<8x256xf32, #tpu.memory_space<hbm>>) target(%arg23 : memref<8x256xf32, #tpu.memory_space<vmem>>) target_semaphore(%arg30 : memref<!tpu.dma_semaphore, #tpu.memory_space<semaphore_mem>>)
    %mul3A_24 = arith.constant 8 : i32
    %mul3A_25 = arith.muli %add3A, %mul3A_24 : i32
    %dma_start3A_26 = arith.constant 0 : i32
    %dma_start3A_27 = tpu.memref_slice %arg10[%mul3A_25, %dma_start3A_26] : memref<256x256xf32, #tpu.memory_space<hbm>> -> memref<8x256xf32, #tpu.memory_space<hbm>>
    %dma_start3A_28 = arith.constant 0 : i32
    %dma_start3A_29 = tpu.memref_slice %arg10[%mul3A_25, %dma_start3A_28] : memref<256x256xf32, #tpu.memory_space<hbm>> -> memref<8x256xf32, #tpu.memory_space<hbm>>
    tpu.enqueue_dma source(%dma_start3A_29 : memref<8x256xf32, #tpu.memory_space<hbm>>) target(%arg24 : memref<8x256xf32, #tpu.memory_space<vmem>>) target_semaphore(%arg30 : memref<!tpu.dma_semaphore, #tpu.memory_space<semaphore_mem>>)
    tpu.enqueue_dma source(%arg11 : memref<16xf32, #tpu.memory_space<hbm>>) target(%arg25 : memref<16xf32, #tpu.memory_space<vmem>>) target_semaphore(%arg30 : memref<!tpu.dma_semaphore, #tpu.memory_space<semaphore_mem>>)
    %dma_wait3A = tpu.memref_slice %arg6[%mul3A_15] : memref<512xf32, #tpu.memory_space<hbm>> -> memref<16xf32, #tpu.memory_space<hbm>>
    %dma_wait3A_30 = tpu.memref_slice %arg6[%mul3A_15] : memref<512xf32, #tpu.memory_space<hbm>> -> memref<16xf32, #tpu.memory_space<hbm>>
    tpu.wait_dma2 semaphore(%arg30 : memref<!tpu.dma_semaphore, #tpu.memory_space<semaphore_mem>>) src(%dma_wait3A_30 : memref<16xf32, #tpu.memory_space<hbm>>) dst(%arg20 : memref<16xf32, #tpu.memory_space<vmem>>)
    tpu.wait_dma2 semaphore(%arg30 : memref<!tpu.dma_semaphore, #tpu.memory_space<semaphore_mem>>) src(%arg7 : memref<256xf32, #tpu.memory_space<hbm>>) dst(%arg21 : memref<256xf32, #tpu.memory_space<vmem>>)
    tpu.wait_dma2 semaphore(%arg30 : memref<!tpu.dma_semaphore, #tpu.memory_space<semaphore_mem>>) src(%arg8 : memref<256xf32, #tpu.memory_space<hbm>>) dst(%arg22 : memref<256xf32, #tpu.memory_space<vmem>>)
    %dma_wait3A_31 = arith.constant 0 : i32
    %dma_wait3A_32 = tpu.memref_slice %arg9[%mul3A_19, %dma_wait3A_31] : memref<256x256xf32, #tpu.memory_space<hbm>> -> memref<8x256xf32, #tpu.memory_space<hbm>>
    %dma_wait3A_33 = arith.constant 0 : i32
    %dma_wait3A_34 = tpu.memref_slice %arg9[%mul3A_19, %dma_wait3A_33] : memref<256x256xf32, #tpu.memory_space<hbm>> -> memref<8x256xf32, #tpu.memory_space<hbm>>
    tpu.wait_dma2 semaphore(%arg30 : memref<!tpu.dma_semaphore, #tpu.memory_space<semaphore_mem>>) src(%dma_wait3A_34 : memref<8x256xf32, #tpu.memory_space<hbm>>) dst(%arg23 : memref<8x256xf32, #tpu.memory_space<vmem>>)
    %dma_wait3A_35 = arith.constant 0 : i32
    %dma_wait3A_36 = tpu.memref_slice %arg10[%mul3A_25, %dma_wait3A_35] : memref<256x256xf32, #tpu.memory_space<hbm>> -> memref<8x256xf32, #tpu.memory_space<hbm>>
    %dma_wait3A_37 = arith.constant 0 : i32
    %dma_wait3A_38 = tpu.memref_slice %arg10[%mul3A_25, %dma_wait3A_37] : memref<256x256xf32, #tpu.memory_space<hbm>> -> memref<8x256xf32, #tpu.memory_space<hbm>>
    tpu.wait_dma2 semaphore(%arg30 : memref<!tpu.dma_semaphore, #tpu.memory_space<semaphore_mem>>) src(%dma_wait3A_38 : memref<8x256xf32, #tpu.memory_space<hbm>>) dst(%arg24 : memref<8x256xf32, #tpu.memory_space<vmem>>)
    tpu.wait_dma2 semaphore(%arg30 : memref<!tpu.dma_semaphore, #tpu.memory_space<semaphore_mem>>) src(%arg11 : memref<16xf32, #tpu.memory_space<hbm>>) dst(%arg25 : memref<16xf32, #tpu.memory_space<vmem>>)
    %get3A = arith.constant 0 : index
    %get3A_39 = tpu.vector_load %arg20[%get3A] {strides = array<i32>} : memref<16xf32, #tpu.memory_space<vmem>>, vector<16xf32>,
    %slice3A = vector.extract_strided_slice %get3A_39 {offsets = [1], sizes = [1], strides = [1]} : vector<16xf32> to vector<1xf32>
    %squeeze3A = vector.extract %slice3A[0] : f32 from vector<1xf32>
    %slice3A_40 = vector.extract_strided_slice %get3A_39 {offsets = [3], sizes = [1], strides = [1]} : vector<16xf32> to vector<1xf32>
    %squeeze3A_41 = vector.extract %slice3A_40[0] : f32 from vector<1xf32>
    %slice3A_42 = vector.extract_strided_slice %get3A_39 {offsets = [5], sizes = [1], strides = [1]} : vector<16xf32> to vector<1xf32>
    %squeeze3A_43 = vector.extract %slice3A_42[0] : f32 from vector<1xf32>
    %slice3A_44 = vector.extract_strided_slice %get3A_39 {offsets = [7], sizes = [1], strides = [1]} : vector<16xf32> to vector<1xf32>
    %squeeze3A_45 = vector.extract %slice3A_44[0] : f32 from vector<1xf32>
    %slice3A_46 = vector.extract_strided_slice %get3A_39 {offsets = [9], sizes = [1], strides = [1]} : vector<16xf32> to vector<1xf32>
    %squeeze3A_47 = vector.extract %slice3A_46[0] : f32 from vector<1xf32>
    %slice3A_48 = vector.extract_strided_slice %get3A_39 {offsets = [11], sizes = [1], strides = [1]} : vector<16xf32> to vector<1xf32>
    %squeeze3A_49 = vector.extract %slice3A_48[0] : f32 from vector<1xf32>
    %slice3A_50 = vector.extract_strided_slice %get3A_39 {offsets = [13], sizes = [1], strides = [1]} : vector<16xf32> to vector<1xf32>
    %squeeze3A_51 = vector.extract %slice3A_50[0] : f32 from vector<1xf32>
    %slice3A_52 = vector.extract_strided_slice %get3A_39 {offsets = [15], sizes = [1], strides = [1]} : vector<16xf32> to vector<1xf32>
    %squeeze3A_53 = vector.extract %slice3A_52[0] : f32 from vector<1xf32>
    %slice3A_54 = vector.extract_strided_slice %get3A_39 {offsets = [0], sizes = [1], strides = [1]} : vector<16xf32> to vector<1xf32>
    %squeeze3A_55 = vector.extract %slice3A_54[0] : f32 from vector<1xf32>
    %slice3A_56 = vector.extract_strided_slice %get3A_39 {offsets = [2], sizes = [1], strides = [1]} : vector<16xf32> to vector<1xf32>
    %squeeze3A_57 = vector.extract %slice3A_56[0] : f32 from vector<1xf32>
    %slice3A_58 = vector.extract_strided_slice %get3A_39 {offsets = [4], sizes = [1], strides = [1]} : vector<16xf32> to vector<1xf32>
    %squeeze3A_59 = vector.extract %slice3A_58[0] : f32 from vector<1xf32>
    %slice3A_60 = vector.extract_strided_slice %get3A_39 {offsets = [6], sizes = [1], strides = [1]} : vector<16xf32> to vector<1xf32>
    %squeeze3A_61 = vector.extract %slice3A_60[0] : f32 from vector<1xf32>
    %slice3A_62 = vector.extract_strided_slice %get3A_39 {offsets = [8], sizes = [1], strides = [1]} : vector<16xf32> to vector<1xf32>
    %squeeze3A_63 = vector.extract %slice3A_62[0] : f32 from vector<1xf32>
    %slice3A_64 = vector.extract_strided_slice %get3A_39 {offsets = [10], sizes = [1], strides = [1]} : vector<16xf32> to vector<1xf32>
    %squeeze3A_65 = vector.extract %slice3A_64[0] : f32 from vector<1xf32>
    %slice3A_66 = vector.extract_strided_slice %get3A_39 {offsets = [12], sizes = [1], strides = [1]} : vector<16xf32> to vector<1xf32>
    %squeeze3A_67 = vector.extract %slice3A_66[0] : f32 from vector<1xf32>
    %slice3A_68 = vector.extract_strided_slice %get3A_39 {offsets = [14], sizes = [1], strides = [1]} : vector<16xf32> to vector<1xf32>
    %squeeze3A_69 = vector.extract %slice3A_68[0] : f32 from vector<1xf32>
    %broadcast_in_dim3A = arith.constant 0.000000e+00 : f32
    %broadcast_in_dim3A_70 = vector.broadcast %broadcast_in_dim3A : f32 to vector<16xf32>
    %broadcast_in_dim3A_71 = arith.constant 0 : i32
    %broadcast_in_dim3A_72 = vector.broadcast %broadcast_in_dim3A_71 : i32 to vector<16xi32>
    %scan3A = arith.constant 0 : i32
    %scan3A_73 = arith.constant 16 : i32
    %scan3A_74 = arith.addi %scan3A, %scan3A_73 : i32
    %scan3A_75 = arith.constant 1 : i32
    %scan3A_76:16 = scf.for %scan3A_609 = %scan3A to %scan3A_74 step %scan3A_75 iter_args(%scan3A_610 = %broadcast_in_dim3A_70, %scan3A_611 = %broadcast_in_dim3A_70, %scan3A_612 = %broadcast_in_dim3A_70, %scan3A_613 = %broadcast_in_dim3A_70, %scan3A_614 = %broadcast_in_dim3A_70, %scan3A_615 = %broadcast_in_dim3A_70, %scan3A_616 = %broadcast_in_dim3A_70, %scan3A_617 = %broadcast_in_dim3A_70, %scan3A_618 = %broadcast_in_dim3A_70, %scan3A_619 = %broadcast_in_dim3A_70, %scan3A_620 = %broadcast_in_dim3A_70, %scan3A_621 = %broadcast_in_dim3A_70, %scan3A_622 = %broadcast_in_dim3A_70, %scan3A_623 = %broadcast_in_dim3A_70, %scan3A_624 = %broadcast_in_dim3A_70, %scan3A_625 = %broadcast_in_dim3A_70) -> (vector<16xf32>, vector<16xf32>, vector<16xf32>, vector<16xf32>, vector<16xf32>, vector<16xf32>, vector<16xf32>, vector<16xf32>, vector<16xf32>, vector<16xf32>, vector<16xf32>, vector<16xf32>, vector<16xf32>, vector<16xf32>, vector<16xf32>, vector<16xf32>)  : i32 {
      %mul3A_626 = arith.constant 16 : i32
      %mul3A_627 = arith.muli %scan3A_609, %mul3A_626 : i32
      %get3A_628 = arith.index_cast %mul3A_627 : i32 to index
      %get3A_629 = tpu.vector_load %arg22[%get3A_628] {strides = array<i32>} : memref<256xf32, #tpu.memory_space<vmem>>, vector<16xf32>,
      %mul3A_630 = arith.constant 16 : i32
      %mul3A_631 = arith.muli %scan3A_609, %mul3A_630 : i32
      %get3A_632 = arith.index_cast %mul3A_631 : i32 to index
      %get3A_633 = tpu.vector_load %arg21[%get3A_632] {strides = array<i32>} : memref<256xf32, #tpu.memory_space<vmem>>, vector<16xf32>,
      %mul3A_634 = arith.constant 16 : i32
      %mul3A_635 = arith.muli %scan3A_609, %mul3A_634 : i32
      %get3A_636 = arith.constant 0 : i32
      %get3A_637 = arith.index_cast %get3A_636 : i32 to index
      %get3A_638 = arith.index_cast %mul3A_635 : i32 to index
      %get3A_639 = tpu.vector_load %arg23[%get3A_637, %get3A_638] {strides = array<i32>} : memref<8x256xf32, #tpu.memory_space<vmem>>, vector<16xf32>,
      %mul3A_640 = arith.constant 16 : i32
      %mul3A_641 = arith.muli %scan3A_609, %mul3A_640 : i32
      %get3A_642 = arith.constant 0 : i32
      %get3A_643 = arith.index_cast %get3A_642 : i32 to index
      %get3A_644 = arith.index_cast %mul3A_641 : i32 to index
      %get3A_645 = tpu.vector_load %arg24[%get3A_643, %get3A_644] {strides = array<i32>} : memref<8x256xf32, #tpu.memory_space<vmem>>, vector<16xf32>,
      %sub3A_646 = vector.broadcast %squeeze3A : f32 to vector<16xf32>
      %sub3A_647 = arith.subf %get3A_629, %sub3A_646 : vector<16xf32>
      %sub3A_648 = vector.broadcast %squeeze3A_55 : f32 to vector<16xf32>
      %sub3A_649 = arith.subf %get3A_633, %sub3A_648 : vector<16xf32>
      %mul3A_650 = arith.mulf %sub3A_647, %get3A_639 : vector<16xf32>
      %mul3A_651 = arith.mulf %sub3A_649, %get3A_639 : vector<16xf32>
      %mul3A_652 = arith.mulf %mul3A_650, %mul3A_650 : vector<16xf32>
      %mul3A_653 = arith.mulf %mul3A_651, %mul3A_651 : vector<16xf32>
      %add3A_654 = arith.addf %mul3A_652, %mul3A_653 : vector<16xf32>
      %mul3A_655 = arith.mulf %get3A_645, %get3A_645 : vector<16xf32>
      %sub3A_656 = arith.subf %add3A_654, %mul3A_655 : vector<16xf32>
      %mul3A_657 = arith.mulf %sub3A_647, %sub3A_656 : vector<16xf32>
      %add3A_658 = arith.addf %scan3A_610, %mul3A_657 : vector<16xf32>
      %mul3A_659 = arith.mulf %sub3A_649, %sub3A_656 : vector<16xf32>
      %add3A_660 = arith.addf %scan3A_618, %mul3A_659 : vector<16xf32>
      %mul3A_661 = arith.constant 16 : i32
      %mul3A_662 = arith.muli %scan3A_609, %mul3A_661 : i32
      %get3A_663 = arith.constant 1 : i32
      %get3A_664 = arith.index_cast %get3A_663 : i32 to index
      %get3A_665 = arith.index_cast %mul3A_662 : i32 to index
      %get3A_666 = tpu.vector_load %arg23[%get3A_664, %get3A_665] {strides = array<i32>} : memref<8x256xf32, #tpu.memory_space<vmem>>, vector<16xf32>,
      %mul3A_667 = arith.constant 16 : i32
      %mul3A_668 = arith.muli %scan3A_609, %mul3A_667 : i32
      %get3A_669 = arith.constant 1 : i32
      %get3A_670 = arith.index_cast %get3A_669 : i32 to index
      %get3A_671 = arith.index_cast %mul3A_668 : i32 to index
      %get3A_672 = tpu.vector_load %arg24[%get3A_670, %get3A_671] {strides = array<i32>} : memref<8x256xf32, #tpu.memory_space<vmem>>, vector<16xf32>,
      %sub3A_673 = vector.broadcast %squeeze3A_41 : f32 to vector<16xf32>
      %sub3A_674 = arith.subf %get3A_629, %sub3A_673 : vector<16xf32>
      %sub3A_675 = vector.broadcast %squeeze3A_57 : f32 to vector<16xf32>
      %sub3A_676 = arith.subf %get3A_633, %sub3A_675 : vector<16xf32>
      %mul3A_677 = arith.mulf %sub3A_674, %get3A_666 : vector<16xf32>
      %mul3A_678 = arith.mulf %sub3A_676, %get3A_666 : vector<16xf32>
      %mul3A_679 = arith.mulf %mul3A_677, %mul3A_677 : vector<16xf32>
      %mul3A_680 = arith.mulf %mul3A_678, %mul3A_678 : vector<16xf32>
      %add3A_681 = arith.addf %mul3A_679, %mul3A_680 : vector<16xf32>
      %mul3A_682 = arith.mulf %get3A_672, %get3A_672 : vector<16xf32>
      %sub3A_683 = arith.subf %add3A_681, %mul3A_682 : vector<16xf32>
      %mul3A_684 = arith.mulf %sub3A_674, %sub3A_683 : vector<16xf32>
      %add3A_685 = arith.addf %scan3A_611, %mul3A_684 : vector<16xf32>
      %mul3A_686 = arith.mulf %sub3A_676, %sub3A_683 : vector<16xf32>
      %add3A_687 = arith.addf %scan3A_619, %mul3A_686 : vector<16xf32>
      %mul3A_688 = arith.constant 16 : i32
      %mul3A_689 = arith.muli %scan3A_609, %mul3A_688 : i32
      %get3A_690 = arith.constant 2 : i32
      %get3A_691 = arith.index_cast %get3A_690 : i32 to index
      %get3A_692 = arith.index_cast %mul3A_689 : i32 to index
      %get3A_693 = tpu.vector_load %arg23[%get3A_691, %get3A_692] {strides = array<i32>} : memref<8x256xf32, #tpu.memory_space<vmem>>, vector<16xf32>,
      %mul3A_694 = arith.constant 16 : i32
      %mul3A_695 = arith.muli %scan3A_609, %mul3A_694 : i32
      %get3A_696 = arith.constant 2 : i32
      %get3A_697 = arith.index_cast %get3A_696 : i32 to index
      %get3A_698 = arith.index_cast %mul3A_695 : i32 to index
      %get3A_699 = tpu.vector_load %arg24[%get3A_697, %get3A_698] {strides = array<i32>} : memref<8x256xf32, #tpu.memory_space<vmem>>, vector<16xf32>,
      %sub3A_700 = vector.broadcast %squeeze3A_43 : f32 to vector<16xf32>
      %sub3A_701 = arith.subf %get3A_629, %sub3A_700 : vector<16xf32>
      %sub3A_702 = vector.broadcast %squeeze3A_59 : f32 to vector<16xf32>
      %sub3A_703 = arith.subf %get3A_633, %sub3A_702 : vector<16xf32>
      %mul3A_704 = arith.mulf %sub3A_701, %get3A_693 : vector<16xf32>
      %mul3A_705 = arith.mulf %sub3A_703, %get3A_693 : vector<16xf32>
      %mul3A_706 = arith.mulf %mul3A_704, %mul3A_704 : vector<16xf32>
      %mul3A_707 = arith.mulf %mul3A_705, %mul3A_705 : vector<16xf32>
      %add3A_708 = arith.addf %mul3A_706, %mul3A_707 : vector<16xf32>
      %mul3A_709 = arith.mulf %get3A_699, %get3A_699 : vector<16xf32>
      %sub3A_710 = arith.subf %add3A_708, %mul3A_709 : vector<16xf32>
      %mul3A_711 = arith.mulf %sub3A_701, %sub3A_710 : vector<16xf32>
      %add3A_712 = arith.addf %scan3A_612, %mul3A_711 : vector<16xf32>
      %mul3A_713 = arith.mulf %sub3A_703, %sub3A_710 : vector<16xf32>
      %add3A_714 = arith.addf %scan3A_620, %mul3A_713 : vector<16xf32>
      %mul3A_715 = arith.constant 16 : i32
      %mul3A_716 = arith.muli %scan3A_609, %mul3A_715 : i32
      %get3A_717 = arith.constant 3 : i32
      %get3A_718 = arith.index_cast %get3A_717 : i32 to index
      %get3A_719 = arith.index_cast %mul3A_716 : i32 to index
      %get3A_720 = tpu.vector_load %arg23[%get3A_718, %get3A_719] {strides = array<i32>} : memref<8x256xf32, #tpu.memory_space<vmem>>, vector<16xf32>,
      %mul3A_721 = arith.constant 16 : i32
      %mul3A_722 = arith.muli %scan3A_609, %mul3A_721 : i32
      %get3A_723 = arith.constant 3 : i32
      %get3A_724 = arith.index_cast %get3A_723 : i32 to index
      %get3A_725 = arith.index_cast %mul3A_722 : i32 to index
      %get3A_726 = tpu.vector_load %arg24[%get3A_724, %get3A_725] {strides = array<i32>} : memref<8x256xf32, #tpu.memory_space<vmem>>, vector<16xf32>,
      %sub3A_727 = vector.broadcast %squeeze3A_45 : f32 to vector<16xf32>
      %sub3A_728 = arith.subf %get3A_629, %sub3A_727 : vector<16xf32>
      %sub3A_729 = vector.broadcast %squeeze3A_61 : f32 to vector<16xf32>
      %sub3A_730 = arith.subf %get3A_633, %sub3A_729 : vector<16xf32>
      %mul3A_731 = arith.mulf %sub3A_728, %get3A_720 : vector<16xf32>
      %mul3A_732 = arith.mulf %sub3A_730, %get3A_720 : vector<16xf32>
      %mul3A_733 = arith.mulf %mul3A_731, %mul3A_731 : vector<16xf32>
      %mul3A_734 = arith.mulf %mul3A_732, %mul3A_732 : vector<16xf32>
      %add3A_735 = arith.addf %mul3A_733, %mul3A_734 : vector<16xf32>
      %mul3A_736 = arith.mulf %get3A_726, %get3A_726 : vector<16xf32>
      %sub3A_737 = arith.subf %add3A_735, %mul3A_736 : vector<16xf32>
      %mul3A_738 = arith.mulf %sub3A_728, %sub3A_737 : vector<16xf32>
      %add3A_739 = arith.addf %scan3A_613, %mul3A_738 : vector<16xf32>
      %mul3A_740 = arith.mulf %sub3A_730, %sub3A_737 : vector<16xf32>
      %add3A_741 = arith.addf %scan3A_621, %mul3A_740 : vector<16xf32>
      %mul3A_742 = arith.constant 16 : i32
      %mul3A_743 = arith.muli %scan3A_609, %mul3A_742 : i32
      %get3A_744 = arith.constant 4 : i32
      %get3A_745 = arith.index_cast %get3A_744 : i32 to index
      %get3A_746 = arith.index_cast %mul3A_743 : i32 to index
      %get3A_747 = tpu.vector_load %arg23[%get3A_745, %get3A_746] {strides = array<i32>} : memref<8x256xf32, #tpu.memory_space<vmem>>, vector<16xf32>,
      %mul3A_748 = arith.constant 16 : i32
      %mul3A_749 = arith.muli %scan3A_609, %mul3A_748 : i32
      %get3A_750 = arith.constant 4 : i32
      %get3A_751 = arith.index_cast %get3A_750 : i32 to index
      %get3A_752 = arith.index_cast %mul3A_749 : i32 to index
      %get3A_753 = tpu.vector_load %arg24[%get3A_751, %get3A_752] {strides = array<i32>} : memref<8x256xf32, #tpu.memory_space<vmem>>, vector<16xf32>,
      %sub3A_754 = vector.broadcast %squeeze3A_47 : f32 to vector<16xf32>
      %sub3A_755 = arith.subf %get3A_629, %sub3A_754 : vector<16xf32>
      %sub3A_756 = vector.broadcast %squeeze3A_63 : f32 to vector<16xf32>
      %sub3A_757 = arith.subf %get3A_633, %sub3A_756 : vector<16xf32>
      %mul3A_758 = arith.mulf %sub3A_755, %get3A_747 : vector<16xf32>
      %mul3A_759 = arith.mulf %sub3A_757, %get3A_747 : vector<16xf32>
      %mul3A_760 = arith.mulf %mul3A_758, %mul3A_758 : vector<16xf32>
      %mul3A_761 = arith.mulf %mul3A_759, %mul3A_759 : vector<16xf32>
      %add3A_762 = arith.addf %mul3A_760, %mul3A_761 : vector<16xf32>
      %mul3A_763 = arith.mulf %get3A_753, %get3A_753 : vector<16xf32>
      %sub3A_764 = arith.subf %add3A_762, %mul3A_763 : vector<16xf32>
      %mul3A_765 = arith.mulf %sub3A_755, %sub3A_764 : vector<16xf32>
      %add3A_766 = arith.addf %scan3A_614, %mul3A_765 : vector<16xf32>
      %mul3A_767 = arith.mulf %sub3A_757, %sub3A_764 : vector<16xf32>
      %add3A_768 = arith.addf %scan3A_622, %mul3A_767 : vector<16xf32>
      %mul3A_769 = arith.constant 16 : i32
      %mul3A_770 = arith.muli %scan3A_609, %mul3A_769 : i32
      %get3A_771 = arith.constant 5 : i32
      %get3A_772 = arith.index_cast %get3A_771 : i32 to index
      %get3A_773 = arith.index_cast %mul3A_770 : i32 to index
      %get3A_774 = tpu.vector_load %arg23[%get3A_772, %get3A_773] {strides = array<i32>} : memref<8x256xf32, #tpu.memory_space<vmem>>, vector<16xf32>,
      %mul3A_775 = arith.constant 16 : i32
      %mul3A_776 = arith.muli %scan3A_609, %mul3A_775 : i32
      %get3A_777 = arith.constant 5 : i32
      %get3A_778 = arith.index_cast %get3A_777 : i32 to index
      %get3A_779 = arith.index_cast %mul3A_776 : i32 to index
      %get3A_780 = tpu.vector_load %arg24[%get3A_778, %get3A_779] {strides = array<i32>} : memref<8x256xf32, #tpu.memory_space<vmem>>, vector<16xf32>,
      %sub3A_781 = vector.broadcast %squeeze3A_49 : f32 to vector<16xf32>
      %sub3A_782 = arith.subf %get3A_629, %sub3A_781 : vector<16xf32>
      %sub3A_783 = vector.broadcast %squeeze3A_65 : f32 to vector<16xf32>
      %sub3A_784 = arith.subf %get3A_633, %sub3A_783 : vector<16xf32>
      %mul3A_785 = arith.mulf %sub3A_782, %get3A_774 : vector<16xf32>
      %mul3A_786 = arith.mulf %sub3A_784, %get3A_774 : vector<16xf32>
      %mul3A_787 = arith.mulf %mul3A_785, %mul3A_785 : vector<16xf32>
      %mul3A_788 = arith.mulf %mul3A_786, %mul3A_786 : vector<16xf32>
      %add3A_789 = arith.addf %mul3A_787, %mul3A_788 : vector<16xf32>
      %mul3A_790 = arith.mulf %get3A_780, %get3A_780 : vector<16xf32>
      %sub3A_791 = arith.subf %add3A_789, %mul3A_790 : vector<16xf32>
      %mul3A_792 = arith.mulf %sub3A_782, %sub3A_791 : vector<16xf32>
      %add3A_793 = arith.addf %scan3A_615, %mul3A_792 : vector<16xf32>
      %mul3A_794 = arith.mulf %sub3A_784, %sub3A_791 : vector<16xf32>
      %add3A_795 = arith.addf %scan3A_623, %mul3A_794 : vector<16xf32>
      %mul3A_796 = arith.constant 16 : i32
      %mul3A_797 = arith.muli %scan3A_609, %mul3A_796 : i32
      %get3A_798 = arith.constant 6 : i32
      %get3A_799 = arith.index_cast %get3A_798 : i32 to index
      %get3A_800 = arith.index_cast %mul3A_797 : i32 to index
      %get3A_801 = tpu.vector_load %arg23[%get3A_799, %get3A_800] {strides = array<i32>} : memref<8x256xf32, #tpu.memory_space<vmem>>, vector<16xf32>,
      %mul3A_802 = arith.constant 16 : i32
      %mul3A_803 = arith.muli %scan3A_609, %mul3A_802 : i32
      %get3A_804 = arith.constant 6 : i32
      %get3A_805 = arith.index_cast %get3A_804 : i32 to index
      %get3A_806 = arith.index_cast %mul3A_803 : i32 to index
      %get3A_807 = tpu.vector_load %arg24[%get3A_805, %get3A_806] {strides = array<i32>} : memref<8x256xf32, #tpu.memory_space<vmem>>, vector<16xf32>,
      %sub3A_808 = vector.broadcast %squeeze3A_51 : f32 to vector<16xf32>
      %sub3A_809 = arith.subf %get3A_629, %sub3A_808 : vector<16xf32>
      %sub3A_810 = vector.broadcast %squeeze3A_67 : f32 to vector<16xf32>
      %sub3A_811 = arith.subf %get3A_633, %sub3A_810 : vector<16xf32>
      %mul3A_812 = arith.mulf %sub3A_809, %get3A_801 : vector<16xf32>
      %mul3A_813 = arith.mulf %sub3A_811, %get3A_801 : vector<16xf32>
      %mul3A_814 = arith.mulf %mul3A_812, %mul3A_812 : vector<16xf32>
      %mul3A_815 = arith.mulf %mul3A_813, %mul3A_813 : vector<16xf32>
      %add3A_816 = arith.addf %mul3A_814, %mul3A_815 : vector<16xf32>
      %mul3A_817 = arith.mulf %get3A_807, %get3A_807 : vector<16xf32>
      %sub3A_818 = arith.subf %add3A_816, %mul3A_817 : vector<16xf32>
      %mul3A_819 = arith.mulf %sub3A_809, %sub3A_818 : vector<16xf32>
      %add3A_820 = arith.addf %scan3A_616, %mul3A_819 : vector<16xf32>
      %mul3A_821 = arith.mulf %sub3A_811, %sub3A_818 : vector<16xf32>
      %add3A_822 = arith.addf %scan3A_624, %mul3A_821 : vector<16xf32>
      %mul3A_823 = arith.constant 16 : i32
      %mul3A_824 = arith.muli %scan3A_609, %mul3A_823 : i32
      %get3A_825 = arith.constant 7 : i32
      %get3A_826 = arith.index_cast %get3A_825 : i32 to index
      %get3A_827 = arith.index_cast %mul3A_824 : i32 to index
      %get3A_828 = tpu.vector_load %arg23[%get3A_826, %get3A_827] {strides = array<i32>} : memref<8x256xf32, #tpu.memory_space<vmem>>, vector<16xf32>,
      %mul3A_829 = arith.constant 16 : i32
      %mul3A_830 = arith.muli %scan3A_609, %mul3A_829 : i32
      %get3A_831 = arith.constant 7 : i32
      %get3A_832 = arith.index_cast %get3A_831 : i32 to index
      %get3A_833 = arith.index_cast %mul3A_830 : i32 to index
      %get3A_834 = tpu.vector_load %arg24[%get3A_832, %get3A_833] {strides = array<i32>} : memref<8x256xf32, #tpu.memory_space<vmem>>, vector<16xf32>,
      %sub3A_835 = vector.broadcast %squeeze3A_53 : f32 to vector<16xf32>
      %sub3A_836 = arith.subf %get3A_629, %sub3A_835 : vector<16xf32>
      %sub3A_837 = vector.broadcast %squeeze3A_69 : f32 to vector<16xf32>
      %sub3A_838 = arith.subf %get3A_633, %sub3A_837 : vector<16xf32>
      %mul3A_839 = arith.mulf %sub3A_836, %get3A_828 : vector<16xf32>
      %mul3A_840 = arith.mulf %sub3A_838, %get3A_828 : vector<16xf32>
      %mul3A_841 = arith.mulf %mul3A_839, %mul3A_839 : vector<16xf32>
      %mul3A_842 = arith.mulf %mul3A_840, %mul3A_840 : vector<16xf32>
      %add3A_843 = arith.addf %mul3A_841, %mul3A_842 : vector<16xf32>
      %mul3A_844 = arith.mulf %get3A_834, %get3A_834 : vector<16xf32>
      %sub3A_845 = arith.subf %add3A_843, %mul3A_844 : vector<16xf32>
      %mul3A_846 = arith.mulf %sub3A_836, %sub3A_845 : vector<16xf32>
      %add3A_847 = arith.addf %scan3A_617, %mul3A_846 : vector<16xf32>
      %mul3A_848 = arith.mulf %sub3A_838, %sub3A_845 : vector<16xf32>
      %add3A_849 = arith.addf %scan3A_625, %mul3A_848 : vector<16xf32>
      scf.yield %add3A_658, %add3A_685, %add3A_712, %add3A_739, %add3A_766, %add3A_793, %add3A_820, %add3A_847, %add3A_660, %add3A_687, %add3A_714, %add3A_741, %add3A_768, %add3A_795, %add3A_822, %add3A_849 : vector<16xf32>, vector<16xf32>, vector<16xf32>, vector<16xf32>, vector<16xf32>, vector<16xf32>, vector<16xf32>, vector<16xf32>, vector<16xf32>, vector<16xf32>, vector<16xf32>, vector<16xf32>, vector<16xf32>, vector<16xf32>, vector<16xf32>, vector<16xf32>
    }
    %scan3A_77 = arith.constant 16 : i32
    %iota3A = tpu.iota {dimensions = array<i32: 0>} : vector<16xi32>
    %eq3A = arith.constant 0 : i32
    %eq3A_78 = vector.broadcast %eq3A : i32 to vector<16xi32>
    %eq3A_79 = arith.cmpi eq, %iota3A, %eq3A_78 : vector<16xi32>
    %reduce_sum3A = arith.constant true
    %reduce_sum3A_80 = vector.broadcast %reduce_sum3A : i1 to vector<16xi1>
    %reduce_sum3A_81 = tpu.scan <sum>, %scan3A_76#0 masked %reduce_sum3A_80 : vector<16xf32>, vector<16xi1> -> vector<16xf32>
    %reduce_sum3A_82 = vector.extract %reduce_sum3A_81[15] : f32 from vector<16xf32>
    %broadcast_in_dim3A_83 = vector.broadcast %reduce_sum3A_82 : f32 to vector<16xf32>
    %select_n3A = arith.select %eq3A_79, %broadcast_in_dim3A_83, %broadcast_in_dim3A_70 : vector<16xi1>, vector<16xf32>
    %eq3A_84 = arith.constant 0 : i32
    %eq3A_85 = vector.broadcast %eq3A_84 : i32 to vector<16xi32>
    %eq3A_86 = arith.cmpi eq, %iota3A, %eq3A_85 : vector<16xi32>
    %reduce_sum3A_87 = arith.constant true
    %reduce_sum3A_88 = vector.broadcast %reduce_sum3A_87 : i1 to vector<16xi1>
    %reduce_sum3A_89 = tpu.scan <sum>, %scan3A_76#8 masked %reduce_sum3A_88 : vector<16xf32>, vector<16xi1> -> vector<16xf32>
    %reduce_sum3A_90 = vector.extract %reduce_sum3A_89[15] : f32 from vector<16xf32>
    %broadcast_in_dim3A_91 = vector.broadcast %reduce_sum3A_90 : f32 to vector<16xf32>
    %select_n3A_92 = arith.select %eq3A_86, %broadcast_in_dim3A_91, %broadcast_in_dim3A_70 : vector<16xi1>, vector<16xf32>
    %eq3A_93 = arith.constant 0 : i32
    %eq3A_94 = vector.broadcast %eq3A_93 : i32 to vector<16xi32>
    %eq3A_95 = arith.cmpi eq, %iota3A, %eq3A_94 : vector<16xi32>
    %slice3A_96 = vector.extract_strided_slice %get3A_39 {offsets = [0], sizes = [1], strides = [1]} : vector<16xf32> to vector<1xf32>
    %squeeze3A_97 = vector.extract %slice3A_96[0] : f32 from vector<1xf32>
    %broadcast_in_dim3A_98 = vector.broadcast %squeeze3A_97 : f32 to vector<16xf32>
    %select_n3A_99 = arith.select %eq3A_95, %broadcast_in_dim3A_98, %broadcast_in_dim3A_70 : vector<16xi1>, vector<16xf32>
    %eq3A_100 = arith.constant 0 : i32
    %eq3A_101 = vector.broadcast %eq3A_100 : i32 to vector<16xi32>
    %eq3A_102 = arith.cmpi eq, %iota3A, %eq3A_101 : vector<16xi32>
    %slice3A_103 = vector.extract_strided_slice %get3A_39 {offsets = [1], sizes = [1], strides = [1]} : vector<16xf32> to vector<1xf32>
    %squeeze3A_104 = vector.extract %slice3A_103[0] : f32 from vector<1xf32>
    %broadcast_in_dim3A_105 = vector.broadcast %squeeze3A_104 : f32 to vector<16xf32>
    %select_n3A_106 = arith.select %eq3A_102, %broadcast_in_dim3A_105, %broadcast_in_dim3A_70 : vector<16xi1>, vector<16xf32>
    %eq3A_107 = arith.constant 1 : i32
    %eq3A_108 = vector.broadcast %eq3A_107 : i32 to vector<16xi32>
    %eq3A_109 = arith.cmpi eq, %iota3A, %eq3A_108 : vector<16xi32>
    %reduce_sum3A_110 = arith.constant true
    %reduce_sum3A_111 = vector.broadcast %reduce_sum3A_110 : i1 to vector<16xi1>
    %reduce_sum3A_112 = tpu.scan <sum>, %scan3A_76#1 masked %reduce_sum3A_111 : vector<16xf32>, vector<16xi1> -> vector<16xf32>
    %reduce_sum3A_113 = vector.extract %reduce_sum3A_112[15] : f32 from vector<16xf32>
    %broadcast_in_dim3A_114 = vector.broadcast %reduce_sum3A_113 : f32 to vector<16xf32>
    %select_n3A_115 = arith.select %eq3A_109, %broadcast_in_dim3A_114, %select_n3A : vector<16xi1>, vector<16xf32>
    %eq3A_116 = arith.constant 1 : i32
    %eq3A_117 = vector.broadcast %eq3A_116 : i32 to vector<16xi32>
    %eq3A_118 = arith.cmpi eq, %iota3A, %eq3A_117 : vector<16xi32>
    %reduce_sum3A_119 = arith.constant true
    %reduce_sum3A_120 = vector.broadcast %reduce_sum3A_119 : i1 to vector<16xi1>
    %reduce_sum3A_121 = tpu.scan <sum>, %scan3A_76#9 masked %reduce_sum3A_120 : vector<16xf32>, vector<16xi1> -> vector<16xf32>
    %reduce_sum3A_122 = vector.extract %reduce_sum3A_121[15] : f32 from vector<16xf32>
    %broadcast_in_dim3A_123 = vector.broadcast %reduce_sum3A_122 : f32 to vector<16xf32>
    %select_n3A_124 = arith.select %eq3A_118, %broadcast_in_dim3A_123, %select_n3A_92 : vector<16xi1>, vector<16xf32>
    %eq3A_125 = arith.constant 1 : i32
    %eq3A_126 = vector.broadcast %eq3A_125 : i32 to vector<16xi32>
    %eq3A_127 = arith.cmpi eq, %iota3A, %eq3A_126 : vector<16xi32>
    %slice3A_128 = vector.extract_strided_slice %get3A_39 {offsets = [2], sizes = [1], strides = [1]} : vector<16xf32> to vector<1xf32>
    %squeeze3A_129 = vector.extract %slice3A_128[0] : f32 from vector<1xf32>
    %broadcast_in_dim3A_130 = vector.broadcast %squeeze3A_129 : f32 to vector<16xf32>
    %select_n3A_131 = arith.select %eq3A_127, %broadcast_in_dim3A_130, %select_n3A_99 : vector<16xi1>, vector<16xf32>
    %eq3A_132 = arith.constant 1 : i32
    %eq3A_133 = vector.broadcast %eq3A_132 : i32 to vector<16xi32>
    %eq3A_134 = arith.cmpi eq, %iota3A, %eq3A_133 : vector<16xi32>
    %slice3A_135 = vector.extract_strided_slice %get3A_39 {offsets = [3], sizes = [1], strides = [1]} : vector<16xf32> to vector<1xf32>
    %squeeze3A_136 = vector.extract %slice3A_135[0] : f32 from vector<1xf32>
    %broadcast_in_dim3A_137 = vector.broadcast %squeeze3A_136 : f32 to vector<16xf32>
    %select_n3A_138 = arith.select %eq3A_134, %broadcast_in_dim3A_137, %select_n3A_106 : vector<16xi1>, vector<16xf32>
    %eq3A_139 = arith.constant 2 : i32
    %eq3A_140 = vector.broadcast %eq3A_139 : i32 to vector<16xi32>
    %eq3A_141 = arith.cmpi eq, %iota3A, %eq3A_140 : vector<16xi32>
    %reduce_sum3A_142 = arith.constant true
    %reduce_sum3A_143 = vector.broadcast %reduce_sum3A_142 : i1 to vector<16xi1>
    %reduce_sum3A_144 = tpu.scan <sum>, %scan3A_76#2 masked %reduce_sum3A_143 : vector<16xf32>, vector<16xi1> -> vector<16xf32>
    %reduce_sum3A_145 = vector.extract %reduce_sum3A_144[15] : f32 from vector<16xf32>
    %broadcast_in_dim3A_146 = vector.broadcast %reduce_sum3A_145 : f32 to vector<16xf32>
    %select_n3A_147 = arith.select %eq3A_141, %broadcast_in_dim3A_146, %select_n3A_115 : vector<16xi1>, vector<16xf32>
    %eq3A_148 = arith.constant 2 : i32
    %eq3A_149 = vector.broadcast %eq3A_148 : i32 to vector<16xi32>
    %eq3A_150 = arith.cmpi eq, %iota3A, %eq3A_149 : vector<16xi32>
    %reduce_sum3A_151 = arith.constant true
    %reduce_sum3A_152 = vector.broadcast %reduce_sum3A_151 : i1 to vector<16xi1>
    %reduce_sum3A_153 = tpu.scan <sum>, %scan3A_76#10 masked %reduce_sum3A_152 : vector<16xf32>, vector<16xi1> -> vector<16xf32>
    %reduce_sum3A_154 = vector.extract %reduce_sum3A_153[15] : f32 from vector<16xf32>
    %broadcast_in_dim3A_155 = vector.broadcast %reduce_sum3A_154 : f32 to vector<16xf32>
    %select_n3A_156 = arith.select %eq3A_150, %broadcast_in_dim3A_155, %select_n3A_124 : vector<16xi1>, vector<16xf32>
    %eq3A_157 = arith.constant 2 : i32
    %eq3A_158 = vector.broadcast %eq3A_157 : i32 to vector<16xi32>
    %eq3A_159 = arith.cmpi eq, %iota3A, %eq3A_158 : vector<16xi32>
    %slice3A_160 = vector.extract_strided_slice %get3A_39 {offsets = [4], sizes = [1], strides = [1]} : vector<16xf32> to vector<1xf32>
    %squeeze3A_161 = vector.extract %slice3A_160[0] : f32 from vector<1xf32>
    %broadcast_in_dim3A_162 = vector.broadcast %squeeze3A_161 : f32 to vector<16xf32>
    %select_n3A_163 = arith.select %eq3A_159, %broadcast_in_dim3A_162, %select_n3A_131 : vector<16xi1>, vector<16xf32>
    %eq3A_164 = arith.constant 2 : i32
    %eq3A_165 = vector.broadcast %eq3A_164 : i32 to vector<16xi32>
    %eq3A_166 = arith.cmpi eq, %iota3A, %eq3A_165 : vector<16xi32>
    %slice3A_167 = vector.extract_strided_slice %get3A_39 {offsets = [5], sizes = [1], strides = [1]} : vector<16xf32> to vector<1xf32>
    %squeeze3A_168 = vector.extract %slice3A_167[0] : f32 from vector<1xf32>
    %broadcast_in_dim3A_169 = vector.broadcast %squeeze3A_168 : f32 to vector<16xf32>
    %select_n3A_170 = arith.select %eq3A_166, %broadcast_in_dim3A_169, %select_n3A_138 : vector<16xi1>, vector<16xf32>
    %eq3A_171 = arith.constant 3 : i32
    %eq3A_172 = vector.broadcast %eq3A_171 : i32 to vector<16xi32>
    %eq3A_173 = arith.cmpi eq, %iota3A, %eq3A_172 : vector<16xi32>
    %reduce_sum3A_174 = arith.constant true
    %reduce_sum3A_175 = vector.broadcast %reduce_sum3A_174 : i1 to vector<16xi1>
    %reduce_sum3A_176 = tpu.scan <sum>, %scan3A_76#3 masked %reduce_sum3A_175 : vector<16xf32>, vector<16xi1> -> vector<16xf32>
    %reduce_sum3A_177 = vector.extract %reduce_sum3A_176[15] : f32 from vector<16xf32>
    %broadcast_in_dim3A_178 = vector.broadcast %reduce_sum3A_177 : f32 to vector<16xf32>
    %select_n3A_179 = arith.select %eq3A_173, %broadcast_in_dim3A_178, %select_n3A_147 : vector<16xi1>, vector<16xf32>
    %eq3A_180 = arith.constant 3 : i32
    %eq3A_181 = vector.broadcast %eq3A_180 : i32 to vector<16xi32>
    %eq3A_182 = arith.cmpi eq, %iota3A, %eq3A_181 : vector<16xi32>
    %reduce_sum3A_183 = arith.constant true
    %reduce_sum3A_184 = vector.broadcast %reduce_sum3A_183 : i1 to vector<16xi1>
    %reduce_sum3A_185 = tpu.scan <sum>, %scan3A_76#11 masked %reduce_sum3A_184 : vector<16xf32>, vector<16xi1> -> vector<16xf32>
    %reduce_sum3A_186 = vector.extract %reduce_sum3A_185[15] : f32 from vector<16xf32>
    %broadcast_in_dim3A_187 = vector.broadcast %reduce_sum3A_186 : f32 to vector<16xf32>
    %select_n3A_188 = arith.select %eq3A_182, %broadcast_in_dim3A_187, %select_n3A_156 : vector<16xi1>, vector<16xf32>
    %eq3A_189 = arith.constant 3 : i32
    %eq3A_190 = vector.broadcast %eq3A_189 : i32 to vector<16xi32>
    %eq3A_191 = arith.cmpi eq, %iota3A, %eq3A_190 : vector<16xi32>
    %slice3A_192 = vector.extract_strided_slice %get3A_39 {offsets = [6], sizes = [1], strides = [1]} : vector<16xf32> to vector<1xf32>
    %squeeze3A_193 = vector.extract %slice3A_192[0] : f32 from vector<1xf32>
    %broadcast_in_dim3A_194 = vector.broadcast %squeeze3A_193 : f32 to vector<16xf32>
    %select_n3A_195 = arith.select %eq3A_191, %broadcast_in_dim3A_194, %select_n3A_163 : vector<16xi1>, vector<16xf32>
    %eq3A_196 = arith.constant 3 : i32
    %eq3A_197 = vector.broadcast %eq3A_196 : i32 to vector<16xi32>
    %eq3A_198 = arith.cmpi eq, %iota3A, %eq3A_197 : vector<16xi32>
    %slice3A_199 = vector.extract_strided_slice %get3A_39 {offsets = [7], sizes = [1], strides = [1]} : vector<16xf32> to vector<1xf32>
    %squeeze3A_200 = vector.extract %slice3A_199[0] : f32 from vector<1xf32>
    %broadcast_in_dim3A_201 = vector.broadcast %squeeze3A_200 : f32 to vector<16xf32>
    %select_n3A_202 = arith.select %eq3A_198, %broadcast_in_dim3A_201, %select_n3A_170 : vector<16xi1>, vector<16xf32>
    %eq3A_203 = arith.constant 4 : i32
    %eq3A_204 = vector.broadcast %eq3A_203 : i32 to vector<16xi32>
    %eq3A_205 = arith.cmpi eq, %iota3A, %eq3A_204 : vector<16xi32>
    %reduce_sum3A_206 = arith.constant true
    %reduce_sum3A_207 = vector.broadcast %reduce_sum3A_206 : i1 to vector<16xi1>
    %reduce_sum3A_208 = tpu.scan <sum>, %scan3A_76#4 masked %reduce_sum3A_207 : vector<16xf32>, vector<16xi1> -> vector<16xf32>
    %reduce_sum3A_209 = vector.extract %reduce_sum3A_208[15] : f32 from vector<16xf32>
    %broadcast_in_dim3A_210 = vector.broadcast %reduce_sum3A_209 : f32 to vector<16xf32>
    %select_n3A_211 = arith.select %eq3A_205, %broadcast_in_dim3A_210, %select_n3A_179 : vector<16xi1>, vector<16xf32>
    %eq3A_212 = arith.constant 4 : i32
    %eq3A_213 = vector.broadcast %eq3A_212 : i32 to vector<16xi32>
    %eq3A_214 = arith.cmpi eq, %iota3A, %eq3A_213 : vector<16xi32>
    %reduce_sum3A_215 = arith.constant true
    %reduce_sum3A_216 = vector.broadcast %reduce_sum3A_215 : i1 to vector<16xi1>
    %reduce_sum3A_217 = tpu.scan <sum>, %scan3A_76#12 masked %reduce_sum3A_216 : vector<16xf32>, vector<16xi1> -> vector<16xf32>
    %reduce_sum3A_218 = vector.extract %reduce_sum3A_217[15] : f32 from vector<16xf32>
    %broadcast_in_dim3A_219 = vector.broadcast %reduce_sum3A_218 : f32 to vector<16xf32>
    %select_n3A_220 = arith.select %eq3A_214, %broadcast_in_dim3A_219, %select_n3A_188 : vector<16xi1>, vector<16xf32>
    %eq3A_221 = arith.constant 4 : i32
    %eq3A_222 = vector.broadcast %eq3A_221 : i32 to vector<16xi32>
    %eq3A_223 = arith.cmpi eq, %iota3A, %eq3A_222 : vector<16xi32>
    %slice3A_224 = vector.extract_strided_slice %get3A_39 {offsets = [8], sizes = [1], strides = [1]} : vector<16xf32> to vector<1xf32>
    %squeeze3A_225 = vector.extract %slice3A_224[0] : f32 from vector<1xf32>
    %broadcast_in_dim3A_226 = vector.broadcast %squeeze3A_225 : f32 to vector<16xf32>
    %select_n3A_227 = arith.select %eq3A_223, %broadcast_in_dim3A_226, %select_n3A_195 : vector<16xi1>, vector<16xf32>
    %eq3A_228 = arith.constant 4 : i32
    %eq3A_229 = vector.broadcast %eq3A_228 : i32 to vector<16xi32>
    %eq3A_230 = arith.cmpi eq, %iota3A, %eq3A_229 : vector<16xi32>
    %slice3A_231 = vector.extract_strided_slice %get3A_39 {offsets = [9], sizes = [1], strides = [1]} : vector<16xf32> to vector<1xf32>
    %squeeze3A_232 = vector.extract %slice3A_231[0] : f32 from vector<1xf32>
    %broadcast_in_dim3A_233 = vector.broadcast %squeeze3A_232 : f32 to vector<16xf32>
    %select_n3A_234 = arith.select %eq3A_230, %broadcast_in_dim3A_233, %select_n3A_202 : vector<16xi1>, vector<16xf32>
    %eq3A_235 = arith.constant 5 : i32
    %eq3A_236 = vector.broadcast %eq3A_235 : i32 to vector<16xi32>
    %eq3A_237 = arith.cmpi eq, %iota3A, %eq3A_236 : vector<16xi32>
    %reduce_sum3A_238 = arith.constant true
    %reduce_sum3A_239 = vector.broadcast %reduce_sum3A_238 : i1 to vector<16xi1>
    %reduce_sum3A_240 = tpu.scan <sum>, %scan3A_76#5 masked %reduce_sum3A_239 : vector<16xf32>, vector<16xi1> -> vector<16xf32>
    %reduce_sum3A_241 = vector.extract %reduce_sum3A_240[15] : f32 from vector<16xf32>
    %broadcast_in_dim3A_242 = vector.broadcast %reduce_sum3A_241 : f32 to vector<16xf32>
    %select_n3A_243 = arith.select %eq3A_237, %broadcast_in_dim3A_242, %select_n3A_211 : vector<16xi1>, vector<16xf32>
    %eq3A_244 = arith.constant 5 : i32
    %eq3A_245 = vector.broadcast %eq3A_244 : i32 to vector<16xi32>
    %eq3A_246 = arith.cmpi eq, %iota3A, %eq3A_245 : vector<16xi32>
    %reduce_sum3A_247 = arith.constant true
    %reduce_sum3A_248 = vector.broadcast %reduce_sum3A_247 : i1 to vector<16xi1>
    %reduce_sum3A_249 = tpu.scan <sum>, %scan3A_76#13 masked %reduce_sum3A_248 : vector<16xf32>, vector<16xi1> -> vector<16xf32>
    %reduce_sum3A_250 = vector.extract %reduce_sum3A_249[15] : f32 from vector<16xf32>
    %broadcast_in_dim3A_251 = vector.broadcast %reduce_sum3A_250 : f32 to vector<16xf32>
    %select_n3A_252 = arith.select %eq3A_246, %broadcast_in_dim3A_251, %select_n3A_220 : vector<16xi1>, vector<16xf32>
    %eq3A_253 = arith.constant 5 : i32
    %eq3A_254 = vector.broadcast %eq3A_253 : i32 to vector<16xi32>
    %eq3A_255 = arith.cmpi eq, %iota3A, %eq3A_254 : vector<16xi32>
    %slice3A_256 = vector.extract_strided_slice %get3A_39 {offsets = [10], sizes = [1], strides = [1]} : vector<16xf32> to vector<1xf32>
    %squeeze3A_257 = vector.extract %slice3A_256[0] : f32 from vector<1xf32>
    %broadcast_in_dim3A_258 = vector.broadcast %squeeze3A_257 : f32 to vector<16xf32>
    %select_n3A_259 = arith.select %eq3A_255, %broadcast_in_dim3A_258, %select_n3A_227 : vector<16xi1>, vector<16xf32>
    %eq3A_260 = arith.constant 5 : i32
    %eq3A_261 = vector.broadcast %eq3A_260 : i32 to vector<16xi32>
    %eq3A_262 = arith.cmpi eq, %iota3A, %eq3A_261 : vector<16xi32>
    %slice3A_263 = vector.extract_strided_slice %get3A_39 {offsets = [11], sizes = [1], strides = [1]} : vector<16xf32> to vector<1xf32>
    %squeeze3A_264 = vector.extract %slice3A_263[0] : f32 from vector<1xf32>
    %broadcast_in_dim3A_265 = vector.broadcast %squeeze3A_264 : f32 to vector<16xf32>
    %select_n3A_266 = arith.select %eq3A_262, %broadcast_in_dim3A_265, %select_n3A_234 : vector<16xi1>, vector<16xf32>
    %eq3A_267 = arith.constant 6 : i32
    %eq3A_268 = vector.broadcast %eq3A_267 : i32 to vector<16xi32>
    %eq3A_269 = arith.cmpi eq, %iota3A, %eq3A_268 : vector<16xi32>
    %reduce_sum3A_270 = arith.constant true
    %reduce_sum3A_271 = vector.broadcast %reduce_sum3A_270 : i1 to vector<16xi1>
    %reduce_sum3A_272 = tpu.scan <sum>, %scan3A_76#6 masked %reduce_sum3A_271 : vector<16xf32>, vector<16xi1> -> vector<16xf32>
    %reduce_sum3A_273 = vector.extract %reduce_sum3A_272[15] : f32 from vector<16xf32>
    %broadcast_in_dim3A_274 = vector.broadcast %reduce_sum3A_273 : f32 to vector<16xf32>
    %select_n3A_275 = arith.select %eq3A_269, %broadcast_in_dim3A_274, %select_n3A_243 : vector<16xi1>, vector<16xf32>
    %eq3A_276 = arith.constant 6 : i32
    %eq3A_277 = vector.broadcast %eq3A_276 : i32 to vector<16xi32>
    %eq3A_278 = arith.cmpi eq, %iota3A, %eq3A_277 : vector<16xi32>
    %reduce_sum3A_279 = arith.constant true
    %reduce_sum3A_280 = vector.broadcast %reduce_sum3A_279 : i1 to vector<16xi1>
    %reduce_sum3A_281 = tpu.scan <sum>, %scan3A_76#14 masked %reduce_sum3A_280 : vector<16xf32>, vector<16xi1> -> vector<16xf32>
    %reduce_sum3A_282 = vector.extract %reduce_sum3A_281[15] : f32 from vector<16xf32>
    %broadcast_in_dim3A_283 = vector.broadcast %reduce_sum3A_282 : f32 to vector<16xf32>
    %select_n3A_284 = arith.select %eq3A_278, %broadcast_in_dim3A_283, %select_n3A_252 : vector<16xi1>, vector<16xf32>
    %eq3A_285 = arith.constant 6 : i32
    %eq3A_286 = vector.broadcast %eq3A_285 : i32 to vector<16xi32>
    %eq3A_287 = arith.cmpi eq, %iota3A, %eq3A_286 : vector<16xi32>
    %slice3A_288 = vector.extract_strided_slice %get3A_39 {offsets = [12], sizes = [1], strides = [1]} : vector<16xf32> to vector<1xf32>
    %squeeze3A_289 = vector.extract %slice3A_288[0] : f32 from vector<1xf32>
    %broadcast_in_dim3A_290 = vector.broadcast %squeeze3A_289 : f32 to vector<16xf32>
    %select_n3A_291 = arith.select %eq3A_287, %broadcast_in_dim3A_290, %select_n3A_259 : vector<16xi1>, vector<16xf32>
    %eq3A_292 = arith.constant 6 : i32
    %eq3A_293 = vector.broadcast %eq3A_292 : i32 to vector<16xi32>
    %eq3A_294 = arith.cmpi eq, %iota3A, %eq3A_293 : vector<16xi32>
    %slice3A_295 = vector.extract_strided_slice %get3A_39 {offsets = [13], sizes = [1], strides = [1]} : vector<16xf32> to vector<1xf32>
    %squeeze3A_296 = vector.extract %slice3A_295[0] : f32 from vector<1xf32>
    %broadcast_in_dim3A_297 = vector.broadcast %squeeze3A_296 : f32 to vector<16xf32>
    %select_n3A_298 = arith.select %eq3A_294, %broadcast_in_dim3A_297, %select_n3A_266 : vector<16xi1>, vector<16xf32>
    %eq3A_299 = arith.constant 7 : i32
    %eq3A_300 = vector.broadcast %eq3A_299 : i32 to vector<16xi32>
    %eq3A_301 = arith.cmpi eq, %iota3A, %eq3A_300 : vector<16xi32>
    %reduce_sum3A_302 = arith.constant true
    %reduce_sum3A_303 = vector.broadcast %reduce_sum3A_302 : i1 to vector<16xi1>
    %reduce_sum3A_304 = tpu.scan <sum>, %scan3A_76#7 masked %reduce_sum3A_303 : vector<16xf32>, vector<16xi1> -> vector<16xf32>
    %reduce_sum3A_305 = vector.extract %reduce_sum3A_304[15] : f32 from vector<16xf32>
    %broadcast_in_dim3A_306 = vector.broadcast %reduce_sum3A_305 : f32 to vector<16xf32>
    %select_n3A_307 = arith.select %eq3A_301, %broadcast_in_dim3A_306, %select_n3A_275 : vector<16xi1>, vector<16xf32>
    %eq3A_308 = arith.constant 7 : i32
    %eq3A_309 = vector.broadcast %eq3A_308 : i32 to vector<16xi32>
    %eq3A_310 = arith.cmpi eq, %iota3A, %eq3A_309 : vector<16xi32>
    %reduce_sum3A_311 = arith.constant true
    %reduce_sum3A_312 = vector.broadcast %reduce_sum3A_311 : i1 to vector<16xi1>
    %reduce_sum3A_313 = tpu.scan <sum>, %scan3A_76#15 masked %reduce_sum3A_312 : vector<16xf32>, vector<16xi1> -> vector<16xf32>
    %reduce_sum3A_314 = vector.extract %reduce_sum3A_313[15] : f32 from vector<16xf32>
    %broadcast_in_dim3A_315 = vector.broadcast %reduce_sum3A_314 : f32 to vector<16xf32>
    %select_n3A_316 = arith.select %eq3A_310, %broadcast_in_dim3A_315, %select_n3A_284 : vector<16xi1>, vector<16xf32>
    %eq3A_317 = arith.constant 7 : i32
    %eq3A_318 = vector.broadcast %eq3A_317 : i32 to vector<16xi32>
    %eq3A_319 = arith.cmpi eq, %iota3A, %eq3A_318 : vector<16xi32>
    %slice3A_320 = vector.extract_strided_slice %get3A_39 {offsets = [14], sizes = [1], strides = [1]} : vector<16xf32> to vector<1xf32>
    %squeeze3A_321 = vector.extract %slice3A_320[0] : f32 from vector<1xf32>
    %broadcast_in_dim3A_322 = vector.broadcast %squeeze3A_321 : f32 to vector<16xf32>
    %select_n3A_323 = arith.select %eq3A_319, %broadcast_in_dim3A_322, %select_n3A_291 : vector<16xi1>, vector<16xf32>
    %eq3A_324 = arith.constant 7 : i32
    %eq3A_325 = vector.broadcast %eq3A_324 : i32 to vector<16xi32>
    %eq3A_326 = arith.cmpi eq, %iota3A, %eq3A_325 : vector<16xi32>
    %slice3A_327 = vector.extract_strided_slice %get3A_39 {offsets = [15], sizes = [1], strides = [1]} : vector<16xf32> to vector<1xf32>
    %squeeze3A_328 = vector.extract %slice3A_327[0] : f32 from vector<1xf32>
    %broadcast_in_dim3A_329 = vector.broadcast %squeeze3A_328 : f32 to vector<16xf32>
    %select_n3A_330 = arith.select %eq3A_326, %broadcast_in_dim3A_329, %select_n3A_298 : vector<16xi1>, vector<16xf32>
    %dma_wait3A_331 = arith.constant 0 : i32
    %dma_wait3A_332 = arith.constant 0 : i32
    %dma_wait3A_333 = tpu.memref_slice %arg2[%dma_wait3A_331, %dma_wait3A_332] : memref<2x16384xf32, #tpu.memory_space<hbm>> -> memref<1x16384xf32, #tpu.memory_space<hbm>>
    %dma_wait3A_334 = tpu.memref_squeeze %dma_wait3A_333 : memref<1x16384xf32, #tpu.memory_space<hbm>> -> memref<16384xf32, #tpu.memory_space<hbm>>
    %dma_wait3A_335 = arith.constant 0 : i32
    %dma_wait3A_336 = tpu.memref_slice %arg2[%dma_wait3A_331, %dma_wait3A_335] : memref<2x16384xf32, #tpu.memory_space<hbm>> -> memref<1x16384xf32, #tpu.memory_space<hbm>>
    %dma_wait3A_337 = tpu.memref_squeeze %dma_wait3A_336 : memref<1x16384xf32, #tpu.memory_space<hbm>> -> memref<16384xf32, #tpu.memory_space<hbm>>
    tpu.wait_dma2 semaphore(%arg29 : memref<!tpu.dma_semaphore, #tpu.memory_space<semaphore_mem>>) src(%dma_wait3A_337 : memref<16384xf32, #tpu.memory_space<hbm>>) dst(%arg15 : memref<16384xf32, #tpu.memory_space<vmem>>)
    %dma_wait3A_338 = arith.constant 1 : i32
    %dma_wait3A_339 = arith.constant 0 : i32
    %dma_wait3A_340 = tpu.memref_slice %arg2[%dma_wait3A_338, %dma_wait3A_339] : memref<2x16384xf32, #tpu.memory_space<hbm>> -> memref<1x16384xf32, #tpu.memory_space<hbm>>
    %dma_wait3A_341 = tpu.memref_squeeze %dma_wait3A_340 : memref<1x16384xf32, #tpu.memory_space<hbm>> -> memref<16384xf32, #tpu.memory_space<hbm>>
    %dma_wait3A_342 = arith.constant 0 : i32
    %dma_wait3A_343 = tpu.memref_slice %arg2[%dma_wait3A_338, %dma_wait3A_342] : memref<2x16384xf32, #tpu.memory_space<hbm>> -> memref<1x16384xf32, #tpu.memory_space<hbm>>
    %dma_wait3A_344 = tpu.memref_squeeze %dma_wait3A_343 : memref<1x16384xf32, #tpu.memory_space<hbm>> -> memref<16384xf32, #tpu.memory_space<hbm>>
    tpu.wait_dma2 semaphore(%arg29 : memref<!tpu.dma_semaphore, #tpu.memory_space<semaphore_mem>>) src(%dma_wait3A_344 : memref<16384xf32, #tpu.memory_space<hbm>>) dst(%arg16 : memref<16384xf32, #tpu.memory_space<vmem>>)
    tpu.wait_dma2 semaphore(%arg29 : memref<!tpu.dma_semaphore, #tpu.memory_space<semaphore_mem>>) src(%arg3 : memref<10208xf32, #tpu.memory_space<hbm>>) dst(%arg17 : memref<10208xf32, #tpu.memory_space<vmem>>)
    tpu.wait_dma2 semaphore(%arg29 : memref<!tpu.dma_semaphore, #tpu.memory_space<semaphore_mem>>) src(%arg4 : memref<10208xf32, #tpu.memory_space<hbm>>) dst(%arg18 : memref<10208xf32, #tpu.memory_space<vmem>>)
    tpu.wait_dma2 semaphore(%arg29 : memref<!tpu.dma_semaphore, #tpu.memory_space<semaphore_mem>>) src(%arg5 : memref<10208xi32, #tpu.memory_space<hbm>>) dst(%arg19 : memref<10208xi32, #tpu.memory_space<vmem>>)
    %parallel_loop3A = arith.constant 0 : i32
    %parallel_loop3A_345 = arith.constant 1024 : i32
    %parallel_loop3A_346 = arith.constant 1 : i32
    %parallel_loop3A_347:24 = scf.for %parallel_loop3A_609 = %parallel_loop3A to %parallel_loop3A_345 step %parallel_loop3A_346 iter_args(%parallel_loop3A_610 = %broadcast_in_dim3A_70, %parallel_loop3A_611 = %broadcast_in_dim3A_70, %parallel_loop3A_612 = %broadcast_in_dim3A_70, %parallel_loop3A_613 = %broadcast_in_dim3A_70, %parallel_loop3A_614 = %broadcast_in_dim3A_70, %parallel_loop3A_615 = %broadcast_in_dim3A_70, %parallel_loop3A_616 = %broadcast_in_dim3A_70, %parallel_loop3A_617 = %broadcast_in_dim3A_70, %parallel_loop3A_618 = %broadcast_in_dim3A_70, %parallel_loop3A_619 = %broadcast_in_dim3A_70, %parallel_loop3A_620 = %broadcast_in_dim3A_70, %parallel_loop3A_621 = %broadcast_in_dim3A_70, %parallel_loop3A_622 = %broadcast_in_dim3A_70, %parallel_loop3A_623 = %broadcast_in_dim3A_70, %parallel_loop3A_624 = %broadcast_in_dim3A_70, %parallel_loop3A_625 = %broadcast_in_dim3A_70, %parallel_loop3A_626 = %broadcast_in_dim3A_72, %parallel_loop3A_627 = %broadcast_in_dim3A_72, %parallel_loop3A_628 = %broadcast_in_dim3A_72, %parallel_loop3A_629 = %broadcast_in_dim3A_72, %parallel_loop3A_630 = %broadcast_in_dim3A_72, %parallel_loop3A_631 = %broadcast_in_dim3A_72, %parallel_loop3A_632 = %broadcast_in_dim3A_72, %parallel_loop3A_633 = %broadcast_in_dim3A_72) -> (vector<16xf32>, vector<16xf32>, vector<16xf32>, vector<16xf32>, vector<16xf32>, vector<16xf32>, vector<16xf32>, vector<16xf32>, vector<16xf32>, vector<16xf32>, vector<16xf32>, vector<16xf32>, vector<16xf32>, vector<16xf32>, vector<16xf32>, vector<16xf32>, vector<16xi32>, vector<16xi32>, vector<16xi32>, vector<16xi32>, vector<16xi32>, vector<16xi32>, vector<16xi32>, vector<16xi32>)  : i32 {
      %parallel_loop3A_634 = arith.constant 16 : i32
      %parallel_loop3A_635 = arith.muli %parallel_loop3A_609, %parallel_loop3A_634 : i32
      %parallel_loop3A_636 = arith.index_cast %parallel_loop3A_635 : i32 to index
      %parallel_loop3A_637 = tpu.vector_load %arg15[%parallel_loop3A_636] {strides = array<i32>} : memref<16384xf32, #tpu.memory_space<vmem>>, vector<16xf32>,
      %parallel_loop3A_638 = arith.constant 16 : i32
      %parallel_loop3A_639 = arith.muli %parallel_loop3A_609, %parallel_loop3A_638 : i32
      %parallel_loop3A_640 = arith.index_cast %parallel_loop3A_639 : i32 to index
      %parallel_loop3A_641 = tpu.vector_load %arg16[%parallel_loop3A_640] {strides = array<i32>} : memref<16384xf32, #tpu.memory_space<vmem>>, vector<16xf32>,
      %parallel_loop3A_642 = vector.broadcast %squeeze3A : f32 to vector<16xf32>
      %parallel_loop3A_643 = arith.subf %parallel_loop3A_637, %parallel_loop3A_642 : vector<16xf32>
      %parallel_loop3A_644 = arith.constant 0.000000e+00 : f32
      %parallel_loop3A_645 = arith.constant 5.000000e+01 : f32
      %parallel_loop3A_646 = arith.subf %parallel_loop3A_644, %parallel_loop3A_645 : f32
      %parallel_loop3A_647 = arith.constant 5.000000e+01 : f32
      %parallel_loop3A_648 = vector.broadcast %parallel_loop3A_646 : f32 to vector<16xf32>
      %parallel_loop3A_649 = arith.maximumf %parallel_loop3A_648, %parallel_loop3A_643 : vector<16xf32>
      %parallel_loop3A_650 = vector.broadcast %parallel_loop3A_647 : f32 to vector<16xf32>
      %parallel_loop3A_651 = arith.minimumf %parallel_loop3A_650, %parallel_loop3A_649 : vector<16xf32>
      %parallel_loop3A_652 = arith.fptosi %parallel_loop3A_651 : vector<16xf32> to vector<16xi32>
      %parallel_loop3A_653 = vector.broadcast %squeeze3A_55 : f32 to vector<16xf32>
      %parallel_loop3A_654 = arith.subf %parallel_loop3A_641, %parallel_loop3A_653 : vector<16xf32>
      %parallel_loop3A_655 = arith.constant 0.000000e+00 : f32
      %parallel_loop3A_656 = arith.constant 5.000000e+01 : f32
      %parallel_loop3A_657 = arith.subf %parallel_loop3A_655, %parallel_loop3A_656 : f32
      %parallel_loop3A_658 = arith.constant 5.000000e+01 : f32
      %parallel_loop3A_659 = vector.broadcast %parallel_loop3A_657 : f32 to vector<16xf32>
      %parallel_loop3A_660 = arith.maximumf %parallel_loop3A_659, %parallel_loop3A_654 : vector<16xf32>
      %parallel_loop3A_661 = vector.broadcast %parallel_loop3A_658 : f32 to vector<16xf32>
      %parallel_loop3A_662 = arith.minimumf %parallel_loop3A_661, %parallel_loop3A_660 : vector<16xf32>
      %parallel_loop3A_663 = arith.fptosi %parallel_loop3A_662 : vector<16xf32> to vector<16xi32>
      %parallel_loop3A_664 = arith.constant 101 : i32
      %parallel_loop3A_665 = vector.broadcast %parallel_loop3A_664 : i32 to vector<16xi32>
      %parallel_loop3A_666 = arith.muli %parallel_loop3A_652, %parallel_loop3A_665 : vector<16xi32>
      %parallel_loop3A_667 = arith.constant 5100 : i32
      %parallel_loop3A_668 = vector.broadcast %parallel_loop3A_667 : i32 to vector<16xi32>
      %parallel_loop3A_669 = arith.addi %parallel_loop3A_663, %parallel_loop3A_668 : vector<16xi32>
      %parallel_loop3A_670 = arith.addi %parallel_loop3A_666, %parallel_loop3A_669 : vector<16xi32>
      %parallel_loop3A_671 = tpu.vector_load_idx %arg17[%parallel_loop3A_670] : memref<10208xf32, #tpu.memory_space<vmem>>[vector<16xi32>], vector<16xf32>,
      %parallel_loop3A_672 = tpu.vector_load_idx %arg18[%parallel_loop3A_670] : memref<10208xf32, #tpu.memory_space<vmem>>[vector<16xi32>], vector<16xf32>,
      %parallel_loop3A_673 = tpu.vector_load_idx %arg19[%parallel_loop3A_670] : memref<10208xi32, #tpu.memory_space<vmem>>[vector<16xi32>], vector<16xi32>,
      %parallel_loop3A_674 = arith.addf %parallel_loop3A_610, %parallel_loop3A_671 : vector<16xf32>
      %parallel_loop3A_675 = arith.addf %parallel_loop3A_618, %parallel_loop3A_672 : vector<16xf32>
      %parallel_loop3A_676 = arith.addi %parallel_loop3A_626, %parallel_loop3A_673 : vector<16xi32>
      %parallel_loop3A_677 = vector.broadcast %squeeze3A_41 : f32 to vector<16xf32>
      %parallel_loop3A_678 = arith.subf %parallel_loop3A_637, %parallel_loop3A_677 : vector<16xf32>
      %parallel_loop3A_679 = arith.constant 0.000000e+00 : f32
      %parallel_loop3A_680 = arith.constant 5.000000e+01 : f32
      %parallel_loop3A_681 = arith.subf %parallel_loop3A_679, %parallel_loop3A_680 : f32
      %parallel_loop3A_682 = arith.constant 5.000000e+01 : f32
      %parallel_loop3A_683 = vector.broadcast %parallel_loop3A_681 : f32 to vector<16xf32>
      %parallel_loop3A_684 = arith.maximumf %parallel_loop3A_683, %parallel_loop3A_678 : vector<16xf32>
      %parallel_loop3A_685 = vector.broadcast %parallel_loop3A_682 : f32 to vector<16xf32>
      %parallel_loop3A_686 = arith.minimumf %parallel_loop3A_685, %parallel_loop3A_684 : vector<16xf32>
      %parallel_loop3A_687 = arith.fptosi %parallel_loop3A_686 : vector<16xf32> to vector<16xi32>
      %parallel_loop3A_688 = vector.broadcast %squeeze3A_57 : f32 to vector<16xf32>
      %parallel_loop3A_689 = arith.subf %parallel_loop3A_641, %parallel_loop3A_688 : vector<16xf32>
      %parallel_loop3A_690 = arith.constant 0.000000e+00 : f32
      %parallel_loop3A_691 = arith.constant 5.000000e+01 : f32
      %parallel_loop3A_692 = arith.subf %parallel_loop3A_690, %parallel_loop3A_691 : f32
      %parallel_loop3A_693 = arith.constant 5.000000e+01 : f32
      %parallel_loop3A_694 = vector.broadcast %parallel_loop3A_692 : f32 to vector<16xf32>
      %parallel_loop3A_695 = arith.maximumf %parallel_loop3A_694, %parallel_loop3A_689 : vector<16xf32>
      %parallel_loop3A_696 = vector.broadcast %parallel_loop3A_693 : f32 to vector<16xf32>
      %parallel_loop3A_697 = arith.minimumf %parallel_loop3A_696, %parallel_loop3A_695 : vector<16xf32>
      %parallel_loop3A_698 = arith.fptosi %parallel_loop3A_697 : vector<16xf32> to vector<16xi32>
      %parallel_loop3A_699 = arith.constant 101 : i32
      %parallel_loop3A_700 = vector.broadcast %parallel_loop3A_699 : i32 to vector<16xi32>
      %parallel_loop3A_701 = arith.muli %parallel_loop3A_687, %parallel_loop3A_700 : vector<16xi32>
      %parallel_loop3A_702 = arith.constant 5100 : i32
      %parallel_loop3A_703 = vector.broadcast %parallel_loop3A_702 : i32 to vector<16xi32>
      %parallel_loop3A_704 = arith.addi %parallel_loop3A_698, %parallel_loop3A_703 : vector<16xi32>
      %parallel_loop3A_705 = arith.addi %parallel_loop3A_701, %parallel_loop3A_704 : vector<16xi32>
      %parallel_loop3A_706 = tpu.vector_load_idx %arg17[%parallel_loop3A_705] : memref<10208xf32, #tpu.memory_space<vmem>>[vector<16xi32>], vector<16xf32>,
      %parallel_loop3A_707 = tpu.vector_load_idx %arg18[%parallel_loop3A_705] : memref<10208xf32, #tpu.memory_space<vmem>>[vector<16xi32>], vector<16xf32>,
      %parallel_loop3A_708 = tpu.vector_load_idx %arg19[%parallel_loop3A_705] : memref<10208xi32, #tpu.memory_space<vmem>>[vector<16xi32>], vector<16xi32>,
      %parallel_loop3A_709 = arith.addf %parallel_loop3A_611, %parallel_loop3A_706 : vector<16xf32>
      %parallel_loop3A_710 = arith.addf %parallel_loop3A_619, %parallel_loop3A_707 : vector<16xf32>
      %parallel_loop3A_711 = arith.addi %parallel_loop3A_627, %parallel_loop3A_708 : vector<16xi32>
      %parallel_loop3A_712 = vector.broadcast %squeeze3A_43 : f32 to vector<16xf32>
      %parallel_loop3A_713 = arith.subf %parallel_loop3A_637, %parallel_loop3A_712 : vector<16xf32>
      %parallel_loop3A_714 = arith.constant 0.000000e+00 : f32
      %parallel_loop3A_715 = arith.constant 5.000000e+01 : f32
      %parallel_loop3A_716 = arith.subf %parallel_loop3A_714, %parallel_loop3A_715 : f32
      %parallel_loop3A_717 = arith.constant 5.000000e+01 : f32
      %parallel_loop3A_718 = vector.broadcast %parallel_loop3A_716 : f32 to vector<16xf32>
      %parallel_loop3A_719 = arith.maximumf %parallel_loop3A_718, %parallel_loop3A_713 : vector<16xf32>
      %parallel_loop3A_720 = vector.broadcast %parallel_loop3A_717 : f32 to vector<16xf32>
      %parallel_loop3A_721 = arith.minimumf %parallel_loop3A_720, %parallel_loop3A_719 : vector<16xf32>
      %parallel_loop3A_722 = arith.fptosi %parallel_loop3A_721 : vector<16xf32> to vector<16xi32>
      %parallel_loop3A_723 = vector.broadcast %squeeze3A_59 : f32 to vector<16xf32>
      %parallel_loop3A_724 = arith.subf %parallel_loop3A_641, %parallel_loop3A_723 : vector<16xf32>
      %parallel_loop3A_725 = arith.constant 0.000000e+00 : f32
      %parallel_loop3A_726 = arith.constant 5.000000e+01 : f32
      %parallel_loop3A_727 = arith.subf %parallel_loop3A_725, %parallel_loop3A_726 : f32
      %parallel_loop3A_728 = arith.constant 5.000000e+01 : f32
      %parallel_loop3A_729 = vector.broadcast %parallel_loop3A_727 : f32 to vector<16xf32>
      %parallel_loop3A_730 = arith.maximumf %parallel_loop3A_729, %parallel_loop3A_724 : vector<16xf32>
      %parallel_loop3A_731 = vector.broadcast %parallel_loop3A_728 : f32 to vector<16xf32>
      %parallel_loop3A_732 = arith.minimumf %parallel_loop3A_731, %parallel_loop3A_730 : vector<16xf32>
      %parallel_loop3A_733 = arith.fptosi %parallel_loop3A_732 : vector<16xf32> to vector<16xi32>
      %parallel_loop3A_734 = arith.constant 101 : i32
      %parallel_loop3A_735 = vector.broadcast %parallel_loop3A_734 : i32 to vector<16xi32>
      %parallel_loop3A_736 = arith.muli %parallel_loop3A_722, %parallel_loop3A_735 : vector<16xi32>
      %parallel_loop3A_737 = arith.constant 5100 : i32
      %parallel_loop3A_738 = vector.broadcast %parallel_loop3A_737 : i32 to vector<16xi32>
      %parallel_loop3A_739 = arith.addi %parallel_loop3A_733, %parallel_loop3A_738 : vector<16xi32>
      %parallel_loop3A_740 = arith.addi %parallel_loop3A_736, %parallel_loop3A_739 : vector<16xi32>
      %parallel_loop3A_741 = tpu.vector_load_idx %arg17[%parallel_loop3A_740] : memref<10208xf32, #tpu.memory_space<vmem>>[vector<16xi32>], vector<16xf32>,
      %parallel_loop3A_742 = tpu.vector_load_idx %arg18[%parallel_loop3A_740] : memref<10208xf32, #tpu.memory_space<vmem>>[vector<16xi32>], vector<16xf32>,
      %parallel_loop3A_743 = tpu.vector_load_idx %arg19[%parallel_loop3A_740] : memref<10208xi32, #tpu.memory_space<vmem>>[vector<16xi32>], vector<16xi32>,
      %parallel_loop3A_744 = arith.addf %parallel_loop3A_612, %parallel_loop3A_741 : vector<16xf32>
      %parallel_loop3A_745 = arith.addf %parallel_loop3A_620, %parallel_loop3A_742 : vector<16xf32>
      %parallel_loop3A_746 = arith.addi %parallel_loop3A_628, %parallel_loop3A_743 : vector<16xi32>
      %parallel_loop3A_747 = vector.broadcast %squeeze3A_45 : f32 to vector<16xf32>
      %parallel_loop3A_748 = arith.subf %parallel_loop3A_637, %parallel_loop3A_747 : vector<16xf32>
      %parallel_loop3A_749 = arith.constant 0.000000e+00 : f32
      %parallel_loop3A_750 = arith.constant 5.000000e+01 : f32
      %parallel_loop3A_751 = arith.subf %parallel_loop3A_749, %parallel_loop3A_750 : f32
      %parallel_loop3A_752 = arith.constant 5.000000e+01 : f32
      %parallel_loop3A_753 = vector.broadcast %parallel_loop3A_751 : f32 to vector<16xf32>
      %parallel_loop3A_754 = arith.maximumf %parallel_loop3A_753, %parallel_loop3A_748 : vector<16xf32>
      %parallel_loop3A_755 = vector.broadcast %parallel_loop3A_752 : f32 to vector<16xf32>
      %parallel_loop3A_756 = arith.minimumf %parallel_loop3A_755, %parallel_loop3A_754 : vector<16xf32>
      %parallel_loop3A_757 = arith.fptosi %parallel_loop3A_756 : vector<16xf32> to vector<16xi32>
      %parallel_loop3A_758 = vector.broadcast %squeeze3A_61 : f32 to vector<16xf32>
      %parallel_loop3A_759 = arith.subf %parallel_loop3A_641, %parallel_loop3A_758 : vector<16xf32>
      %parallel_loop3A_760 = arith.constant 0.000000e+00 : f32
      %parallel_loop3A_761 = arith.constant 5.000000e+01 : f32
      %parallel_loop3A_762 = arith.subf %parallel_loop3A_760, %parallel_loop3A_761 : f32
      %parallel_loop3A_763 = arith.constant 5.000000e+01 : f32
      %parallel_loop3A_764 = vector.broadcast %parallel_loop3A_762 : f32 to vector<16xf32>
      %parallel_loop3A_765 = arith.maximumf %parallel_loop3A_764, %parallel_loop3A_759 : vector<16xf32>
      %parallel_loop3A_766 = vector.broadcast %parallel_loop3A_763 : f32 to vector<16xf32>
      %parallel_loop3A_767 = arith.minimumf %parallel_loop3A_766, %parallel_loop3A_765 : vector<16xf32>
      %parallel_loop3A_768 = arith.fptosi %parallel_loop3A_767 : vector<16xf32> to vector<16xi32>
      %parallel_loop3A_769 = arith.constant 101 : i32
      %parallel_loop3A_770 = vector.broadcast %parallel_loop3A_769 : i32 to vector<16xi32>
      %parallel_loop3A_771 = arith.muli %parallel_loop3A_757, %parallel_loop3A_770 : vector<16xi32>
      %parallel_loop3A_772 = arith.constant 5100 : i32
      %parallel_loop3A_773 = vector.broadcast %parallel_loop3A_772 : i32 to vector<16xi32>
      %parallel_loop3A_774 = arith.addi %parallel_loop3A_768, %parallel_loop3A_773 : vector<16xi32>
      %parallel_loop3A_775 = arith.addi %parallel_loop3A_771, %parallel_loop3A_774 : vector<16xi32>
      %parallel_loop3A_776 = tpu.vector_load_idx %arg17[%parallel_loop3A_775] : memref<10208xf32, #tpu.memory_space<vmem>>[vector<16xi32>], vector<16xf32>,
      %parallel_loop3A_777 = tpu.vector_load_idx %arg18[%parallel_loop3A_775] : memref<10208xf32, #tpu.memory_space<vmem>>[vector<16xi32>], vector<16xf32>,
      %parallel_loop3A_778 = tpu.vector_load_idx %arg19[%parallel_loop3A_775] : memref<10208xi32, #tpu.memory_space<vmem>>[vector<16xi32>], vector<16xi32>,
      %parallel_loop3A_779 = arith.addf %parallel_loop3A_613, %parallel_loop3A_776 : vector<16xf32>
      %parallel_loop3A_780 = arith.addf %parallel_loop3A_621, %parallel_loop3A_777 : vector<16xf32>
      %parallel_loop3A_781 = arith.addi %parallel_loop3A_629, %parallel_loop3A_778 : vector<16xi32>
      %parallel_loop3A_782 = vector.broadcast %squeeze3A_47 : f32 to vector<16xf32>
      %parallel_loop3A_783 = arith.subf %parallel_loop3A_637, %parallel_loop3A_782 : vector<16xf32>
      %parallel_loop3A_784 = arith.constant 0.000000e+00 : f32
      %parallel_loop3A_785 = arith.constant 5.000000e+01 : f32
      %parallel_loop3A_786 = arith.subf %parallel_loop3A_784, %parallel_loop3A_785 : f32
      %parallel_loop3A_787 = arith.constant 5.000000e+01 : f32
      %parallel_loop3A_788 = vector.broadcast %parallel_loop3A_786 : f32 to vector<16xf32>
      %parallel_loop3A_789 = arith.maximumf %parallel_loop3A_788, %parallel_loop3A_783 : vector<16xf32>
      %parallel_loop3A_790 = vector.broadcast %parallel_loop3A_787 : f32 to vector<16xf32>
      %parallel_loop3A_791 = arith.minimumf %parallel_loop3A_790, %parallel_loop3A_789 : vector<16xf32>
      %parallel_loop3A_792 = arith.fptosi %parallel_loop3A_791 : vector<16xf32> to vector<16xi32>
      %parallel_loop3A_793 = vector.broadcast %squeeze3A_63 : f32 to vector<16xf32>
      %parallel_loop3A_794 = arith.subf %parallel_loop3A_641, %parallel_loop3A_793 : vector<16xf32>
      %parallel_loop3A_795 = arith.constant 0.000000e+00 : f32
      %parallel_loop3A_796 = arith.constant 5.000000e+01 : f32
      %parallel_loop3A_797 = arith.subf %parallel_loop3A_795, %parallel_loop3A_796 : f32
      %parallel_loop3A_798 = arith.constant 5.000000e+01 : f32
      %parallel_loop3A_799 = vector.broadcast %parallel_loop3A_797 : f32 to vector<16xf32>
      %parallel_loop3A_800 = arith.maximumf %parallel_loop3A_799, %parallel_loop3A_794 : vector<16xf32>
      %parallel_loop3A_801 = vector.broadcast %parallel_loop3A_798 : f32 to vector<16xf32>
      %parallel_loop3A_802 = arith.minimumf %parallel_loop3A_801, %parallel_loop3A_800 : vector<16xf32>
      %parallel_loop3A_803 = arith.fptosi %parallel_loop3A_802 : vector<16xf32> to vector<16xi32>
      %parallel_loop3A_804 = arith.constant 101 : i32
      %parallel_loop3A_805 = vector.broadcast %parallel_loop3A_804 : i32 to vector<16xi32>
      %parallel_loop3A_806 = arith.muli %parallel_loop3A_792, %parallel_loop3A_805 : vector<16xi32>
      %parallel_loop3A_807 = arith.constant 5100 : i32
      %parallel_loop3A_808 = vector.broadcast %parallel_loop3A_807 : i32 to vector<16xi32>
      %parallel_loop3A_809 = arith.addi %parallel_loop3A_803, %parallel_loop3A_808 : vector<16xi32>
      %parallel_loop3A_810 = arith.addi %parallel_loop3A_806, %parallel_loop3A_809 : vector<16xi32>
      %parallel_loop3A_811 = tpu.vector_load_idx %arg17[%parallel_loop3A_810] : memref<10208xf32, #tpu.memory_space<vmem>>[vector<16xi32>], vector<16xf32>,
      %parallel_loop3A_812 = tpu.vector_load_idx %arg18[%parallel_loop3A_810] : memref<10208xf32, #tpu.memory_space<vmem>>[vector<16xi32>], vector<16xf32>,
      %parallel_loop3A_813 = tpu.vector_load_idx %arg19[%parallel_loop3A_810] : memref<10208xi32, #tpu.memory_space<vmem>>[vector<16xi32>], vector<16xi32>,
      %parallel_loop3A_814 = arith.addf %parallel_loop3A_614, %parallel_loop3A_811 : vector<16xf32>
      %parallel_loop3A_815 = arith.addf %parallel_loop3A_622, %parallel_loop3A_812 : vector<16xf32>
      %parallel_loop3A_816 = arith.addi %parallel_loop3A_630, %parallel_loop3A_813 : vector<16xi32>
      %parallel_loop3A_817 = vector.broadcast %squeeze3A_49 : f32 to vector<16xf32>
      %parallel_loop3A_818 = arith.subf %parallel_loop3A_637, %parallel_loop3A_817 : vector<16xf32>
      %parallel_loop3A_819 = arith.constant 0.000000e+00 : f32
      %parallel_loop3A_820 = arith.constant 5.000000e+01 : f32
      %parallel_loop3A_821 = arith.subf %parallel_loop3A_819, %parallel_loop3A_820 : f32
      %parallel_loop3A_822 = arith.constant 5.000000e+01 : f32
      %parallel_loop3A_823 = vector.broadcast %parallel_loop3A_821 : f32 to vector<16xf32>
      %parallel_loop3A_824 = arith.maximumf %parallel_loop3A_823, %parallel_loop3A_818 : vector<16xf32>
      %parallel_loop3A_825 = vector.broadcast %parallel_loop3A_822 : f32 to vector<16xf32>
      %parallel_loop3A_826 = arith.minimumf %parallel_loop3A_825, %parallel_loop3A_824 : vector<16xf32>
      %parallel_loop3A_827 = arith.fptosi %parallel_loop3A_826 : vector<16xf32> to vector<16xi32>
      %parallel_loop3A_828 = vector.broadcast %squeeze3A_65 : f32 to vector<16xf32>
      %parallel_loop3A_829 = arith.subf %parallel_loop3A_641, %parallel_loop3A_828 : vector<16xf32>
      %parallel_loop3A_830 = arith.constant 0.000000e+00 : f32
      %parallel_loop3A_831 = arith.constant 5.000000e+01 : f32
      %parallel_loop3A_832 = arith.subf %parallel_loop3A_830, %parallel_loop3A_831 : f32
      %parallel_loop3A_833 = arith.constant 5.000000e+01 : f32
      %parallel_loop3A_834 = vector.broadcast %parallel_loop3A_832 : f32 to vector<16xf32>
      %parallel_loop3A_835 = arith.maximumf %parallel_loop3A_834, %parallel_loop3A_829 : vector<16xf32>
      %parallel_loop3A_836 = vector.broadcast %parallel_loop3A_833 : f32 to vector<16xf32>
      %parallel_loop3A_837 = arith.minimumf %parallel_loop3A_836, %parallel_loop3A_835 : vector<16xf32>
      %parallel_loop3A_838 = arith.fptosi %parallel_loop3A_837 : vector<16xf32> to vector<16xi32>
      %parallel_loop3A_839 = arith.constant 101 : i32
      %parallel_loop3A_840 = vector.broadcast %parallel_loop3A_839 : i32 to vector<16xi32>
      %parallel_loop3A_841 = arith.muli %parallel_loop3A_827, %parallel_loop3A_840 : vector<16xi32>
      %parallel_loop3A_842 = arith.constant 5100 : i32
      %parallel_loop3A_843 = vector.broadcast %parallel_loop3A_842 : i32 to vector<16xi32>
      %parallel_loop3A_844 = arith.addi %parallel_loop3A_838, %parallel_loop3A_843 : vector<16xi32>
      %parallel_loop3A_845 = arith.addi %parallel_loop3A_841, %parallel_loop3A_844 : vector<16xi32>
      %parallel_loop3A_846 = tpu.vector_load_idx %arg17[%parallel_loop3A_845] : memref<10208xf32, #tpu.memory_space<vmem>>[vector<16xi32>], vector<16xf32>,
      %parallel_loop3A_847 = tpu.vector_load_idx %arg18[%parallel_loop3A_845] : memref<10208xf32, #tpu.memory_space<vmem>>[vector<16xi32>], vector<16xf32>,
      %parallel_loop3A_848 = tpu.vector_load_idx %arg19[%parallel_loop3A_845] : memref<10208xi32, #tpu.memory_space<vmem>>[vector<16xi32>], vector<16xi32>,
      %parallel_loop3A_849 = arith.addf %parallel_loop3A_615, %parallel_loop3A_846 : vector<16xf32>
      %parallel_loop3A_850 = arith.addf %parallel_loop3A_623, %parallel_loop3A_847 : vector<16xf32>
      %parallel_loop3A_851 = arith.addi %parallel_loop3A_631, %parallel_loop3A_848 : vector<16xi32>
      %parallel_loop3A_852 = vector.broadcast %squeeze3A_51 : f32 to vector<16xf32>
      %parallel_loop3A_853 = arith.subf %parallel_loop3A_637, %parallel_loop3A_852 : vector<16xf32>
      %parallel_loop3A_854 = arith.constant 0.000000e+00 : f32
      %parallel_loop3A_855 = arith.constant 5.000000e+01 : f32
      %parallel_loop3A_856 = arith.subf %parallel_loop3A_854, %parallel_loop3A_855 : f32
      %parallel_loop3A_857 = arith.constant 5.000000e+01 : f32
      %parallel_loop3A_858 = vector.broadcast %parallel_loop3A_856 : f32 to vector<16xf32>
      %parallel_loop3A_859 = arith.maximumf %parallel_loop3A_858, %parallel_loop3A_853 : vector<16xf32>
      %parallel_loop3A_860 = vector.broadcast %parallel_loop3A_857 : f32 to vector<16xf32>
      %parallel_loop3A_861 = arith.minimumf %parallel_loop3A_860, %parallel_loop3A_859 : vector<16xf32>
      %parallel_loop3A_862 = arith.fptosi %parallel_loop3A_861 : vector<16xf32> to vector<16xi32>
      %parallel_loop3A_863 = vector.broadcast %squeeze3A_67 : f32 to vector<16xf32>
      %parallel_loop3A_864 = arith.subf %parallel_loop3A_641, %parallel_loop3A_863 : vector<16xf32>
      %parallel_loop3A_865 = arith.constant 0.000000e+00 : f32
      %parallel_loop3A_866 = arith.constant 5.000000e+01 : f32
      %parallel_loop3A_867 = arith.subf %parallel_loop3A_865, %parallel_loop3A_866 : f32
      %parallel_loop3A_868 = arith.constant 5.000000e+01 : f32
      %parallel_loop3A_869 = vector.broadcast %parallel_loop3A_867 : f32 to vector<16xf32>
      %parallel_loop3A_870 = arith.maximumf %parallel_loop3A_869, %parallel_loop3A_864 : vector<16xf32>
      %parallel_loop3A_871 = vector.broadcast %parallel_loop3A_868 : f32 to vector<16xf32>
      %parallel_loop3A_872 = arith.minimumf %parallel_loop3A_871, %parallel_loop3A_870 : vector<16xf32>
      %parallel_loop3A_873 = arith.fptosi %parallel_loop3A_872 : vector<16xf32> to vector<16xi32>
      %parallel_loop3A_874 = arith.constant 101 : i32
      %parallel_loop3A_875 = vector.broadcast %parallel_loop3A_874 : i32 to vector<16xi32>
      %parallel_loop3A_876 = arith.muli %parallel_loop3A_862, %parallel_loop3A_875 : vector<16xi32>
      %parallel_loop3A_877 = arith.constant 5100 : i32
      %parallel_loop3A_878 = vector.broadcast %parallel_loop3A_877 : i32 to vector<16xi32>
      %parallel_loop3A_879 = arith.addi %parallel_loop3A_873, %parallel_loop3A_878 : vector<16xi32>
      %parallel_loop3A_880 = arith.addi %parallel_loop3A_876, %parallel_loop3A_879 : vector<16xi32>
      %parallel_loop3A_881 = tpu.vector_load_idx %arg17[%parallel_loop3A_880] : memref<10208xf32, #tpu.memory_space<vmem>>[vector<16xi32>], vector<16xf32>,
      %parallel_loop3A_882 = tpu.vector_load_idx %arg18[%parallel_loop3A_880] : memref<10208xf32, #tpu.memory_space<vmem>>[vector<16xi32>], vector<16xf32>,
      %parallel_loop3A_883 = tpu.vector_load_idx %arg19[%parallel_loop3A_880] : memref<10208xi32, #tpu.memory_space<vmem>>[vector<16xi32>], vector<16xi32>,
      %parallel_loop3A_884 = arith.addf %parallel_loop3A_616, %parallel_loop3A_881 : vector<16xf32>
      %parallel_loop3A_885 = arith.addf %parallel_loop3A_624, %parallel_loop3A_882 : vector<16xf32>
      %parallel_loop3A_886 = arith.addi %parallel_loop3A_632, %parallel_loop3A_883 : vector<16xi32>
      %parallel_loop3A_887 = vector.broadcast %squeeze3A_53 : f32 to vector<16xf32>
      %parallel_loop3A_888 = arith.subf %parallel_loop3A_637, %parallel_loop3A_887 : vector<16xf32>
      %parallel_loop3A_889 = arith.constant 0.000000e+00 : f32
      %parallel_loop3A_890 = arith.constant 5.000000e+01 : f32
      %parallel_loop3A_891 = arith.subf %parallel_loop3A_889, %parallel_loop3A_890 : f32
      %parallel_loop3A_892 = arith.constant 5.000000e+01 : f32
      %parallel_loop3A_893 = vector.broadcast %parallel_loop3A_891 : f32 to vector<16xf32>
      %parallel_loop3A_894 = arith.maximumf %parallel_loop3A_893, %parallel_loop3A_888 : vector<16xf32>
      %parallel_loop3A_895 = vector.broadcast %parallel_loop3A_892 : f32 to vector<16xf32>
      %parallel_loop3A_896 = arith.minimumf %parallel_loop3A_895, %parallel_loop3A_894 : vector<16xf32>
      %parallel_loop3A_897 = arith.fptosi %parallel_loop3A_896 : vector<16xf32> to vector<16xi32>
      %parallel_loop3A_898 = vector.broadcast %squeeze3A_69 : f32 to vector<16xf32>
      %parallel_loop3A_899 = arith.subf %parallel_loop3A_641, %parallel_loop3A_898 : vector<16xf32>
      %parallel_loop3A_900 = arith.constant 0.000000e+00 : f32
      %parallel_loop3A_901 = arith.constant 5.000000e+01 : f32
      %parallel_loop3A_902 = arith.subf %parallel_loop3A_900, %parallel_loop3A_901 : f32
      %parallel_loop3A_903 = arith.constant 5.000000e+01 : f32
      %parallel_loop3A_904 = vector.broadcast %parallel_loop3A_902 : f32 to vector<16xf32>
      %parallel_loop3A_905 = arith.maximumf %parallel_loop3A_904, %parallel_loop3A_899 : vector<16xf32>
      %parallel_loop3A_906 = vector.broadcast %parallel_loop3A_903 : f32 to vector<16xf32>
      %parallel_loop3A_907 = arith.minimumf %parallel_loop3A_906, %parallel_loop3A_905 : vector<16xf32>
      %parallel_loop3A_908 = arith.fptosi %parallel_loop3A_907 : vector<16xf32> to vector<16xi32>
      %parallel_loop3A_909 = arith.constant 101 : i32
      %parallel_loop3A_910 = vector.broadcast %parallel_loop3A_909 : i32 to vector<16xi32>
      %parallel_loop3A_911 = arith.muli %parallel_loop3A_897, %parallel_loop3A_910 : vector<16xi32>
      %parallel_loop3A_912 = arith.constant 5100 : i32
      %parallel_loop3A_913 = vector.broadcast %parallel_loop3A_912 : i32 to vector<16xi32>
      %parallel_loop3A_914 = arith.addi %parallel_loop3A_908, %parallel_loop3A_913 : vector<16xi32>
      %parallel_loop3A_915 = arith.addi %parallel_loop3A_911, %parallel_loop3A_914 : vector<16xi32>
      %parallel_loop3A_916 = tpu.vector_load_idx %arg17[%parallel_loop3A_915] : memref<10208xf32, #tpu.memory_space<vmem>>[vector<16xi32>], vector<16xf32>,
      %parallel_loop3A_917 = tpu.vector_load_idx %arg18[%parallel_loop3A_915] : memref<10208xf32, #tpu.memory_space<vmem>>[vector<16xi32>], vector<16xf32>,
      %parallel_loop3A_918 = tpu.vector_load_idx %arg19[%parallel_loop3A_915] : memref<10208xi32, #tpu.memory_space<vmem>>[vector<16xi32>], vector<16xi32>,
      %parallel_loop3A_919 = arith.addf %parallel_loop3A_617, %parallel_loop3A_916 : vector<16xf32>
      %parallel_loop3A_920 = arith.addf %parallel_loop3A_625, %parallel_loop3A_917 : vector<16xf32>
      %parallel_loop3A_921 = arith.addi %parallel_loop3A_633, %parallel_loop3A_918 : vector<16xi32>
      scf.yield %parallel_loop3A_674, %parallel_loop3A_709, %parallel_loop3A_744, %parallel_loop3A_779, %parallel_loop3A_814, %parallel_loop3A_849, %parallel_loop3A_884, %parallel_loop3A_919, %parallel_loop3A_675, %parallel_loop3A_710, %parallel_loop3A_745, %parallel_loop3A_780, %parallel_loop3A_815, %parallel_loop3A_850, %parallel_loop3A_885, %parallel_loop3A_920, %parallel_loop3A_676, %parallel_loop3A_711, %parallel_loop3A_746, %parallel_loop3A_781, %parallel_loop3A_816, %parallel_loop3A_851, %parallel_loop3A_886, %parallel_loop3A_921 : vector<16xf32>, vector<16xf32>, vector<16xf32>, vector<16xf32>, vector<16xf32>, vector<16xf32>, vector<16xf32>, vector<16xf32>, vector<16xf32>, vector<16xf32>, vector<16xf32>, vector<16xf32>, vector<16xf32>, vector<16xf32>, vector<16xf32>, vector<16xf32>, vector<16xi32>, vector<16xi32>, vector<16xi32>, vector<16xi32>, vector<16xi32>, vector<16xi32>, vector<16xi32>, vector<16xi32>
    } {sc.loop_unroll_factor = 16 : i64, sc.parallel_access}
    %eq3A_348 = arith.constant 0 : i32
    %eq3A_349 = vector.broadcast %eq3A_348 : i32 to vector<16xi32>
    %eq3A_350 = arith.cmpi eq, %iota3A, %eq3A_349 : vector<16xi32>
    %reduce_sum3A_351 = arith.constant true
    %reduce_sum3A_352 = vector.broadcast %reduce_sum3A_351 : i1 to vector<16xi1>
    %reduce_sum3A_353 = tpu.scan <sum>, %parallel_loop3A_347#0 masked %reduce_sum3A_352 : vector<16xf32>, vector<16xi1> -> vector<16xf32>
    %reduce_sum3A_354 = vector.extract %reduce_sum3A_353[15] : f32 from vector<16xf32>
    %broadcast_in_dim3A_355 = vector.broadcast %reduce_sum3A_354 : f32 to vector<16xf32>
    %select_n3A_356 = arith.select %eq3A_350, %broadcast_in_dim3A_355, %broadcast_in_dim3A_70 : vector<16xi1>, vector<16xf32>
    %eq3A_357 = arith.constant 0 : i32
    %eq3A_358 = vector.broadcast %eq3A_357 : i32 to vector<16xi32>
    %eq3A_359 = arith.cmpi eq, %iota3A, %eq3A_358 : vector<16xi32>
    %reduce_sum3A_360 = arith.constant true
    %reduce_sum3A_361 = vector.broadcast %reduce_sum3A_360 : i1 to vector<16xi1>
    %reduce_sum3A_362 = tpu.scan <sum>, %parallel_loop3A_347#8 masked %reduce_sum3A_361 : vector<16xf32>, vector<16xi1> -> vector<16xf32>
    %reduce_sum3A_363 = vector.extract %reduce_sum3A_362[15] : f32 from vector<16xf32>
    %broadcast_in_dim3A_364 = vector.broadcast %reduce_sum3A_363 : f32 to vector<16xf32>
    %select_n3A_365 = arith.select %eq3A_359, %broadcast_in_dim3A_364, %broadcast_in_dim3A_70 : vector<16xi1>, vector<16xf32>
    %eq3A_366 = arith.constant 0 : i32
    %eq3A_367 = vector.broadcast %eq3A_366 : i32 to vector<16xi32>
    %eq3A_368 = arith.cmpi eq, %iota3A, %eq3A_367 : vector<16xi32>
    %reduce_sum3A_369 = arith.constant true
    %reduce_sum3A_370 = vector.broadcast %reduce_sum3A_369 : i1 to vector<16xi1>
    %reduce_sum3A_371 = tpu.scan <sum>, %parallel_loop3A_347#16 masked %reduce_sum3A_370 : vector<16xi32>, vector<16xi1> -> vector<16xi32>
    %reduce_sum3A_372 = vector.extract %reduce_sum3A_371[15] : i32 from vector<16xi32>
    %broadcast_in_dim3A_373 = vector.broadcast %reduce_sum3A_372 : i32 to vector<16xi32>
    %select_n3A_374 = arith.select %eq3A_368, %broadcast_in_dim3A_373, %broadcast_in_dim3A_72 : vector<16xi1>, vector<16xi32>
    %eq3A_375 = arith.constant 1 : i32
    %eq3A_376 = vector.broadcast %eq3A_375 : i32 to vector<16xi32>
    %eq3A_377 = arith.cmpi eq, %iota3A, %eq3A_376 : vector<16xi32>
    %reduce_sum3A_378 = arith.constant true
    %reduce_sum3A_379 = vector.broadcast %reduce_sum3A_378 : i1 to vector<16xi1>
    %reduce_sum3A_380 = tpu.scan <sum>, %parallel_loop3A_347#1 masked %reduce_sum3A_379 : vector<16xf32>, vector<16xi1> -> vector<16xf32>
    %reduce_sum3A_381 = vector.extract %reduce_sum3A_380[15] : f32 from vector<16xf32>
    %broadcast_in_dim3A_382 = vector.broadcast %reduce_sum3A_381 : f32 to vector<16xf32>
    %select_n3A_383 = arith.select %eq3A_377, %broadcast_in_dim3A_382, %select_n3A_356 : vector<16xi1>, vector<16xf32>
    %eq3A_384 = arith.constant 1 : i32
    %eq3A_385 = vector.broadcast %eq3A_384 : i32 to vector<16xi32>
    %eq3A_386 = arith.cmpi eq, %iota3A, %eq3A_385 : vector<16xi32>
    %reduce_sum3A_387 = arith.constant true
    %reduce_sum3A_388 = vector.broadcast %reduce_sum3A_387 : i1 to vector<16xi1>
    %reduce_sum3A_389 = tpu.scan <sum>, %parallel_loop3A_347#9 masked %reduce_sum3A_388 : vector<16xf32>, vector<16xi1> -> vector<16xf32>
    %reduce_sum3A_390 = vector.extract %reduce_sum3A_389[15] : f32 from vector<16xf32>
    %broadcast_in_dim3A_391 = vector.broadcast %reduce_sum3A_390 : f32 to vector<16xf32>
    %select_n3A_392 = arith.select %eq3A_386, %broadcast_in_dim3A_391, %select_n3A_365 : vector<16xi1>, vector<16xf32>
    %eq3A_393 = arith.constant 1 : i32
    %eq3A_394 = vector.broadcast %eq3A_393 : i32 to vector<16xi32>
    %eq3A_395 = arith.cmpi eq, %iota3A, %eq3A_394 : vector<16xi32>
    %reduce_sum3A_396 = arith.constant true
    %reduce_sum3A_397 = vector.broadcast %reduce_sum3A_396 : i1 to vector<16xi1>
    %reduce_sum3A_398 = tpu.scan <sum>, %parallel_loop3A_347#17 masked %reduce_sum3A_397 : vector<16xi32>, vector<16xi1> -> vector<16xi32>
    %reduce_sum3A_399 = vector.extract %reduce_sum3A_398[15] : i32 from vector<16xi32>
    %broadcast_in_dim3A_400 = vector.broadcast %reduce_sum3A_399 : i32 to vector<16xi32>
    %select_n3A_401 = arith.select %eq3A_395, %broadcast_in_dim3A_400, %select_n3A_374 : vector<16xi1>, vector<16xi32>
    %eq3A_402 = arith.constant 2 : i32
    %eq3A_403 = vector.broadcast %eq3A_402 : i32 to vector<16xi32>
    %eq3A_404 = arith.cmpi eq, %iota3A, %eq3A_403 : vector<16xi32>
    %reduce_sum3A_405 = arith.constant true
    %reduce_sum3A_406 = vector.broadcast %reduce_sum3A_405 : i1 to vector<16xi1>
    %reduce_sum3A_407 = tpu.scan <sum>, %parallel_loop3A_347#2 masked %reduce_sum3A_406 : vector<16xf32>, vector<16xi1> -> vector<16xf32>
    %reduce_sum3A_408 = vector.extract %reduce_sum3A_407[15] : f32 from vector<16xf32>
    %broadcast_in_dim3A_409 = vector.broadcast %reduce_sum3A_408 : f32 to vector<16xf32>
    %select_n3A_410 = arith.select %eq3A_404, %broadcast_in_dim3A_409, %select_n3A_383 : vector<16xi1>, vector<16xf32>
    %eq3A_411 = arith.constant 2 : i32
    %eq3A_412 = vector.broadcast %eq3A_411 : i32 to vector<16xi32>
    %eq3A_413 = arith.cmpi eq, %iota3A, %eq3A_412 : vector<16xi32>
    %reduce_sum3A_414 = arith.constant true
    %reduce_sum3A_415 = vector.broadcast %reduce_sum3A_414 : i1 to vector<16xi1>
    %reduce_sum3A_416 = tpu.scan <sum>, %parallel_loop3A_347#10 masked %reduce_sum3A_415 : vector<16xf32>, vector<16xi1> -> vector<16xf32>
    %reduce_sum3A_417 = vector.extract %reduce_sum3A_416[15] : f32 from vector<16xf32>
    %broadcast_in_dim3A_418 = vector.broadcast %reduce_sum3A_417 : f32 to vector<16xf32>
    %select_n3A_419 = arith.select %eq3A_413, %broadcast_in_dim3A_418, %select_n3A_392 : vector<16xi1>, vector<16xf32>
    %eq3A_420 = arith.constant 2 : i32
    %eq3A_421 = vector.broadcast %eq3A_420 : i32 to vector<16xi32>
    %eq3A_422 = arith.cmpi eq, %iota3A, %eq3A_421 : vector<16xi32>
    %reduce_sum3A_423 = arith.constant true
    %reduce_sum3A_424 = vector.broadcast %reduce_sum3A_423 : i1 to vector<16xi1>
    %reduce_sum3A_425 = tpu.scan <sum>, %parallel_loop3A_347#18 masked %reduce_sum3A_424 : vector<16xi32>, vector<16xi1> -> vector<16xi32>
    %reduce_sum3A_426 = vector.extract %reduce_sum3A_425[15] : i32 from vector<16xi32>
    %broadcast_in_dim3A_427 = vector.broadcast %reduce_sum3A_426 : i32 to vector<16xi32>
    %select_n3A_428 = arith.select %eq3A_422, %broadcast_in_dim3A_427, %select_n3A_401 : vector<16xi1>, vector<16xi32>
    %eq3A_429 = arith.constant 3 : i32
    %eq3A_430 = vector.broadcast %eq3A_429 : i32 to vector<16xi32>
    %eq3A_431 = arith.cmpi eq, %iota3A, %eq3A_430 : vector<16xi32>
    %reduce_sum3A_432 = arith.constant true
    %reduce_sum3A_433 = vector.broadcast %reduce_sum3A_432 : i1 to vector<16xi1>
    %reduce_sum3A_434 = tpu.scan <sum>, %parallel_loop3A_347#3 masked %reduce_sum3A_433 : vector<16xf32>, vector<16xi1> -> vector<16xf32>
    %reduce_sum3A_435 = vector.extract %reduce_sum3A_434[15] : f32 from vector<16xf32>
    %broadcast_in_dim3A_436 = vector.broadcast %reduce_sum3A_435 : f32 to vector<16xf32>
    %select_n3A_437 = arith.select %eq3A_431, %broadcast_in_dim3A_436, %select_n3A_410 : vector<16xi1>, vector<16xf32>
    %eq3A_438 = arith.constant 3 : i32
    %eq3A_439 = vector.broadcast %eq3A_438 : i32 to vector<16xi32>
    %eq3A_440 = arith.cmpi eq, %iota3A, %eq3A_439 : vector<16xi32>
    %reduce_sum3A_441 = arith.constant true
    %reduce_sum3A_442 = vector.broadcast %reduce_sum3A_441 : i1 to vector<16xi1>
    %reduce_sum3A_443 = tpu.scan <sum>, %parallel_loop3A_347#11 masked %reduce_sum3A_442 : vector<16xf32>, vector<16xi1> -> vector<16xf32>
    %reduce_sum3A_444 = vector.extract %reduce_sum3A_443[15] : f32 from vector<16xf32>
    %broadcast_in_dim3A_445 = vector.broadcast %reduce_sum3A_444 : f32 to vector<16xf32>
    %select_n3A_446 = arith.select %eq3A_440, %broadcast_in_dim3A_445, %select_n3A_419 : vector<16xi1>, vector<16xf32>
    %eq3A_447 = arith.constant 3 : i32
    %eq3A_448 = vector.broadcast %eq3A_447 : i32 to vector<16xi32>
    %eq3A_449 = arith.cmpi eq, %iota3A, %eq3A_448 : vector<16xi32>
    %reduce_sum3A_450 = arith.constant true
    %reduce_sum3A_451 = vector.broadcast %reduce_sum3A_450 : i1 to vector<16xi1>
    %reduce_sum3A_452 = tpu.scan <sum>, %parallel_loop3A_347#19 masked %reduce_sum3A_451 : vector<16xi32>, vector<16xi1> -> vector<16xi32>
    %reduce_sum3A_453 = vector.extract %reduce_sum3A_452[15] : i32 from vector<16xi32>
    %broadcast_in_dim3A_454 = vector.broadcast %reduce_sum3A_453 : i32 to vector<16xi32>
    %select_n3A_455 = arith.select %eq3A_449, %broadcast_in_dim3A_454, %select_n3A_428 : vector<16xi1>, vector<16xi32>
    %eq3A_456 = arith.constant 4 : i32
    %eq3A_457 = vector.broadcast %eq3A_456 : i32 to vector<16xi32>
    %eq3A_458 = arith.cmpi eq, %iota3A, %eq3A_457 : vector<16xi32>
    %reduce_sum3A_459 = arith.constant true
    %reduce_sum3A_460 = vector.broadcast %reduce_sum3A_459 : i1 to vector<16xi1>
    %reduce_sum3A_461 = tpu.scan <sum>, %parallel_loop3A_347#4 masked %reduce_sum3A_460 : vector<16xf32>, vector<16xi1> -> vector<16xf32>
    %reduce_sum3A_462 = vector.extract %reduce_sum3A_461[15] : f32 from vector<16xf32>
    %broadcast_in_dim3A_463 = vector.broadcast %reduce_sum3A_462 : f32 to vector<16xf32>
    %select_n3A_464 = arith.select %eq3A_458, %broadcast_in_dim3A_463, %select_n3A_437 : vector<16xi1>, vector<16xf32>
    %eq3A_465 = arith.constant 4 : i32
    %eq3A_466 = vector.broadcast %eq3A_465 : i32 to vector<16xi32>
    %eq3A_467 = arith.cmpi eq, %iota3A, %eq3A_466 : vector<16xi32>
    %reduce_sum3A_468 = arith.constant true
    %reduce_sum3A_469 = vector.broadcast %reduce_sum3A_468 : i1 to vector<16xi1>
    %reduce_sum3A_470 = tpu.scan <sum>, %parallel_loop3A_347#12 masked %reduce_sum3A_469 : vector<16xf32>, vector<16xi1> -> vector<16xf32>
    %reduce_sum3A_471 = vector.extract %reduce_sum3A_470[15] : f32 from vector<16xf32>
    %broadcast_in_dim3A_472 = vector.broadcast %reduce_sum3A_471 : f32 to vector<16xf32>
    %select_n3A_473 = arith.select %eq3A_467, %broadcast_in_dim3A_472, %select_n3A_446 : vector<16xi1>, vector<16xf32>
    %eq3A_474 = arith.constant 4 : i32
    %eq3A_475 = vector.broadcast %eq3A_474 : i32 to vector<16xi32>
    %eq3A_476 = arith.cmpi eq, %iota3A, %eq3A_475 : vector<16xi32>
    %reduce_sum3A_477 = arith.constant true
    %reduce_sum3A_478 = vector.broadcast %reduce_sum3A_477 : i1 to vector<16xi1>
    %reduce_sum3A_479 = tpu.scan <sum>, %parallel_loop3A_347#20 masked %reduce_sum3A_478 : vector<16xi32>, vector<16xi1> -> vector<16xi32>
    %reduce_sum3A_480 = vector.extract %reduce_sum3A_479[15] : i32 from vector<16xi32>
    %broadcast_in_dim3A_481 = vector.broadcast %reduce_sum3A_480 : i32 to vector<16xi32>
    %select_n3A_482 = arith.select %eq3A_476, %broadcast_in_dim3A_481, %select_n3A_455 : vector<16xi1>, vector<16xi32>
    %eq3A_483 = arith.constant 5 : i32
    %eq3A_484 = vector.broadcast %eq3A_483 : i32 to vector<16xi32>
    %eq3A_485 = arith.cmpi eq, %iota3A, %eq3A_484 : vector<16xi32>
    %reduce_sum3A_486 = arith.constant true
    %reduce_sum3A_487 = vector.broadcast %reduce_sum3A_486 : i1 to vector<16xi1>
    %reduce_sum3A_488 = tpu.scan <sum>, %parallel_loop3A_347#5 masked %reduce_sum3A_487 : vector<16xf32>, vector<16xi1> -> vector<16xf32>
    %reduce_sum3A_489 = vector.extract %reduce_sum3A_488[15] : f32 from vector<16xf32>
    %broadcast_in_dim3A_490 = vector.broadcast %reduce_sum3A_489 : f32 to vector<16xf32>
    %select_n3A_491 = arith.select %eq3A_485, %broadcast_in_dim3A_490, %select_n3A_464 : vector<16xi1>, vector<16xf32>
    %eq3A_492 = arith.constant 5 : i32
    %eq3A_493 = vector.broadcast %eq3A_492 : i32 to vector<16xi32>
    %eq3A_494 = arith.cmpi eq, %iota3A, %eq3A_493 : vector<16xi32>
    %reduce_sum3A_495 = arith.constant true
    %reduce_sum3A_496 = vector.broadcast %reduce_sum3A_495 : i1 to vector<16xi1>
    %reduce_sum3A_497 = tpu.scan <sum>, %parallel_loop3A_347#13 masked %reduce_sum3A_496 : vector<16xf32>, vector<16xi1> -> vector<16xf32>
    %reduce_sum3A_498 = vector.extract %reduce_sum3A_497[15] : f32 from vector<16xf32>
    %broadcast_in_dim3A_499 = vector.broadcast %reduce_sum3A_498 : f32 to vector<16xf32>
    %select_n3A_500 = arith.select %eq3A_494, %broadcast_in_dim3A_499, %select_n3A_473 : vector<16xi1>, vector<16xf32>
    %eq3A_501 = arith.constant 5 : i32
    %eq3A_502 = vector.broadcast %eq3A_501 : i32 to vector<16xi32>
    %eq3A_503 = arith.cmpi eq, %iota3A, %eq3A_502 : vector<16xi32>
    %reduce_sum3A_504 = arith.constant true
    %reduce_sum3A_505 = vector.broadcast %reduce_sum3A_504 : i1 to vector<16xi1>
    %reduce_sum3A_506 = tpu.scan <sum>, %parallel_loop3A_347#21 masked %reduce_sum3A_505 : vector<16xi32>, vector<16xi1> -> vector<16xi32>
    %reduce_sum3A_507 = vector.extract %reduce_sum3A_506[15] : i32 from vector<16xi32>
    %broadcast_in_dim3A_508 = vector.broadcast %reduce_sum3A_507 : i32 to vector<16xi32>
    %select_n3A_509 = arith.select %eq3A_503, %broadcast_in_dim3A_508, %select_n3A_482 : vector<16xi1>, vector<16xi32>
    %eq3A_510 = arith.constant 6 : i32
    %eq3A_511 = vector.broadcast %eq3A_510 : i32 to vector<16xi32>
    %eq3A_512 = arith.cmpi eq, %iota3A, %eq3A_511 : vector<16xi32>
    %reduce_sum3A_513 = arith.constant true
    %reduce_sum3A_514 = vector.broadcast %reduce_sum3A_513 : i1 to vector<16xi1>
    %reduce_sum3A_515 = tpu.scan <sum>, %parallel_loop3A_347#6 masked %reduce_sum3A_514 : vector<16xf32>, vector<16xi1> -> vector<16xf32>
    %reduce_sum3A_516 = vector.extract %reduce_sum3A_515[15] : f32 from vector<16xf32>
    %broadcast_in_dim3A_517 = vector.broadcast %reduce_sum3A_516 : f32 to vector<16xf32>
    %select_n3A_518 = arith.select %eq3A_512, %broadcast_in_dim3A_517, %select_n3A_491 : vector<16xi1>, vector<16xf32>
    %eq3A_519 = arith.constant 6 : i32
    %eq3A_520 = vector.broadcast %eq3A_519 : i32 to vector<16xi32>
    %eq3A_521 = arith.cmpi eq, %iota3A, %eq3A_520 : vector<16xi32>
    %reduce_sum3A_522 = arith.constant true
    %reduce_sum3A_523 = vector.broadcast %reduce_sum3A_522 : i1 to vector<16xi1>
    %reduce_sum3A_524 = tpu.scan <sum>, %parallel_loop3A_347#14 masked %reduce_sum3A_523 : vector<16xf32>, vector<16xi1> -> vector<16xf32>
    %reduce_sum3A_525 = vector.extract %reduce_sum3A_524[15] : f32 from vector<16xf32>
    %broadcast_in_dim3A_526 = vector.broadcast %reduce_sum3A_525 : f32 to vector<16xf32>
    %select_n3A_527 = arith.select %eq3A_521, %broadcast_in_dim3A_526, %select_n3A_500 : vector<16xi1>, vector<16xf32>
    %eq3A_528 = arith.constant 6 : i32
    %eq3A_529 = vector.broadcast %eq3A_528 : i32 to vector<16xi32>
    %eq3A_530 = arith.cmpi eq, %iota3A, %eq3A_529 : vector<16xi32>
    %reduce_sum3A_531 = arith.constant true
    %reduce_sum3A_532 = vector.broadcast %reduce_sum3A_531 : i1 to vector<16xi1>
    %reduce_sum3A_533 = tpu.scan <sum>, %parallel_loop3A_347#22 masked %reduce_sum3A_532 : vector<16xi32>, vector<16xi1> -> vector<16xi32>
    %reduce_sum3A_534 = vector.extract %reduce_sum3A_533[15] : i32 from vector<16xi32>
    %broadcast_in_dim3A_535 = vector.broadcast %reduce_sum3A_534 : i32 to vector<16xi32>
    %select_n3A_536 = arith.select %eq3A_530, %broadcast_in_dim3A_535, %select_n3A_509 : vector<16xi1>, vector<16xi32>
    %eq3A_537 = arith.constant 7 : i32
    %eq3A_538 = vector.broadcast %eq3A_537 : i32 to vector<16xi32>
    %eq3A_539 = arith.cmpi eq, %iota3A, %eq3A_538 : vector<16xi32>
    %reduce_sum3A_540 = arith.constant true
    %reduce_sum3A_541 = vector.broadcast %reduce_sum3A_540 : i1 to vector<16xi1>
    %reduce_sum3A_542 = tpu.scan <sum>, %parallel_loop3A_347#7 masked %reduce_sum3A_541 : vector<16xf32>, vector<16xi1> -> vector<16xf32>
    %reduce_sum3A_543 = vector.extract %reduce_sum3A_542[15] : f32 from vector<16xf32>
    %broadcast_in_dim3A_544 = vector.broadcast %reduce_sum3A_543 : f32 to vector<16xf32>
    %select_n3A_545 = arith.select %eq3A_539, %broadcast_in_dim3A_544, %select_n3A_518 : vector<16xi1>, vector<16xf32>
    %eq3A_546 = arith.constant 7 : i32
    %eq3A_547 = vector.broadcast %eq3A_546 : i32 to vector<16xi32>
    %eq3A_548 = arith.cmpi eq, %iota3A, %eq3A_547 : vector<16xi32>
    %reduce_sum3A_549 = arith.constant true
    %reduce_sum3A_550 = vector.broadcast %reduce_sum3A_549 : i1 to vector<16xi1>
    %reduce_sum3A_551 = tpu.scan <sum>, %parallel_loop3A_347#15 masked %reduce_sum3A_550 : vector<16xf32>, vector<16xi1> -> vector<16xf32>
    %reduce_sum3A_552 = vector.extract %reduce_sum3A_551[15] : f32 from vector<16xf32>
    %broadcast_in_dim3A_553 = vector.broadcast %reduce_sum3A_552 : f32 to vector<16xf32>
    %select_n3A_554 = arith.select %eq3A_548, %broadcast_in_dim3A_553, %select_n3A_527 : vector<16xi1>, vector<16xf32>
    %eq3A_555 = arith.constant 7 : i32
    %eq3A_556 = vector.broadcast %eq3A_555 : i32 to vector<16xi32>
    %eq3A_557 = arith.cmpi eq, %iota3A, %eq3A_556 : vector<16xi32>
    %reduce_sum3A_558 = arith.constant true
    %reduce_sum3A_559 = vector.broadcast %reduce_sum3A_558 : i1 to vector<16xi1>
    %reduce_sum3A_560 = tpu.scan <sum>, %parallel_loop3A_347#23 masked %reduce_sum3A_559 : vector<16xi32>, vector<16xi1> -> vector<16xi32>
    %reduce_sum3A_561 = vector.extract %reduce_sum3A_560[15] : i32 from vector<16xi32>
    %broadcast_in_dim3A_562 = vector.broadcast %reduce_sum3A_561 : i32 to vector<16xi32>
    %select_n3A_563 = arith.select %eq3A_557, %broadcast_in_dim3A_562, %select_n3A_536 : vector<16xi1>, vector<16xi32>
    %and3A = arith.constant 65535 : i32
    %and3A_564 = vector.broadcast %and3A : i32 to vector<16xi32>
    %and3A_565 = arith.andi %select_n3A_563, %and3A_564 : vector<16xi32>
    %ge3A = arith.constant 10 : i32
    %ge3A_566 = vector.broadcast %ge3A : i32 to vector<16xi32>
    %ge3A_567 = arith.cmpi sge, %and3A_565, %ge3A_566 : vector<16xi32>
    %convert_element_type3A = arith.extui %ge3A_567 : vector<16xi1> to vector<16xi32>
    %convert_element_type3A_568 = arith.sitofp %convert_element_type3A : vector<16xi32> to vector<16xf32>
    %shift_right_arithmetic3A = arith.constant 16 : i32
    %shift_right_arithmetic3A_569 = vector.broadcast %shift_right_arithmetic3A : i32 to vector<16xi32>
    %shift_right_arithmetic3A_570 = arith.shrsi %select_n3A_563, %shift_right_arithmetic3A_569 : vector<16xi32>
    %get3A_571 = arith.constant 0 : index
    %get3A_572 = tpu.vector_load %arg25[%get3A_571] {strides = array<i32>} : memref<16xf32, #tpu.memory_space<vmem>>, vector<16xf32>,
    %mul3A_573 = arith.constant 9.99999997E-7 : f32
    %mul3A_574 = vector.broadcast %mul3A_573 : f32 to vector<16xf32>
    %mul3A_575 = arith.mulf %get3A_572, %mul3A_574 : vector<16xf32>
    %mul3A_576 = arith.constant 3.000000e-03 : f32
    %mul3A_577 = vector.broadcast %mul3A_576 : f32 to vector<16xf32>
    %mul3A_578 = arith.mulf %mul3A_577, %convert_element_type3A_568 : vector<16xf32>
    %jit3A = arith.constant -4.000000e+02 : f32
    %jit3A_579 = arith.constant 4.000000e+02 : f32
    %max3A = vector.broadcast %jit3A : f32 to vector<16xf32>
    %max3A_580 = arith.maximumf %max3A, %select_n3A_545 : vector<16xf32>
    %min3A = vector.broadcast %jit3A_579 : f32 to vector<16xf32>
    %min3A_581 = arith.minimumf %min3A, %max3A_580 : vector<16xf32>
    %mul3A_582 = arith.mulf %mul3A_575, %select_n3A_307 : vector<16xf32>
    %sub3A = arith.subf %min3A_581, %mul3A_582 : vector<16xf32>
    %mul3A_583 = arith.mulf %mul3A_578, %sub3A : vector<16xf32>
    %sub3A_584 = arith.subf %select_n3A_330, %mul3A_583 : vector<16xf32>
    %mul3A_585 = arith.constant 3.000000e-03 : f32
    %mul3A_586 = vector.broadcast %mul3A_585 : f32 to vector<16xf32>
    %mul3A_587 = arith.mulf %mul3A_586, %convert_element_type3A_568 : vector<16xf32>
    %jit3A_588 = arith.constant -4.000000e+02 : f32
    %jit3A_589 = arith.constant 4.000000e+02 : f32
    %max3A_590 = vector.broadcast %jit3A_588 : f32 to vector<16xf32>
    %max3A_591 = arith.maximumf %max3A_590, %select_n3A_554 : vector<16xf32>
    %min3A_592 = vector.broadcast %jit3A_589 : f32 to vector<16xf32>
    %min3A_593 = arith.minimumf %min3A_592, %max3A_591 : vector<16xf32>
    %mul3A_594 = arith.mulf %mul3A_575, %select_n3A_316 : vector<16xf32>
    %sub3A_595 = arith.subf %min3A_593, %mul3A_594 : vector<16xf32>
    %mul3A_596 = arith.mulf %mul3A_587, %sub3A_595 : vector<16xf32>
    %sub3A_597 = arith.subf %select_n3A_323, %mul3A_596 : vector<16xf32>
    %swap3A = arith.constant 0 : index
    %swap3A_598 = tpu.vector_load %arg26[%swap3A] {strides = array<i32>} : memref<16xf32, #tpu.memory_space<vmem>>, vector<16xf32>,
    tpu.vector_store %arg26[%swap3A], %sub3A_597 {strides = array<i32>} : memref<16xf32, #tpu.memory_space<vmem>>, vector<16xf32>,
    %swap3A_599 = arith.constant 0 : index
    %swap3A_600 = tpu.vector_load %arg27[%swap3A_599] {strides = array<i32>} : memref<16xf32, #tpu.memory_space<vmem>>, vector<16xf32>,
    tpu.vector_store %arg27[%swap3A_599], %sub3A_584 {strides = array<i32>} : memref<16xf32, #tpu.memory_space<vmem>>, vector<16xf32>,
    %swap3A_601 = arith.constant 0 : index
    %swap3A_602 = tpu.vector_load %arg28[%swap3A_601] {strides = array<i32>} : memref<16xi32, #tpu.memory_space<vmem>>, vector<16xi32>,
    tpu.vector_store %arg28[%swap3A_601], %shift_right_arithmetic3A_570 {strides = array<i32>} : memref<16xi32, #tpu.memory_space<vmem>>, vector<16xi32>,
    %mul3A_603 = arith.constant 16 : i32
    %mul3A_604 = arith.muli %add3A, %mul3A_603 : i32
    "tpu.region"() ({
      %run_scoped3A = tpu.sem_alloc : memref<!tpu.dma_semaphore, #tpu.memory_space<semaphore_mem>>
      %dma_start3A_609 = tpu.memref_slice %arg12[%mul3A_604] : memref<512xf32, #tpu.memory_space<hbm>> -> memref<16xf32, #tpu.memory_space<hbm>>
      %dma_start3A_610 = tpu.memref_slice %arg12[%mul3A_604] : memref<512xf32, #tpu.memory_space<hbm>> -> memref<16xf32, #tpu.memory_space<hbm>>
      tpu.enqueue_dma source(%arg26 : memref<16xf32, #tpu.memory_space<vmem>>) target(%dma_start3A_610 : memref<16xf32, #tpu.memory_space<hbm>>) target_semaphore(%run_scoped3A : memref<!tpu.dma_semaphore, #tpu.memory_space<semaphore_mem>>)
      %dma_wait3A_611 = tpu.memref_slice %arg12[%mul3A_604] : memref<512xf32, #tpu.memory_space<hbm>> -> memref<16xf32, #tpu.memory_space<hbm>>
      %dma_wait3A_612 = tpu.memref_slice %arg12[%mul3A_604] : memref<512xf32, #tpu.memory_space<hbm>> -> memref<16xf32, #tpu.memory_space<hbm>>
      tpu.wait_dma2 semaphore(%run_scoped3A : memref<!tpu.dma_semaphore, #tpu.memory_space<semaphore_mem>>) src(%arg26 : memref<16xf32, #tpu.memory_space<vmem>>) dst(%dma_wait3A_612 : memref<16xf32, #tpu.memory_space<hbm>>)
      tpu.yield
    }) : () -> ()
    %mul3A_605 = arith.constant 16 : i32
    %mul3A_606 = arith.muli %add3A, %mul3A_605 : i32
    "tpu.region"() ({
      %run_scoped3A = tpu.sem_alloc : memref<!tpu.dma_semaphore, #tpu.memory_space<semaphore_mem>>
      %dma_start3A_609 = tpu.memref_slice %arg13[%mul3A_606] : memref<512xf32, #tpu.memory_space<hbm>> -> memref<16xf32, #tpu.memory_space<hbm>>
      %dma_start3A_610 = tpu.memref_slice %arg13[%mul3A_606] : memref<512xf32, #tpu.memory_space<hbm>> -> memref<16xf32, #tpu.memory_space<hbm>>
      tpu.enqueue_dma source(%arg27 : memref<16xf32, #tpu.memory_space<vmem>>) target(%dma_start3A_610 : memref<16xf32, #tpu.memory_space<hbm>>) target_semaphore(%run_scoped3A : memref<!tpu.dma_semaphore, #tpu.memory_space<semaphore_mem>>)
      %dma_wait3A_611 = tpu.memref_slice %arg13[%mul3A_606] : memref<512xf32, #tpu.memory_space<hbm>> -> memref<16xf32, #tpu.memory_space<hbm>>
      %dma_wait3A_612 = tpu.memref_slice %arg13[%mul3A_606] : memref<512xf32, #tpu.memory_space<hbm>> -> memref<16xf32, #tpu.memory_space<hbm>>
      tpu.wait_dma2 semaphore(%run_scoped3A : memref<!tpu.dma_semaphore, #tpu.memory_space<semaphore_mem>>) src(%arg27 : memref<16xf32, #tpu.memory_space<vmem>>) dst(%dma_wait3A_612 : memref<16xf32, #tpu.memory_space<hbm>>)
      tpu.yield
    }) : () -> ()
    %mul3A_607 = arith.constant 16 : i32
    %mul3A_608 = arith.muli %add3A, %mul3A_607 : i32
    "tpu.region"() ({
      %run_scoped3A = tpu.sem_alloc : memref<!tpu.dma_semaphore, #tpu.memory_space<semaphore_mem>>
      %dma_start3A_609 = tpu.memref_slice %arg14[%mul3A_608] : memref<512xi32, #tpu.memory_space<hbm>> -> memref<16xi32, #tpu.memory_space<hbm>>
      %dma_start3A_610 = tpu.memref_slice %arg14[%mul3A_608] : memref<512xi32, #tpu.memory_space<hbm>> -> memref<16xi32, #tpu.memory_space<hbm>>
      tpu.enqueue_dma source(%arg28 : memref<16xi32, #tpu.memory_space<vmem>>) target(%dma_start3A_610 : memref<16xi32, #tpu.memory_space<hbm>>) target_semaphore(%run_scoped3A : memref<!tpu.dma_semaphore, #tpu.memory_space<semaphore_mem>>)
      %dma_wait3A_611 = tpu.memref_slice %arg14[%mul3A_608] : memref<512xi32, #tpu.memory_space<hbm>> -> memref<16xi32, #tpu.memory_space<hbm>>
      %dma_wait3A_612 = tpu.memref_slice %arg14[%mul3A_608] : memref<512xi32, #tpu.memory_space<hbm>> -> memref<16xi32, #tpu.memory_space<hbm>>
      tpu.wait_dma2 semaphore(%run_scoped3A : memref<!tpu.dma_semaphore, #tpu.memory_space<semaphore_mem>>) src(%arg28 : memref<16xi32, #tpu.memory_space<vmem>>) dst(%dma_wait3A_612 : memref<16xi32, #tpu.memory_space<hbm>>)
      tpu.yield
    }) : () -> ()
    return
  }
}

</mosaic_0001>

<sc_bundles>
// kernel: kernel.3.cloned.1.call-start
scs
__scs_entry_jumppad:
0x0: {  	(pc) =	sbr.rel $0x88, $3  }
0x1: {  	(tag) =	ssettag $0x0;
	lr =	simm.s32 $0x1  }
0x2: {  	[smem:$0x3F9A] =	sst lr;
	_ =	strace $0xD0000000  }
0x3: {  	_ = 	snop  }
0x4: {  	_ = 	snop  }
0x5: {  	_ = 	snop  }
0x6: {  	_ = 	snop  }
0x7: {  	_ = 	snop  }
__scs_overlays_trampoline_lowered:
0x8: {  	[smem:$0x3FA9] =	sst s0  }
0x9: {  	[smem:$0x3FAA] =	sst s1  }
0xa: {  	[smem:$0x3FAB] =	sst s2  }
0xb: {  	[smem:$0x3FAC] =	sst s3  }
0xc: {  	[smem:$0x3FAD] =	sst s4  }
0xd: {  	[smem:$0x3FAE] =	sst s5  }
0xe: {  	[smem:$0x3FAF] =	sst s6  }
0xf: {  	[smem:$0x3FB0] =	sst s7  }
0x10: {  	[smem:$0x3FB1] =	sst s8  }
0x11: {  	[smem:$0x3FB2] =	sst s9;
	s0 =	simm.s32 @!p0 $0x0  }
0x12: {  	s1 =	sld [smem:$0x3F98];
	s0 =	simm.s32 @p0 $0x1  }
0x13: {  	[smem:$0x3FB3] =	sst s0;
	s0 =	simm.s32 @!p1 $0x0  }
0x14: {  	s2 =	sld [smem:$0x3F97];
	s0 =	simm.s32 @p1 $0x1  }
0x15: {  	[smem:$0x3FB4] =	sst s0;
	s0 =	simm.s32 @!p2 $0x0  }
0x16: {  	s3 =	sld [smem:$0x3FDB];
	s0 =	simm.s32 @p2 $0x1  }
0x17: {  	s4 =	simm.s32 $0x1BF5;
	[smem:$0x3FB6] =	sst s0  }
0x18: {  	s0 =	sld [smem:$0x3F99];
	_ =	swait.ge [sflag:s4], $0x0  }
0x19: {  	s7 =	sld [smem:$0x3F9A]  }
0x1a: {  	s8 =	sadd.s32 $0xFFFFE003, lr  }
0x1b: {  	s9 =	sadd.s32 $0xFFFFFEF7, lr;
	s5 =	simm.s32 $0xFFFFFFFF;
	p2 =	slt.u32 s8, $0xFFFFF086  }
0x1c: {  	p1 =	slt.u32 s9, $0xF7A;
	s5 =	simm.s32 @!p2 $0x0  }
0x1d: {  	s5 =	simm.s32 @p1 $0x1;
	p0 =	seq.s32 s7, s2  }
0x1e: {  	s7 =	smul.u32 @!p0 $0xF7A, s2;
	p2 =	seq.s32 @!p0 s5, $0x0  }
0x1f: {  	s9 =	smul.u32 $0xF7A, s1;
	s8 =	simm.s32 @!p0 $0x1BF5;
	p2 =	por !p2, p0  }
0x20: {  	[sflag:s8] =	ssyncset.s32 @!p0 $0xFFFFF086;
	s6 =	sadd.s32 @!p0 s3, s7;
	s7 =	simm.s32 @!p0 $0x108  }
0x21: {  	s3 =	sadd.s32 s3, s9;
	s6 =	sadd.s32 @!p0 $0x88, s6;
	s7 =	simm.s32 @p2 $0x1082  }
0x22: {  	[simem:s7], [sflag:s8] =	dma.local @!p0 [hbm:s6], $0xF7A  }
0x23: {  	s9 =	sor.u32 $0xD0000000, s2;
	s6 =	simm.s32 $0x108;
	_ =	swait.ge @!p0 [sflag:s8], $0x0  }
0x24: {  	s3 =	sadd.s32 $0x88, s3;
	s6 =	simm.s32 @!p1 $0x1082;
	[sflag:s4] =	ssyncset.s32 $0xFFFFF086  }
0x25: {  	[simem:s6], [sflag:s4] =	dma.local [hbm:s3], $0xF7A  }
0x26: {  	[smem:$0x3F9A] =	sst s1;
	(tag) =	ssettag s2;
	_ =	strace s9  }
0x27: {  	s1 =	sld [smem:$0x3FAA]  }
0x28: {  	s2 =	sld [smem:$0x3FAB]  }
0x29: {  	s4 =	sld [smem:$0x3FAD]  }
0x2a: {  	p0 =	seq.s32 s5, $0x0;
	s5 =	sld [smem:$0x3FAE]  }
0x2b: {  	s6 =	sld [smem:$0x3FAF]  }
0x2c: {  	s7 =	sld [smem:$0x3FB0]  }
0x2d: {  	s3 =	simm.s32 $0x108;
	s8 =	sld [smem:$0x3FB1]  }
0x2e: {  	s3 =	simm.s32 @!p0 $0x1082;
	s9 =	sld [smem:$0x3FB2]  }
0x2f: {  	lr =	sadd.s32 s0, s3;
	s0 =	sld [smem:$0x3FA9]  }
0x30: {  	s3 =	sld [smem:$0x3FAC]  }
0x31: {  	[smem:$0x3FB5] =	sst s10  }
0x32: {  	s10 =	sld [smem:$0x3FB3];
	_ =	sdelay $0x3  }
0x33: {  	p0 =	seq.s32 s10, $0x1;
	s10 =	sld [smem:$0x3FB5];
	_ =	sdelay $0x3  }
0x34: {  	[smem:$0x3FB5] =	sst s10  }
0x35: {  	s10 =	sld [smem:$0x3FB4];
	_ =	sdelay $0x3  }
0x36: {  	p1 =	seq.s32 s10, $0x1;
	s10 =	sld [smem:$0x3FB5];
	_ =	sdelay $0x3  }
0x37: {  	[smem:$0x3FB5] =	sst s10  }
0x38: {  	s10 =	sld [smem:$0x3FB6]  }
0x39: {  	_ = 	snop;
	(pc) =	sbr.ind lr, $3  }
0x3a: {  	_ = 	snop  }
0x3b: {  	_ = 	snop  }
0x3c: {  	p2 =	seq.s32 s10, $0x1;
	s10 =	sld [smem:$0x3FB5]  }
0x3d: {  	_ =	shalt  }
0x3e: {  	_ =	shalt  }
0x3f: {  	_ =	shalt  }
0x40: {  	_ =	shalt  }
0x41: {  	_ =	shalt  }
0x42: {  	_ =	shalt  }
0x43: {  	_ =	shalt  }
0x44: {  	_ =	shalt  }
0x45: {  	_ =	shalt  }
0x46: {  	_ =	shalt  }
0x47: {  	_ =	shalt  }
0x48: {  	_ =	shalt  }
0x49: {  	_ =	shalt  }
0x4a: {  	_ =	shalt  }
0x4b: {  	_ =	shalt  }
0x4c: {  	_ =	shalt  }
0x4d: {  	_ =	shalt  }
0x4e: {  	_ =	shalt  }
0x4f: {  	_ =	shalt  }
0x50: {  	_ =	shalt  }
0x51: {  	_ =	shalt  }
0x52: {  	_ =	shalt  }
0x53: {  	_ =	shalt  }
0x54: {  	_ =	shalt  }
0x55: {  	_ =	shalt  }
0x56: {  	_ =	shalt  }
0x57: {  	_ =	shalt  }
0x58: {  	_ =	shalt  }
0x59: {  	_ =	shalt  }
0x5a: {  	_ =	shalt  }
0x5b: {  	_ =	shalt  }
0x5c: {  	_ =	shalt  }
0x5d: {  	_ =	shalt  }
0x5e: {  	_ =	shalt  }
0x5f: {  	_ =	shalt  }
0x60: {  	_ =	shalt  }
0x61: {  	_ =	shalt  }
0x62: {  	_ =	shalt  }
0x63: {  	_ =	shalt  }
0x64: {  	_ =	shalt  }
0x65: {  	_ =	shalt  }
0x66: {  	_ =	shalt  }
0x67: {  	_ =	shalt  }
0x68: {  	_ =	shalt  }
0x69: {  	_ =	shalt  }
0x6a: {  	_ =	shalt  }
0x6b: {  	_ =	shalt  }
0x6c: {  	_ =	shalt  }
0x6d: {  	_ =	shalt  }
0x6e: {  	_ =	shalt  }
0x6f: {  	_ =	shalt  }
0x70: {  	_ =	shalt  }
0x71: {  	_ =	shalt  }
0x72: {  	_ =	shalt  }
0x73: {  	_ =	shalt  }
0x74: {  	_ =	shalt  }
0x75: {  	_ =	shalt  }
0x76: {  	_ =	shalt  }
0x77: {  	_ =	shalt  }
0x78: {  	_ =	shalt  }
0x79: {  	_ =	shalt  }
0x7a: {  	_ =	shalt  }
0x7b: {  	_ =	shalt  }
0x7c: {  	_ =	shalt  }
0x7d: {  	_ =	shalt  }
0x7e: {  	_ =	shalt  }
0x7f: {  	_ =	shalt  }
0x80: {  	_ =	shalt  }
0x81: {  	_ =	shalt  }
0x82: {  	_ =	shalt  }
0x83: {  	_ =	shalt  }
0x84: {  	_ =	shalt  }
0x85: {  	_ =	shalt  }
0x86: {  	_ =	shalt  }
0x87: {  	_ =	shalt  }
.Lfunc_end0:
.L_simem_size_0:
called_computation_lowered:
.L_overlay_start_0:
0x88: {  	s2 =	sld [smem:$0x3FD9]  }
0x89: {  	s3 =	sld [smem:$0x3FFE];
	_ =	sdelay $0x1  }
0x8a: {  	s1 =	srdreg.scid  }
0x8b: {  	s0 =	sand.u32 $0x1, s1  }
0x8c: {  	s14 =	sshll.u32 s0, $0xA;
	s2 =	sadd.s32 s3, s2  }
0x8d: {  	s2 =	sadd.s32 s2, s14  }
0x8e: {  	[smem:$0x3FC1] =	sst s2  }
0x8f: {  	_ = 	snop  }
0x90: {  	s2 =	sld [smem:$0x3FD0];
	_ =	sdelay $0x1  }
0x91: {  	s15 =	sld [smem:$0x3FC5]  }
0x92: {  	s5 =	simm.s32 $0xA;
	s6 =	simm.s32 $0x10;
	s4 =	sld [smem:$0x3FC4]  }
0x93: {  	[smem:s6], [sflag:s5] =	dma.local [hbm:s2], $0x1  }
0x94: {  	_ =	swait.eq [sflag:s5], $0x1  }
0x95: {  	[sflag:s5] =	ssyncset.done $0x0  }
0x96: {  	s16 =	sld [smem:$0x10];
	[sflag:s5] =	ssyncadd.s32 $0xFFFFFFFF  }
0x97: {  	s17 =	sld [smem:$0x11];
	(tm) =	ssettm $0x1  }
0x98: {  	s18 =	sld [smem:$0x3FFB];
	_ =	sdelay $0x3  }
0x99: {  	_ =	strace s18  }
0x9a: {  	s6 =	sld [smem:$0x3FFC];
	_ =	sdelay $0x3  }
0x9b: {  	_ =	strace s6  }
0x9c: {  	s6 =	sld [smem:$0x3FFD];
	_ =	sdelay $0x3  }
0x9d: {  	_ =	strace s6  }
0x9e: {  	_ =	strace $0x8FFFFFFF  }
0x9f: {  	s19 =	sld [smem:$0x3FDB];
	_ =	sdelay $0x1  }
0xa0: {  	s7 =	simm.s32 $_scs_section_size  }
0xa1: {  	s8 =	simm.s32 $_size__tile_overlayer_lowered;
	s9 =	simm.s32 $_tile_overlayer_lowered  }
0xa2: {  	s22 =	simm.s32 $0x1BFF;
	s21 =	sshll.u32 s9, $0x1;
	s6 =	sadd.s32 s7, s19  }
0xa3: {  	s10 =	simm.s32 $0x0;
	s20 =	sshll.u32 s8, $0x1;
	s8 =	sadd.s32 s21, s6  }
0xa4: {  	[timem:s10], [sflag:s22] =	dma.local [hbm:s8], s20  }
0xa5: {  	_ =	swait.ge [sflag:s22], s20  }
0xa6: {  	s7 =	ssub.s32 $0x0, s20;
	[sflag:s22] =	ssyncset.done $0x0  }
0xa7: {  	[sflag:s22] =	ssyncadd.s32 s7;
	_ =	sdelay $0x1  }
0xa8: {  	s23 =	simm.s32 $0x1B8B  }
0xa9: {  	_ =	swait.ge [sflag:s23], $0x1  }
0xaa: {  	[sflag:s23] =	ssyncset.done $0x0  }
0xab: {  	s25 =	simm.s32 $0x1B8E;
	s24 =	sld [smem:$0x3FFE];
	[sflag:s23] =	ssyncadd.s32 $0xFFFFFFFF  }
0xac: {  	s26 =	simm.s32 $execute0_lowered;
	[smem:$0x3FD2] =	sst s25  }
0xad: {  	s8 =	sshll.u32 s26, $0x1;
	_ =	strace $0x80000046;
	[dreg:$0x1] =	wrdreg $0xFFFFFFFF  }
0xae: {  	s28 =	simm.s32 $_size_execute0_lowered;
	s6 =	sadd.s32 s6, s8;
	[dreg:$0x0] =	wrdreg $0x0  }
0xaf: {  	s8 =	sshll.u32 s28, $0x1;
	[dreg:$0x2] =	wrdreg s6  }
0xb0: {  	[dreg:$0x3] =	wrdreg s8  }
0xb1: {  	[dreg:$0x4] =	wrdreg $0xC0  }
0xb2: {  	_ =	task [dreg:s10], $0x5FFFF  }
0xb3: {  	[dreg:$0x1] =	wrdreg $0xFFFFFFFF  }
0xb4: {  	[dreg:$0x0] =	wrdreg $0x60  }
0xb5: {  	[dreg:$0x2] =	wrdreg s24  }
0xb6: {  	[dreg:$0x3] =	wrdreg s16  }
0xb7: {  	[dreg:$0x4] =	wrdreg s17  }
0xb8: {  	[dreg:$0x5] =	wrdreg s15  }
0xb9: {  	[dreg:$0x6] =	wrdreg s4  }
0xba: {  	[dreg:$0x7] =	wrdreg $0x9  }
0xbb: {  	_ =	task.clear_ibuf [dreg:s10], $0x8FFFF;
	_ =	strace $0x90000046  }
0xbc: {  	s29 =	simm.s32 $0x9;
	_ =	strace $0x80000048  }
0xbd: {  	_ =	swait.ge [sflag:s29], $0x1  }
0xbe: {  	[sflag:s29] =	ssyncadd.s32 $0xFFFFFFFF  }
0xbf: {  	_ =	strace $0x90000048  }
0xc0: {  	_ =	sfence  }
0xc1: {  	s30 =	sld [smem:$0x0];
	_ =	sdelay $0x2  }
0xc2: {  	s31 =	sshll.u32 s1, $0xD;
	s1 =	sshrl.u32 s1, $0x2  }
0xc3: {  	s3 =	sand.u32 $0x4000, s31;
	s1 =	sadd.s32 s1, s30  }
0xc4: {  	s0 =	sor.u32 s3, s0;
	s1 =	sshll.u32 s1, $0x11  }
0xc5: {  	s0 =	sor.u32 s1, s0  }
0xc6: {  	s0 =	sadd.s32 $0x8F2B, s0  }
0xc7: {  	[sflag:s0] =	ssyncadd.remote.s32 $0x1  }
0xc8: {  	_ =	sfence.sel $0xFFFF  }
0xc9: {  	[dreg:$0x0] =	wrdreg $0xFFFFFFFF;
	(pc) =	sbr.abs _section_cstart, $3  }
0xca: {  	[dreg:$0x1] =	wrdreg $0xFFFFFFFF  }
0xcb: {  	_ =	task.clear_ibuf [dreg:s10], $0x2FFFF;
	_ =	strace $0x9FFFFFFF  }
0xcc: {  	(tm) =	ssettm $0x7FFFFFFF  }
0xcd: {  	_ =	shalt  }
tec
execute0_lowered:
.L_overlay_start_1:
0x0: {  	(tag) =	ssettag $0x1  }
0x1: {  	s0 =	rddreg [dreg:$0x0]  }
0x2: {  	s1 =	rddreg [dreg:$0x1]  }
0x3: {  	s3 =	rddreg [dreg:$0x3]  }
0x4: {  	s13 =	rddreg [dreg:$0x4];
	s2 =	simm.s32 $0x0;
	s6 =	srdreg.scid  }
0x5: {  	s7 =	stileid.u32;
	s21 =	simm.s32 $0x8000;
	s22 =	simm.s32 $0xA800  }
0x6: {  	s23 =	simm.s32 $0xD000;
	s29 =	simm.s32 $0x2;
	s30 =	simm.s32 $0x1  }
0x7: {  	s20 =	simm.s32 $0x0;
	[smem:$0x7FF] =	sst s2;
	s4 =	sadd.s32 $0x2200, s0  }
0x8: {  	s5 =	sadd.s32 $0x1000, s0;
	s9 =	sand.u32 $0x1, s6;
	s8 =	sshll.u32 s7, $0x1  }
0x9: {  	s6 =	sadd.s32 $0x1600, s0;
	s7 =	sadd.s32 $0x1C00, s0;
	_ =	strace $0x80000047  }
0xa: {  	s11 =	sor.u32 s9, s8;
	s8 =	sadd.s32 $0xE00, s0;
	s10 =	ssub.s32 $0x2, s9  }
0xb: {  	s9 =	sadd.s32 $0x3200, s0;
	s12 =	sshll.u32 s11, $0x1;
	s14 =	sshrl.u32 s10, $0x1  }
0xc: {  	s31 =	sshll.u32 s11, $0x8;
	s16 =	sadd.s32 s12, s0;
	s17 =	ssub.s32 s10, s14  }
0xd: {  	vm0 =	vcmask $0x320;
	s10 =	sadd.s32 $0x2210, s0;
	s11 =	sadd.s32 s1, s12;
	s12 =	sadd.s32 s3, s31  }
0xe: {  	vm1 =	vcmask $0x720;
	vm2 =	vcmask $0xB20;
	vm3 =	vcmask $0xF20;
	s13 =	sadd.s32 s13, s31;
	s0 =	simm.s32 $0x3;
	s14 =	sadd.s32 $0x3400, s16  }
0xf: {  	vm4 =	vcmask $0x1320;
	vm5 =	vcmask $0x1720;
	vm6 =	vcmask $0x1B20;
	s15 =	sadd.s32 $0x3600, s16;
	s16 =	sadd.s32 $0x3800, s16;
	s17 =	smax.u32 s17, $0x1  }
.LBB2_1:
0x10: {  	s1 =	simm.s32 $0x80;
	s3 =	simm.s32 $0x100  }
0x11: {  	[tilespmem:s2], [sflag:$0x1] =	stream.strided.gather [hbm4b:s4+s1], $0x4000, s3, s1, $0x38;
	[tilespmem:$0x10C80] =	vst v63  }
0x12: {  	s18 =	simm.s32 $0x4000  }
0x13: {  	[tilespmem:s18], [sflag:$0x1] =	stream.strided.gather [hbm4b:s10+s1], $0x4000, s3, s1, $0x38;
	[tilespmem:$0x10C80] =	vst v63  }
0x14: {  	_ = 	snop  }
0x15: {  	[tilespmem:s21], [sflag:$0x1] =	stream.linear.gather [hbm4b:s5+s2], $0x2800, $0x38;
	[tilespmem:$0x10C80] =	vst v63  }
0x16: {  	_ = 	snop  }
0x17: {  	[tilespmem:s22], [sflag:$0x1] =	stream.linear.gather [hbm4b:s6+s2], $0x2800, $0x38;
	[tilespmem:$0x10C80] =	vst v63  }
0x18: {  	_ = 	snop  }
0x19: {  	[tilespmem:s23], [sflag:$0x1] =	stream.linear.gather [hbm4b:s7+s2], $0x2800, $0x38;
	[tilespmem:$0x10C80] =	vst v63  }
0x1a: {  	s25 =	simm.s32 $0xF800  }
0x1b: {  	[tilespmem:s25], [sflag:$0x2] =	stream.linear.gather [hbm4b:s11+s2], $0x10, $0x38;
	[tilespmem:$0x10C80] =	vst v63  }
0x1c: {  	s25 =	simm.s32 $0xF880  }
0x1d: {  	[tilespmem:s25], [sflag:$0x2] =	stream.linear.gather [hbm4b:s8+s2], $0x100, $0x38;
	[tilespmem:$0x10C80] =	vst v63  }
0x1e: {  	s24 =	simm.s32 $0xF980;
	s26 =	rddreg [dreg:$0x2]  }
0x1f: {  	[tilespmem:s24], [sflag:$0x2] =	stream.linear.gather [hbm4b:s26+s2], $0x100, $0x38;
	[tilespmem:$0x10C80] =	vst v63  }
0x20: {  	s31 =	simm.s32 $0xFA80  }
0x21: {  	[tilespmem:s31], [sflag:$0x2] =	stream.linear.gather [hbm4b:s12+s2], $0x800, $0x38;
	[tilespmem:$0x10C80] =	vst v63  }
0x22: {  	s3 =	simm.s32 $0x10280  }
0x23: {  	[tilespmem:s3], [sflag:$0x2] =	stream.linear.gather [hbm4b:s13+s2], $0x800, $0x38;
	[tilespmem:$0x10C80] =	vst v63  }
0x24: {  	s18 =	simm.s32 $0x10A80  }
0x25: {  	[tilespmem:s18], [sflag:$0x2] =	stream.linear.gather [hbm4b:s9+s2], $0x80, $0x38;
	[tilespmem:$0x10C80] =	vst v63  }
0x26: {  	_ =	swait.ge [sflag:s29], $0x10  }
0x27: {  	[sflag:s29] =	ssyncset.done $0x0  }
0x28: {  	[sflag:s29] =	ssyncadd.s32 $0xFFFFFFF0  }
0x29: {  	_ =	swait.ge [sflag:s29], $0x100  }
0x2a: {  	[sflag:s29] =	ssyncset.done $0x0  }
0x2b: {  	[sflag:s29] =	ssyncadd.s32 $0xFFFFFF00  }
0x2c: {  	_ =	swait.ge [sflag:s29], $0x100  }
0x2d: {  	[sflag:s29] =	ssyncset.done $0x0  }
0x2e: {  	[sflag:s29] =	ssyncadd.s32 $0xFFFFFF00  }
0x2f: {  	_ =	swait.ge [sflag:s29], $0x800  }
0x30: {  	[sflag:s29] =	ssyncset.done $0x0  }
0x31: {  	[sflag:s29] =	ssyncadd.s32 $0xFFFFF800  }
0x32: {  	_ =	swait.ge [sflag:s29], $0x800  }
0x33: {  	[sflag:s29] =	ssyncset.done $0x0  }
0x34: {  	[sflag:s29] =	ssyncadd.s32 $0xFFFFF800  }
0x35: {  	_ =	swait.ge [sflag:s29], $0x80  }
0x36: {  	[sflag:s29] =	ssyncset.done $0x0  }
0x37: {  	[sflag:s29] =	ssyncadd.s32 $0xFFFFFF80  }
0x38: {  	v9 =	vld [tilespmem:$0xF800];
	_ =	sdelay $0x1  }
0x39: {  	s26 =	sand.u32 $0xFFFFFC00, s2  }
0x3a: {  	s19 =	sadd.s32 $0x0, s26;
	v1 =	vld [tilespmem:s25+$0x0]  }
0x3b: {  	s26 =	sor.u32 $0x280, s19;
	v2 =	vld [tilespmem:s24+$0x0]  }
0x3c: {  	s28 =	sor.u32 $0x80, s19;
	v3 =	vld [tilespmem:s26+$0xFA80];
	v12 =	vbroadcast v9, $0x1;
	v31 =	vbroadcast v9, $0x0  }
0x3d: {  	v0 =	vld [tilespmem:s28+$0xFA80];
	v19 =	vbroadcast v9, $0x3;
	v16 =	vbroadcast v9, $0x2  }
0x3e: {  	s25 =	sor.u32 $0x180, s19;
	v13 =	vld [tilespmem:s26+$0x10280];
	v15 =	vbroadcast v9, $0x5;
	v11 =	vbroadcast v9, $0x4  }
0x3f: {  	v44 =	vimm.f32 $0.0e+00;
	s26 =	sor.u32 s2, s2;
	v4 =	vld [tilespmem:s25+$0xFA80];
	v17 =	vbroadcast v9, $0x7;
	v14 =	vbroadcast v9, $0x6  }
0x40: {  	v42 =	vimm.f32 $0.0e+00;
	v6 =	vld [tilespmem:s25+$0x10280];
	s25 =	sor.u32 $0x380, s26;
	v27 =	vbroadcast v9, $0x9;
	v10 =	vbroadcast v9, $0x8  }
0x41: {  	v43 =	vimm.f32 $0.0e+00;
	v23 =	vld [tilespmem:s25+$0x10280];
	v29 =	vbroadcast v9, $0xB;
	v7 =	vbroadcast v9, $0xA  }
0x42: {  	v40 =	vimm.f32 $0.0e+00;
	s31 =	sand.u32 $0x400, s2;
	v5 =	vld [tilespmem:s28+$0x10280];
	s28 =	sand.u32 $0x70, s2;
	v20 =	vbroadcast v9, $0xD;
	v8 =	vbroadcast v9, $0xC  }
0x43: {  	s31 =	sor.u32 s28, s31;
	v21 =	vbroadcast v9, $0xF;
	[tilespmem:$0x1FED0] =	vst v9;
	v9 =	vbroadcast v9, $0xE;
	v18 =	vsub.f32 v2, v19  }
0x44: {  	v28 =	vld [tilespmem:s31+$0xFD80];
	v52 =	vmul.f32 v13, v13;
	v22 =	vsub.f32 v2, v17;
	v30 =	vsub.f32 v1, v16  }
0x45: {  	v33 =	vld [tilespmem:s25+$0xFA80];
	v41 =	vmul.f32 v6, v6;
	v24 =	vsub.f32 v2, v29;
	v47 =	vsub.f32 v1, v8  }
0x46: {  	v36 =	vld [tilespmem:s31+$0xFB80];
	[tilespmem:$0x1FEF0] =	vst v12;
	v51 =	vmul.f32 v23, v23;
	v23 =	vsub.f32 v2, v20;
	v50 =	vsub.f32 v1, v7  }
0x47: {  	v13 =	vld [tilespmem:s31+$0x10480];
	[tilespmem:$0x1FF60] =	vst v7;
	v7 =	vsub.f32 v2, v15;
	v32 =	vmul.f32 v0, v18;
	v25 =	vmul.f32 v4, v22  }
0x48: {  	v26 =	vld [tilespmem:s31+$0xFA80];
	[tilespmem:$0x1FEE0] =	vst v18;
	v18 =	vsub.f32 v2, v12;
	v12 =	vmul.f32 v5, v5;
	v34 =	vmul.f32 v3, v24  }
0x49: {  	v53 =	vsub.f32 v1, v9;
	v35 =	vmul.f32 v0, v30;
	v6 =	vmul.f32 v28, v47  }
0x4a: {  	v56 =	vsub.f32 v1, v14;
	v28 =	vmul.f32 v28, v23;
	v3 =	vmul.f32 v3, v50  }
0x4b: {  	v39 =	vimm.f32 $0.0e+00;
	[tilespmem:$0x1FF20] =	vst v8;
	v45 =	vmul.f32 v36, v7;
	v55 =	vmul.f32 v33, v53  }
0x4c: {  	v48 =	vsub.f32 v2, v21;
	[tilespmem:$0x1FF30] =	vst v31;
	v4 =	vmul.f32 v4, v56;
	v63 =	vmul.f32 v13, v13  }
0x4d: {  	v38 =	vimm.f32 $0.0e+00;
	[tilespmem:$0x1FF50] =	vst v10;
	v49 =	vmul.f32 v25, v25;
	v0 =	vmul.f32 v26, v18  }
0x4e: {  	[tilespmem:$0x1FF00] =	vst v22;
	v5 =	vld [tilespmem:s31+$0x10380];
	v25 =	vsub.f32 v1, v31;
	v31 =	vmul.f32 v33, v48;
	v28 =	vmul.f32 v28, v28  }
0x4f: {  	v22 =	vsub.f32 v2, v27;
	[tilespmem:$0x1FF10] =	vst v30;
	v30 =	vld [tilespmem:s31+$0xFC80];
	v2 =	vmul.f32 v34, v34;
	v3 =	vmul.f32 v3, v3  }
0x50: {  	v54 =	vsub.f32 v1, v10;
	[tilespmem:$0x1FF70] =	vst v11;
	v13 =	vmul.f32 v32, v32;
	v61 =	vmul.f32 v6, v6  }
0x51: {  	[tilespmem:$0x1FF80] =	vst v9;
	v33 =	vimm.f32 $0.0e+00;
	v32 =	vimm.f32 $0.0e+00;
	v59 =	vmul.f32 v26, v25  }
0x52: {  	[tilespmem:$0x1FFA0] =	vst v27;
	v34 =	vimm.f32 $0.0e+00;
	v26 =	vld [tilespmem:s31+$0x10580];
	v0 =	vmul.f32 v0, v0;
	v62 =	vmul.f32 v31, v31  }
0x53: {  	[tilespmem:$0x1FFB0] =	vst v29;
	v3 =	vadd.f32 v3, v2;
	v2 =	vmul.f32 v35, v35;
	v5 =	vmul.f32 v5, v5  }
0x54: {  	[tilespmem:$0x1FFC0] =	vst v20;
	v58 =	vadd.f32 v61, v28;
	v28 =	vimm.f32 $0.0e+00;
	v37 =	vmul.f32 v30, v54  }
0x55: {  	v35 =	vimm.f32 $0.0e+00;
	[tilespmem:$0x1FF40] =	vst v5;
	v5 =	vmul.f32 v30, v22;
	v30 =	vsub.f32 v1, v11  }
0x56: {  	[tilespmem:$0x1FFD0] =	vst v21;
	v46 =	vmul.f32 v37, v37;
	v1 =	vmul.f32 v45, v45;
	v45 =	vimm.f32 $0.0e+00  }
0x57: {  	[tilespmem:$0x1FFE0] =	vst v17;
	v37 =	vimm.f32 $0.0e+00;
	v5 =	vmul.f32 v5, v5;
	v60 =	vmul.f32 v26, v26  }
0x58: {  	[tilespmem:$0x1FFF0] =	vst v19;
	v57 =	vmul.f32 v36, v30;
	v26 =	vimm.f32 $0.0e+00;
	v36 =	vimm.f32 $0.0e+00  }
0x59: {  	s26 =	simm.s32 $0x80;
	s28 =	simm.s32 $0xF890;
	s25 =	simm.s32 $0x10;
	[tilespmem:$0x1FF90] =	vst v7;
	v61 =	vld [tilespmem:s31+$0x10280];
	v6 =	vadd.f32 v46, v5;
	v5 =	vmul.f32 v55, v55;
	v46 =	vimm.f32 $0.0e+00  }
.LBB2_2:
0x5a: {  	s31 =	sand.u32 $0xFFFFFC00, s26;
	v55 =	vld [tilespmem:s28+$0x0];
	v7 =	vmul.f32 v57, v57  }
0x5b: {  	s24 =	sadd.s32 $0x10, s24;
	v31 =	vld [tilespmem:$0x1FF20];
	s31 =	sadd.s32 s31, s25  }
0x5c: {  	v57 =	vld [tilespmem:s24+$0x0];
	s18 =	sor.u32 $0x280, s31;
	v1 =	vadd.f32 v7, v1  }
0x5d: {  	v6 =	vsub.f32 v6, v63;
	v4 =	vmul.f32 v4, v4;
	v7 =	vld [tilespmem:s18+$0xFA80]  }
0x5e: {  	v3 =	vsub.f32 v3, v52;
	v5 =	vadd.f32 v5, v62;
	s1 =	sor.u32 $0x80, s31;
	[tilespmem:$0x1FEA0] =	vst v1;
	v1 =	vld [tilespmem:$0x1FEF0]  }
0x5f: {  	v11 =	vmul.f32 v59, v59;
	v2 =	vadd.f32 v2, v13;
	s31 =	sor.u32 $0x180, s31;
	v4 =	vadd.f32 v4, v49;
	v49 =	vld [tilespmem:s1+$0xFA80]  }
0x60: {  	v13 =	vmul.f32 v3, v24;
	v5 =	vsub.f32 v5, v51;
	v24 =	vsub.f32 v58, v60;
	v58 =	vld [tilespmem:s31+$0xFA80]  }
0x61: {  	v3 =	vmul.f32 v3, v50;
	v50 =	vld [tilespmem:s1+$0x10280];
	v0 =	vadd.f32 v11, v0;
	v61 =	vmul.f32 v61, v61  }
0x62: {  	s3 =	smov.u32 s25;
	v54 =	vmul.f32 v6, v54;
	v62 =	vmul.f32 v5, v53;
	v53 =	vld [tilespmem:s31+$0x10280]  }
0x63: {  	s19 =	sand.u32 $0x400, s26;
	s1 =	sand.u32 $0x70, s3;
	v63 =	vmul.f32 v24, v47;
	v0 =	vsub.f32 v0, v61;
	v47 =	vsub.f32 v57, v1;
	v1 =	vld [tilespmem:$0x1FEE0]  }
0x64: {  	v6 =	vmul.f32 v6, v22;
	v2 =	vsub.f32 v2, v12;
	v5 =	vmul.f32 v5, v48;
	s31 =	sor.u32 s1, s19;
	v48 =	vld [tilespmem:s18+$0x10280]  }
0x65: {  	v11 =	vld [tilespmem:s31+$0xFA80];
	v22 =	vsub.f32 v57, v27;
	v27 =	vmul.f32 v0, v25;
	v0 =	vmul.f32 v0, v18  }
0x66: {  	v8 =	vmul.f32 v24, v23;
	v51 =	vsub.f32 v57, v19;
	v24 =	vsub.f32 v57, v29;
	v29 =	vld [tilespmem:$0x1FF60]  }
0x67: {  	v42 =	vadd.f32 v6, v42;
	v44 =	vadd.f32 v0, v44;
	v0 =	vld [tilespmem:$0x1FF80]  }
0x68: {  	v43 =	vadd.f32 v54, v43;
	v23 =	vmovc v51;
	v12 =	vmul.f32 v2, v1;
	v1 =	vmov v15;
	v15 =	vld [tilespmem:s31+$0xFD80]  }
0x69: {  	v60 =	vsub.f32 v55, v16;
	[tilespmem:$0x1FEE0] =	vst v23;
	v23 =	vsub.f32 v57, v20;
	v20 =	vld [tilespmem:$0x1FF30]  }
0x6a: {  	v4 =	vsub.f32 v4, v41;
	v46 =	vadd.f32 v13, v46;
	v13 =	vld [tilespmem:s31+$0x10480]  }
0x6b: {  	v52 =	vmul.f32 v48, v48;
	v48 =	vsub.f32 v57, v21;
	v21 =	vld [tilespmem:s31+$0x10380];
	v18 =	vmovc v47;
	v47 =	vsub.f32 v55, v31  }
0x6c: {  	s19 =	sor.u32 s26, s3;
	v39 =	vadd.f32 v3, v39;
	v41 =	vmul.f32 v53, v53;
	v53 =	vsub.f32 v55, v0;
	v0 =	vld [tilespmem:$0x1FF00]  }
0x6d: {  	s1 =	sor.u32 $0x380, s19;
	v38 =	vadd.f32 v12, v38;
	v31 =	vmul.f32 v15, v47;
	v12 =	vmul.f32 v15, v23;
	v15 =	vmovc v1;
	v1 =	vld [tilespmem:$0x1FF10]  }
0x6e: {  	v59 =	vsub.f32 v57, v17;
	v17 =	vmul.f32 v50, v50;
	v25 =	vsub.f32 v55, v20;
	v20 =	vld [tilespmem:s1+$0xFA80]  }
0x6f: {  	v56 =	vmul.f32 v4, v56;
	v33 =	vadd.f32 v8, v33;
	v8 =	vld [tilespmem:$0x1FEA0];
	v9 =	vmul.f32 v49, v51  }
0x70: {  	v26 =	vadd.f32 v5, v26;
	v61 =	vmul.f32 v58, v59;
	v19 =	vmul.f32 v7, v24;
	v51 =	vld [tilespmem:s1+$0x10280];
	[tilespmem:$0x1FEB0] =	vst v17  }
0x71: {  	v17 =	vmul.f32 v49, v60;
	v50 =	vsub.f32 v55, v29;
	v29 =	vld [tilespmem:s31+$0xFC80];
	v0 =	vmul.f32 v4, v0;
	v4 =	vmovc v59  }
0x72: {  	[tilespmem:$0x1FF00] =	vst v4;
	v4 =	vmul.f32 v21, v21;
	v21 =	vld [tilespmem:$0x1FF50];
	v2 =	vmul.f32 v2, v1;
	v1 =	vmov v60  }
0x73: {  	v28 =	vadd.f32 v63, v28;
	v49 =	vmul.f32 v61, v61;
	v6 =	vmul.f32 v20, v48;
	[tilespmem:$0x1FF10] =	vst v1;
	v1 =	vld [tilespmem:$0x1FF40]  }
0x74: {  	v37 =	vadd.f32 v62, v37;
	v63 =	vmul.f32 v13, v13;
	[tilespmem:$0x1FEC0] =	vst v17;
	v17 =	vld [tilespmem:$0x1FF70];
	v5 =	vmul.f32 v11, v18  }
0x75: {  	v45 =	vadd.f32 v56, v45;
	v51 =	vmul.f32 v51, v51;
	v62 =	vmul.f32 v6, v6;
	v6 =	vld [tilespmem:$0x1FF90]  }
0x76: {  	v10 =	vld [tilespmem:s31+$0xFB80];
	v36 =	vadd.f32 v27, v36;
	v7 =	vmul.f32 v7, v50;
	v59 =	vmul.f32 v11, v25  }
0x77: {  	v56 =	vld [tilespmem:s31+$0x10580];
	v40 =	vadd.f32 v0, v40;
	v54 =	vsub.f32 v55, v21;
	v21 =	vmul.f32 v29, v22  }
0x78: {  	v0 =	vmul.f32 v5, v5;
	v32 =	vadd.f32 v2, v32;
	v1 =	vsub.f32 v8, v1  }
0x79: {  	v2 =	vsub.f32 v57, v15;
	v3 =	vmul.f32 v29, v54;
	v5 =	vmul.f32 v21, v21  }
0x7a: {  	v61 =	vld [tilespmem:s31+$0x10280];
	v17 =	vsub.f32 v55, v17;
	v13 =	vmul.f32 v1, v30;
	v1 =	vmul.f32 v1, v6  }
0x7b: {  	v27 =	vld [tilespmem:$0x1FFA0];
	v8 =	vmovc v4;
	v4 =	vmov v2;
	v6 =	vmul.f32 v10, v2;
	v2 =	vmul.f32 v3, v3  }
0x7c: {  	v60 =	vmul.f32 v56, v56;
	v56 =	vsub.f32 v55, v14;
	v55 =	vmul.f32 v31, v31;
	v29 =	vld [tilespmem:$0x1FFB0]  }
0x7d: {  	p0 =	sne.s32 s25, $0xF0;
	v35 =	vadd.f32 v1, v35;
	v1 =	vmul.f32 v6, v6;
	v6 =	vadd.f32 v2, v5;
	v2 =	vld [tilespmem:$0x1FEC0]  }
.Ltmp0:
0x7e: {  	v21 =	vld [tilespmem:$0x1FFD0];
	[tilespmem:$0x1FF40] =	vst v8;
	v8 =	vmul.f32 v12, v12;
	v12 =	vmul.f32 v19, v19;
	(pc) =	sbr.rel @p0 .LBB2_2-.Ltmp0, $4  }
0x7f: {  	v19 =	vld [tilespmem:$0x1FFF0];
	[tilespmem:$0x1FF90] =	vst v4;
	v4 =	vmul.f32 v58, v56;
	v30 =	vmov v17;
	v3 =	vmul.f32 v7, v7  }
0x80: {  	v17 =	vld [tilespmem:$0x1FFE0];
	v7 =	vmul.f32 v20, v53;
	v57 =	vmul.f32 v10, v30  }
0x81: {  	v20 =	vld [tilespmem:$0x1FFC0];
	v58 =	vadd.f32 v55, v8;
	v34 =	vadd.f32 v13, v34;
	v13 =	vmul.f32 v9, v9  }
0x82: {  	s28 =	sadd.s32 $0x10, s28;
	s25 =	sadd.s32 $0x10, s25;
	s26 =	sadd.s32 $0x80, s26;
	v3 =	vadd.f32 v3, v12;
	v12 =	vld [tilespmem:$0x1FEB0];
	v5 =	vmul.f32 v7, v7;
	v2 =	vmul.f32 v2, v2  }
0x83: {  	v8 =	vmul.f32 v59, v59  }
0x84: {  	v4 =	vmul.f32 v4, v4;
	v5 =	vadd.f32 v5, v62  }
0x85: {  	v9 =	vmul.f32 v61, v61;
	v3 =	vsub.f32 v3, v52;
	v0 =	vadd.f32 v8, v0  }
0x86: {  	v4 =	vadd.f32 v4, v49;
	v5 =	vsub.f32 v5, v51  }
0x87: {  	v7 =	vmul.f32 v57, v57;
	v61 =	vmul.f32 v3, v24;
	v0 =	vsub.f32 v0, v9  }
0x88: {  	v6 =	vsub.f32 v6, v63;
	v4 =	vsub.f32 v4, v41;
	v10 =	vmul.f32 v5, v48  }
0x89: {  	v1 =	vadd.f32 v7, v1;
	v7 =	vadd.f32 v61, v46;
	v11 =	vmul.f32 v0, v18  }
0x8a: {  	v3 =	vmul.f32 v3, v50;
	v50 =	vld [tilespmem:$0x1FF00];
	v41 =	vmul.f32 v4, v56;
	v10 =	vadd.f32 v10, v26  }
0x8b: {  	v63 =	vsub.f32 v58, v60;
	[tilespmem:$0x1FDA0] =	vst v7;
	v48 =	vadd.f32 v11, v44  }
0x8c: {  	v62 =	vmul.f32 v6, v54;
	v6 =	vmul.f32 v6, v22;
	v49 =	vadd.f32 v41, v45;
	[tilespmem:$0x1FD70] =	vst v10  }
0x8d: {  	[tilespmem:$0x1FD80] =	vst v48  }
0x8e: {  	v47 =	vmul.f32 v63, v47;
	v6 =	vadd.f32 v6, v42;
	[tilespmem:$0x1FD90] =	vst v49  }
0x8f: {  	v52 =	vadd.f32 v62, v43;
	v4 =	vmul.f32 v4, v50;
	_ =	swait.ge [sflag:s30], $0x4000  }
0x90: {  	v54 =	vadd.f32 v47, v28;
	[tilespmem:$0x1FDB0] =	vst v6  }
0x91: {  	v4 =	vadd.f32 v4, v40;
	[tilespmem:$0x1FDC0] =	vst v52  }
0x92: {  	v3 =	vadd.f32 v3, v39;
	[tilespmem:$0x1FDD0] =	vst v54  }
0x93: {  	[sflag:s30] =	ssyncset.done $0x0;
	[tilespmem:$0x1FDE0] =	vst v4  }
0x94: {  	v5 =	vmul.f32 v5, v53;
	v53 =	vld [tilespmem:$0x1FEE0];
	[tilespmem:$0x1FDF0] =	vst v3;
	[sflag:s30] =	ssyncadd.s32 $0xFFFFC000  }
0x95: {  	v55 =	vld [tilespmem:$0x1FF40];
	_ =	swait.ge [sflag:s30], $0x4000  }
0x96: {  	v2 =	vadd.f32 v2, v13;
	v58 =	vld [tilespmem:$0x1FF10];
	_ =	sdelay $0x1  }
0x97: {  	v51 =	vmul.f32 v63, v23;
	v2 =	vsub.f32 v2, v12  }
0x98: {  	v0 =	vmul.f32 v0, v25;
	v56 =	vadd.f32 v5, v37;
	v61 =	vld [tilespmem:$0x1FF90]  }
0x99: {  	v59 =	vadd.f32 v51, v33;
	v6 =	vmul.f32 v2, v53  }
0x9a: {  	v0 =	vadd.f32 v0, v36;
	[tilespmem:$0x1FE00] =	vst v56;
	v1 =	vsub.f32 v1, v55;
	v2 =	vmul.f32 v2, v58  }
0x9b: {  	[tilespmem:$0x1FE20] =	vst v59;
	v57 =	vadd.f32 v6, v38  }
0x9c: {  	[tilespmem:$0x1FE40] =	vst v0;
	v60 =	vmul.f32 v1, v30;
	v2 =	vadd.f32 v2, v32  }
0x9d: {  	[sflag:s30] =	ssyncset.done $0x0;
	v1 =	vmul.f32 v1, v61;
	[tilespmem:$0x1FE10] =	vst v57  }
0x9e: {  	[sflag:s30] =	ssyncadd.s32 $0xFFFFC000;
	v62 =	vadd.f32 v60, v34;
	[tilespmem:$0x1FE30] =	vst v2  }
0x9f: {  	v63 =	vadd.f32 v1, v35;
	_ =	swait.ge [sflag:s30], $0x2800  }
0xa0: {  	[tilespmem:$0x1FE50] =	vst v62;
	[sflag:s30] =	ssyncset.done $0x0  }
0xa1: {  	v42 =	vimm.f32 $0.0e+00;
	v47 =	vimm.f32 $0.0e+00;
	v43 =	vimm.f32 $0.0e+00;
	[tilespmem:$0x1FE60] =	vst v63;
	[sflag:s30] =	ssyncadd.s32 $0xFFFFD800  }
0xa2: {  	v46 =	vimm.s32 $0x0;
	v39 =	vimm.f32 $0.0e+00;
	v51 =	vimm.f32 $0.0e+00;
	_ =	swait.ge [sflag:s30], $0x2800  }
0xa3: {  	v18 =	vimm.s32 $0x0;
	v37 =	vimm.f32 $0.0e+00;
	v36 =	vimm.s32 $0x0;
	[sflag:s30] =	ssyncset.done $0x0  }
0xa4: {  	v41 =	vimm.s32 $0x0;
	v50 =	vimm.s32 $0x0;
	v44 =	vimm.f32 $0.0e+00;
	[sflag:s30] =	ssyncadd.s32 $0xFFFFD800  }
0xa5: {  	v45 =	vimm.f32 $0.0e+00;
	v49 =	vimm.f32 $0.0e+00;
	v40 =	vimm.f32 $0.0e+00;
	_ =	swait.ge [sflag:s30], $0x2800  }
0xa6: {  	v48 =	vimm.f32 $0.0e+00;
	v52 =	vimm.f32 $0.0e+00;
	v54 =	vimm.f32 $0.0e+00;
	[tilespmem:$0x1FE70] =	vst v14  }
0xa7: {  	s24 =	simm.s32 $0xFFFFFFF0;
	v56 =	vimm.s32 $0x0;
	v53 =	vimm.s32 $0x0;
	v55 =	vimm.s32 $0x0;
	[sflag:s30] =	ssyncset.done $0x0;
	[tilespmem:$0x1FE80] =	vst v15  }
0xa8: {  	s25 =	simm.s32 $0x4080;
	s26 =	simm.s32 $0x80;
	v38 =	vimm.f32 $0.0e+00;
	v57 =	vimm.f32 $0.0e+00;
	v35 =	vimm.f32 $0.0e+00;
	[tilespmem:$0x1FE90] =	vst v16;
	[sflag:s30] =	ssyncadd.s32 $0xFFFFD800  }
.LBB2_4:
0xa9: {  	v0 =	vld [tilespmem:s26+$0xFFFFFF80]  }
0xaa: {  	v1 =	vld [tilespmem:s25+$0xFFFFFF80]  }
0xab: {  	v30 =	vld [tilespmem:$0x1FEF0]  }
0xac: {  	[tilespmem:$0x1FBD0] =	vst v18;
	v18 =	vld [tilespmem:$0x1FF30]  }
0xad: {  	v32 =	vld [tilespmem:$0x1FE90]  }
0xae: {  	v23 =	vld [tilespmem:$0x1FE80]  }
0xaf: {  	v7 =	vld [tilespmem:$0x1FE70];
	_ =	sdelay $0x1  }
0xb0: {  	v2 =	vsub.f32 v0, v30  }
0xb1: {  	v3 =	vsub.f32 v1, v18;
	v4 =	vsub.f32 v0, v19  }
0xb2: {  	v5 =	vsub.f32 v1, v32;
	v6 =	vsub.f32 v0, v23  }
0xb3: {  	v13 =	vsub.f32 v0, v17;
	v7 =	vsub.f32 v1, v7  }
0xb4: {  	v8 =	vsub.f32 v0, v27;
	v59 =	vsub.f32 v0, v29;
	v2 =	vmax.f32 v2, $-5.000000000e+01  }
0xb5: {  	v3 =	vmax.f32 v3, $-5.000000000e+01;
	v4 =	vmax.f32 v4, $-5.000000000e+01;
	v5 =	vmax.f32 v5, $-5.000000000e+01  }
0xb6: {  	v12 =	vmax.f32 v6, $-5.000000000e+01;
	v6 =	vmax.f32 v13, $-5.000000000e+01;
	v7 =	vmax.f32 v7, $-5.000000000e+01  }
0xb7: {  	v24 =	vld [tilespmem:$0x1FF70];
	v58 =	vmax.f32 v8, $-5.000000000e+01;
	v8 =	vmax.f32 v59, $-5.000000000e+01;
	v2 =	vmin.f32 v2, $5.000000000e+01  }
0xb8: {  	v31 =	vld [tilespmem:$0x1FF50];
	v3 =	vmin.f32 v3, $5.000000000e+01;
	v4 =	vmin.f32 v4, $5.000000000e+01;
	v5 =	vmin.f32 v5, $5.000000000e+01  }
0xb9: {  	v6 =	vmin.f32 v6, $5.000000000e+01;
	v2 =	vtrunc.f32 v2;
	v3 =	vtrunc.f32 v3  }
0xba: {  	v7 =	vmin.f32 v7, $5.000000000e+01;
	v4 =	vtrunc.f32 v4;
	v5 =	vtrunc.f32 v5  }
0xbb: {  	v8 =	vmin.f32 v8, $5.000000000e+01;
	v6 =	vtrunc.f32 v6;
	v7 =	vtrunc.f32 v7  }
0xbc: {  	v33 =	vsub.f32 v1, v24;
	v13 =	vld [tilespmem:$0x1FF20];
	v8 =	vtrunc.f32 v8;
	v2 =	vcvt.f32.s32 v2  }
0xbd: {  	v34 =	vsub.f32 v1, v31;
	v59 =	vld [tilespmem:s25+$0xFFFFFF90];
	v3 =	vcvt.f32.s32 v3;
	v4 =	vcvt.f32.s32 v4  }
0xbe: {  	v14 =	vmin.f32 v12, $5.000000000e+01;
	v11 =	vcvt.f32.s32 v5;
	v6 =	vcvt.f32.s32 v6  }
0xbf: {  	v5 =	vmax.f32 v33, $-5.000000000e+01;
	v7 =	vcvt.f32.s32 v7;
	v8 =	vcvt.f32.s32 v8  }
0xc0: {  	v5 =	vmin.f32 v5, $5.000000000e+01;
	v2 =	vmul.u32 $0x65, v2;
	v4 =	vmul.u32 $0x65, v4  }
0xc1: {  	v5 =	vtrunc.f32 v5;
	v6 =	vmul.u32 $0x65, v6;
	v13 =	vsub.f32 v1, v13  }
0xc2: {  	v33 =	vld [tilespmem:$0x1FF60];
	v8 =	vmul.u32 $0x65, v8;
	v22 =	vsub.f32 v59, v24;
	v5 =	vcvt.f32.s32 v5  }
0xc3: {  	v2 =	vadd.s32 v2, v3;
	v3 =	vadd.s32 v4, v11;
	v4 =	vtrunc.f32 v14  }
0xc4: {  	v6 =	vadd.s32 v6, v7;
	v7 =	vmin.f32 v58, $5.000000000e+01;
	v11 =	vsub.f32 v0, v20  }
0xc5: {  	v13 =	vmax.f32 v13, $-5.000000000e+01;
	v2 =	vadd.s32 $0x13EC, v2;
	v4 =	vcvt.f32.s32 v4  }
0xc6: {  	v0 =	vsub.f32 v0, v21;
	v3 =	vadd.s32 $0x13EC, v3;
	v6 =	vadd.s32 $0x13EC, v6  }
0xc7: {  	v58 =	vld [tilespmem:s26+$0xFFFFFF90];
	v7 =	vtrunc.f32 v7;
	v9 =	vsub.f32 v1, v33;
	v4 =	vmul.u32 $0x65, v4  }
0xc8: {  	v20 =	vld [tilespmem:$0x1FFF0];
	v13 =	vmin.f32 v13, $5.000000000e+01;
	v7 =	vcvt.f32.s32 v7;
	v11 =	vmax.f32 v11, $-5.000000000e+01  }
0xc9: {  	v62 =	vtrunc.f32 v13;
	v4 =	vadd.s32 v4, v5;
	v5 =	vmax.f32 v34, $-5.000000000e+01;
	v34 =	vld [tilespmem:$0x1FF80]  }
0xca: {  	v0 =	vmax.f32 v0, $-5.000000000e+01;
	v9 =	vmax.f32 v9, $-5.000000000e+01;
	v61 =	vmin.f32 v11, $5.000000000e+01;
	v10 =	vld.idx.msk [tilespmem:v2+s21+$0x0], $0xffff  }
0xcb: {  	v0 =	vmin.f32 v0, $5.000000000e+01;
	v7 =	vmul.u32 $0x65, v7;
	v9 =	vmin.f32 v9, $5.000000000e+01;
	v12 =	vld.idx.msk [tilespmem:v2+s22+$0x0], $0xffff  }
0xcc: {  	v0 =	vtrunc.f32 v0;
	v9 =	vtrunc.f32 v9;
	v5 =	vmin.f32 v5, $5.000000000e+01;
	v2 =	vld.idx.msk [tilespmem:v2+s23+$0x0], $0xffff  }
0xcd: {  	v15 =	vsub.f32 v58, v30;
	v60 =	vcvt.f32.s32 v9;
	v11 =	vld.idx.msk [tilespmem:v3+s21+$0x0], $0xffff;
	v5 =	vtrunc.f32 v5  }
0xce: {  	v4 =	vadd.s32 $0x13EC, v4;
	v9 =	vtrunc.f32 v61;
	v14 =	vld.idx.msk [tilespmem:v3+s22+$0x0], $0xffff;
	v5 =	vcvt.f32.s32 v5  }
0xcf: {  	v22 =	vmax.f32 v22, $-5.000000000e+01;
	v0 =	vcvt.f32.s32 v0;
	v3 =	vld.idx.msk [tilespmem:v3+s23+$0x0], $0xffff;
	v9 =	vcvt.f32.s32 v9  }
0xd0: {  	v20 =	vsub.f32 v58, v20;
	v17 =	vld.idx.msk [tilespmem:v6+s21+$0x0], $0xffff;
	v63 =	vmax.f32 v15, $-5.000000000e+01;
	v5 =	vadd.s32 v7, v5  }
0xd1: {  	v15 =	vsub.f32 v59, v18;
	v18 =	vld.idx.msk [tilespmem:v6+s22+$0x0], $0xffff;
	v9 =	vmul.u32 $0x65, v9;
	v5 =	vadd.s32 $0x13EC, v5  }
0xd2: {  	v6 =	vld.idx.msk [tilespmem:v6+s23+$0x0], $0xffff;
	v7 =	vadd.s32 v8, v60;
	v8 =	vcvt.f32.s32 v62;
	v1 =	vsub.f32 v1, v34  }
0xd3: {  	v21 =	vsub.f32 v58, v23;
	v0 =	vmul.u32 $0x65, v0;
	v13 =	vld.idx.msk [tilespmem:v4+s21+$0x0], $0xffff;
	v7 =	vadd.s32 $0x13EC, v7  }
0xd4: {  	v16 =	vld.idx.msk [tilespmem:v4+s22+$0x0], $0xffff;
	v8 =	vadd.s32 v9, v8;
	v1 =	vmax.f32 v1, $-5.000000000e+01;
	v9 =	vmin.f32 v63, $5.000000000e+01  }
0xd5: {  	v15 =	vmax.f32 v15, $-5.000000000e+01;
	v4 =	vld.idx.msk [tilespmem:v4+s23+$0x0], $0xffff;
	v1 =	vmin.f32 v1, $5.000000000e+01;
	v9 =	vtrunc.f32 v9  }
0xd6: {  	v15 =	vmin.f32 v15, $5.000000000e+01;
	v1 =	vtrunc.f32 v1;
	v9 =	vcvt.f32.s32 v9;
	v19 =	vld.idx.msk [tilespmem:v5+s21+$0x0], $0xffff  }
0xd7: {  	v15 =	vtrunc.f32 v15;
	v8 =	vadd.s32 $0x13EC, v8;
	v1 =	vcvt.f32.s32 v1;
	v60 =	vld.idx.msk [tilespmem:v5+s22+$0x0], $0xffff  }
0xd8: {  	v21 =	vmax.f32 v21, $-5.000000000e+01;
	v15 =	vcvt.f32.s32 v15;
	v9 =	vmul.u32 $0x65, v9;
	v5 =	vld.idx.msk [tilespmem:v5+s23+$0x0], $0xffff  }
0xd9: {  	v61 =	vld.idx.msk [tilespmem:v7+s21+$0x0], $0xffff;
	v0 =	vadd.s32 v0, v1;
	v1 =	vmax.f32 v20, $-5.000000000e+01;
	v20 =	vsub.f32 v59, v32  }
0xda: {  	v0 =	vadd.s32 $0x13EC, v0;
	v9 =	vadd.s32 v9, v15;
	v1 =	vmin.f32 v1, $5.000000000e+01;
	v15 =	vld.idx.msk [tilespmem:v7+s22+$0x0], $0xffff  }
0xdb: {  	v21 =	vmin.f32 v21, $5.000000000e+01;
	v7 =	vld.idx.msk [tilespmem:v7+s23+$0x0], $0xffff;
	v1 =	vtrunc.f32 v1;
	v20 =	vmax.f32 v20, $-5.000000000e+01  }
0xdc: {  	v21 =	vtrunc.f32 v21;
	v23 =	vld.idx.msk [tilespmem:v8+s21+$0x0], $0xffff;
	v1 =	vcvt.f32.s32 v1;
	v20 =	vmin.f32 v20, $5.000000000e+01  }
0xdd: {  	v10 =	vadd.f32 v10, v57;
	v24 =	vld.idx.msk [tilespmem:v8+s22+$0x0], $0xffff;
	v9 =	vadd.s32 $0x13EC, v9;
	v20 =	vtrunc.f32 v20  }
0xde: {  	v63 =	vadd.f32 v60, v42;
	v60 =	vld [tilespmem:$0x1FBD0];
	v20 =	vcvt.f32.s32 v20;
	v1 =	vmul.u32 $0x65, v1  }
0xdf: {  	v12 =	vadd.f32 v12, v52;
	v2 =	vadd.s32 v56, v2;
	v11 =	vadd.f32 v11, v54;
	v25 =	vld.idx.msk [tilespmem:v0+s21+$0x0], $0xffff  }
0xe0: {  	v26 =	vld.idx.msk [tilespmem:v0+s22+$0x0], $0xffff;
	v1 =	vadd.s32 v1, v20;
	v20 =	vcvt.f32.s32 v21;
	v21 =	vmin.f32 v22, $5.000000000e+01  }
0xe1: {  	v42 =	vadd.f32 v61, v43;
	v0 =	vld.idx.msk [tilespmem:v0+s23+$0x0], $0xffff;
	v61 =	vadd.s32 v41, v7;
	v21 =	vtrunc.f32 v21  }
0xe2: {  	v7 =	vld [tilespmem:$0x1FFE0];
	v1 =	vadd.s32 $0x13EC, v1;
	v21 =	vcvt.f32.s32 v21;
	v20 =	vmul.u32 $0x65, v20  }
0xe3: {  	v14 =	vadd.f32 v14, v49;
	v3 =	vadd.s32 v55, v3;
	v49 =	vadd.f32 v17, v48;
	v52 =	vld.idx.msk [tilespmem:v9+s21+$0x0], $0xffff  }
0xe4: {  	v62 =	vadd.f32 v18, v44;
	v13 =	vadd.f32 v13, v51;
	v8 =	vld.idx.msk [tilespmem:v8+s23+$0x0], $0xffff;
	v20 =	vadd.s32 v20, v21  }
0xe5: {  	v44 =	vadd.f32 v19, v45;
	v55 =	vld.idx.msk [tilespmem:v9+s22+$0x0], $0xffff;
	v21 =	vadd.f32 v16, v47;
	v16 =	vadd.s32 $0x13EC, v20  }
0xe6: {  	v28 =	vadd.s32 v46, v5;
	v43 =	vadd.f32 v15, v39;
	v45 =	vadd.f32 v23, v40;
	v9 =	vld.idx.msk [tilespmem:v9+s23+$0x0], $0xffff  }
0xe7: {  	v46 =	vadd.f32 v24, v37;
	v22 =	vadd.s32 v53, v4;
	v20 =	vadd.s32 v50, v6;
	v4 =	vld.idx.msk [tilespmem:v1+s21+$0x0], $0xffff  }
0xe8: {  	v54 =	vadd.f32 v52, v10;
	v52 =	vadd.s32 v60, v0;
	v0 =	vsub.f32 v58, v7;
	v6 =	vld.idx.msk [tilespmem:v1+s22+$0x0], $0xffff  }
0xe9: {  	v57 =	vadd.s32 v36, v8;
	v51 =	vadd.f32 v26, v35;
	v10 =	vsub.f32 v58, v27;
	v1 =	vld.idx.msk [tilespmem:v1+s23+$0x0], $0xffff  }
0xea: {  	v50 =	vadd.f32 v25, v38;
	v56 =	vadd.f32 v55, v12;
	v0 =	vmax.f32 v0, $-5.000000000e+01;
	v47 =	vld.idx.msk [tilespmem:v16+s21+$0x0], $0xffff  }
0xeb: {  	v53 =	vadd.s32 v9, v2;
	v2 =	vmax.f32 v10, $-5.000000000e+01;
	v0 =	vmin.f32 v0, $5.000000000e+01;
	v36 =	vld [tilespmem:$0x1FE70]  }
0xec: {  	v12 =	vsub.f32 v58, v29;
	v2 =	vmin.f32 v2, $5.000000000e+01;
	v0 =	vtrunc.f32 v0;
	v39 =	vld [tilespmem:$0x1FFC0]  }
0xed: {  	v2 =	vtrunc.f32 v2;
	v0 =	vcvt.f32.s32 v0;
	v18 =	vld [tilespmem:s26+$0xFFFFFFA0];
	v55 =	vadd.f32 v4, v11  }
0xee: {  	v2 =	vcvt.f32.s32 v2;
	v26 =	vld [tilespmem:$0x1FE80];
	v37 =	vadd.f32 v6, v14;
	v11 =	vsub.f32 v59, v31  }
0xef: {  	v48 =	vadd.s32 v1, v3;
	v4 =	vmax.f32 v12, $-5.000000000e+01;
	v0 =	vmul.u32 $0x65, v0  }
0xf0: {  	v10 =	vld [tilespmem:$0x1FFD0];
	v35 =	vmin.f32 v4, $5.000000000e+01;
	v2 =	vmul.u32 $0x65, v2;
	v3 =	vmax.f32 v11, $-5.000000000e+01  }
0xf1: {  	v3 =	vmin.f32 v3, $5.000000000e+01;
	v8 =	vsub.f32 v59, v36;
	v60 =	vadd.f32 v47, v13  }
0xf2: {  	v3 =	vtrunc.f32 v3;
	v13 =	vsub.f32 v59, v33;
	v5 =	vsub.f32 v58, v39  }
0xf3: {  	v17 =	vsub.f32 v18, v26;
	v14 =	vcvt.f32.s32 v3;
	v3 =	vtrunc.f32 v35  }
0xf4: {  	v9 =	vmax.f32 v8, $-5.000000000e+01;
	v38 =	vmax.f32 v13, $-5.000000000e+01;
	v3 =	vcvt.f32.s32 v3  }
0xf5: {  	v8 =	vmax.f32 v5, $-5.000000000e+01;
	v5 =	vsub.f32 v58, v10;
	v1 =	vmin.f32 v9, $5.000000000e+01  }
0xf6: {  	v35 =	vld [tilespmem:$0x1FF20];
	v4 =	vmin.f32 v38, $5.000000000e+01;
	v40 =	vadd.s32 v2, v14;
	v14 =	vsub.f32 v59, v34  }
0xf7: {  	v38 =	vsub.f32 v18, v30;
	v1 =	vtrunc.f32 v1;
	v41 =	vtrunc.f32 v4  }
0xf8: {  	v47 =	vmul.u32 $0x65, v3;
	v3 =	vmin.f32 v8, $5.000000000e+01;
	v1 =	vcvt.f32.s32 v1  }
0xf9: {  	v10 =	vld.idx.msk [tilespmem:v16+s23+$0x0], $0xffff;
	v7 =	vadd.s32 $0x13EC, v40;
	v13 =	vmax.f32 v5, $-5.000000000e+01;
	v11 =	vtrunc.f32 v3  }
0xfa: {  	v19 =	vmovc v34;
	v58 =	vld [tilespmem:$0x1FFF0];
	v3 =	vmin.f32 v13, $5.000000000e+01;
	v34 =	vcvt.f32.s32 v11;
	v0 =	vadd.s32 v0, v1  }
0xfb: {  	v4 =	vmax.f32 v14, $-5.000000000e+01;
	v9 =	vsub.f32 v59, v35;
	v6 =	vadd.s32 $0x13EC, v0;
	v0 =	vld [tilespmem:s25+$0xFFFFFFA0]  }
0xfc: {  	v3 =	vtrunc.f32 v3;
	v4 =	vmin.f32 v4, $5.000000000e+01;
	v5 =	vmul.u32 $0x65, v34;
	v34 =	vld [tilespmem:$0x1FF30]  }
0xfd: {  	v8 =	vld.idx.msk [tilespmem:v16+s22+$0x0], $0xffff;
	v39 =	vmax.f32 v38, $-5.000000000e+01;
	v1 =	vcvt.f32.s32 v41;
	v4 =	vtrunc.f32 v4  }
0xfe: {  	v3 =	vcvt.f32.s32 v3;
	v12 =	vmax.f32 v9, $-5.000000000e+01;
	v4 =	vcvt.f32.s32 v4;
	v13 =	vld.idx.msk [tilespmem:v7+s21+$0x0], $0xffff  }
0xff: {  	v9 =	vsub.f32 v18, v58;
	v1 =	vadd.s32 v47, v1;
	v2 =	vmin.f32 v12, $5.000000000e+01;
	v59 =	vld.idx.msk [tilespmem:v7+s22+$0x0], $0xffff  }
0x100: {  	v3 =	vmul.u32 $0x65, v3;
	v7 =	vld.idx.msk [tilespmem:v7+s23+$0x0], $0xffff;
	v2 =	vtrunc.f32 v2;
	v1 =	vadd.s32 $0x13EC, v1  }
0x101: {  	v41 =	vmin.f32 v39, $5.000000000e+01;
	v2 =	vcvt.f32.s32 v2;
	v11 =	vld.idx.msk [tilespmem:v6+s21+$0x0], $0xffff;
	v40 =	vsub.f32 v0, v34  }
0x102: {  	v9 =	vmax.f32 v9, $-5.000000000e+01;
	v3 =	vadd.s32 v3, v4;
	v4 =	vtrunc.f32 v41;
	v12 =	vld.idx.msk [tilespmem:v6+s22+$0x0], $0xffff  }
0x103: {  	v3 =	vadd.s32 $0x13EC, v3;
	v2 =	vadd.s32 v5, v2;
	v5 =	vld.idx.msk [tilespmem:v6+s23+$0x0], $0xffff;
	v47 =	vmax.f32 v40, $-5.000000000e+01  }
0x104: {  	v15 =	vsub.f32 v0, v32;
	v2 =	vadd.s32 $0x13EC, v2;
	v6 =	vmin.f32 v47, $5.000000000e+01;
	v47 =	vld [tilespmem:$0x1FF70]  }
0x105: {  	v10 =	vadd.s32 v10, v22;
	v9 =	vmin.f32 v9, $5.000000000e+01;
	v4 =	vcvt.f32.s32 v4;
	v16 =	vld.idx.msk [tilespmem:v1+s21+$0x0], $0xffff  }
0x106: {  	v9 =	vtrunc.f32 v9;
	v15 =	vmax.f32 v15, $-5.000000000e+01;
	v23 =	vld.idx.msk [tilespmem:v1+s22+$0x0], $0xffff;
	v6 =	vtrunc.f32 v6  }
0x107: {  	v4 =	vmul.u32 $0x65, v4;
	v1 =	vld.idx.msk [tilespmem:v1+s23+$0x0], $0xffff;
	v39 =	vmin.f32 v15, $5.000000000e+01;
	v6 =	vcvt.f32.s32 v6  }
0x108: {  	[tilespmem:$0x1FBF0] =	vst v10;
	v38 =	vcvt.f32.s32 v9;
	v15 =	vmax.f32 v17, $-5.000000000e+01;
	v9 =	vtrunc.f32 v39;
	v10 =	vld.idx.msk [tilespmem:v3+s21+$0x0], $0xffff  }
0x109: {  	v15 =	vmin.f32 v15, $5.000000000e+01;
	v24 =	vld.idx.msk [tilespmem:v2+s21+$0x0], $0xffff;
	v4 =	vadd.s32 v4, v6;
	v17 =	vsub.f32 v0, v47  }
0x10a: {  	v9 =	vcvt.f32.s32 v9;
	v11 =	vadd.f32 v11, v49;
	v25 =	vld.idx.msk [tilespmem:v2+s22+$0x0], $0xffff;
	v4 =	vadd.s32 $0x13EC, v4  }
0x10b: {  	v15 =	vtrunc.f32 v15;
	v2 =	vld.idx.msk [tilespmem:v2+s23+$0x0], $0xffff;
	v6 =	vmul.u32 $0x65, v38;
	v17 =	vmax.f32 v17, $-5.000000000e+01  }
0x10c: {  	v8 =	vadd.f32 v8, v21;
	v40 =	vcvt.f32.s32 v15;
	[tilespmem:$0x1FC00] =	vst v11;
	v11 =	vld [tilespmem:$0x1FFE0];
	v15 =	vmin.f32 v17, $5.000000000e+01  }
0x10d: {  	v39 =	vadd.f32 v13, v44;
	v6 =	vadd.s32 v6, v9;
	v41 =	vtrunc.f32 v15;
	v15 =	vld.idx.msk [tilespmem:v3+s22+$0x0], $0xffff  }
0x10e: {  	v58 =	vadd.f32 v12, v62;
	v12 =	vsub.f32 v0, v36;
	v6 =	vadd.s32 $0x13EC, v6;
	v3 =	vld.idx.msk [tilespmem:v3+s23+$0x0], $0xffff  }
0x10f: {  	[tilespmem:$0x1FBE0] =	vst v8;
	v42 =	vadd.f32 v16, v42;
	v8 =	vmul.u32 $0x65, v40;
	v40 =	vadd.f32 v59, v63;
	v59 =	vld.idx.msk [tilespmem:v4+s21+$0x0], $0xffff  }
0x110: {  	v38 =	vadd.s32 v5, v20;
	v50 =	vadd.f32 v10, v50;
	v10 =	vsub.f32 v18, v27;
	v62 =	vld.idx.msk [tilespmem:v4+s22+$0x0], $0xffff  }
0x111: {  	v43 =	vadd.f32 v23, v43;
	v49 =	vadd.f32 v24, v45;
	v9 =	vcvt.f32.s32 v41;
	v63 =	vld.idx.msk [tilespmem:v4+s23+$0x0], $0xffff  }
0x112: {  	v41 =	vadd.s32 v7, v28;
	v28 =	vmovc v36;
	v36 =	vmax.f32 v12, $-5.000000000e+01;
	v12 =	vmax.f32 v10, $-5.000000000e+01;
	v10 =	vld [tilespmem:$0x1FFD0]  }
0x113: {  	v45 =	vadd.f32 v25, v46;
	v46 =	vadd.s32 v2, v57;
	v4 =	vsub.f32 v18, v11;
	v2 =	vld.idx.msk [tilespmem:v6+s21+$0x0], $0xffff  }
0x114: {  	v44 =	vadd.s32 v1, v61;
	v11 =	vsub.f32 v0, v31;
	v8 =	vadd.s32 v8, v9;
	v9 =	vld.idx.msk [tilespmem:v6+s22+$0x0], $0xffff  }
0x115: {  	v4 =	vmax.f32 v4, $-5.000000000e+01;
	v13 =	vld.idx.msk [tilespmem:v6+s23+$0x0], $0xffff;
	v6 =	vmin.f32 v36, $5.000000000e+01;
	v8 =	vadd.s32 $0x13EC, v8  }
0x116: {  	[tilespmem:$0x1FC10] =	vst v58;
	v4 =	vmin.f32 v4, $5.000000000e+01;
	v58 =	vtrunc.f32 v6;
	v51 =	vadd.f32 v15, v51  }
0x117: {  	v52 =	vadd.s32 v3, v52;
	v4 =	vtrunc.f32 v4;
	v1 =	vcvt.f32.s32 v58  }
0x118: {  	v36 =	vld [tilespmem:$0x1FFC0];
	v3 =	vmax.f32 v11, $-5.000000000e+01;
	v54 =	vadd.f32 v59, v54;
	v56 =	vadd.f32 v62, v56  }
0x119: {  	v4 =	vcvt.f32.s32 v4;
	v61 =	vadd.s32 v63, v53;
	v3 =	vmin.f32 v3, $5.000000000e+01  }
0x11a: {  	v7 =	vsub.f32 v18, v10;
	v3 =	vtrunc.f32 v3;
	v57 =	vadd.f32 v2, v55  }
0x11b: {  	v58 =	vld [tilespmem:s26+$0xFFFFFFB0];
	v59 =	vmul.u32 $0x65, v4;
	v62 =	vadd.f32 v9, v37;
	v63 =	vadd.s32 v13, v48  }
0x11c: {  	v2 =	vmin.f32 v12, $5.000000000e+01;
	v13 =	vsub.f32 v18, v29;
	v3 =	vcvt.f32.s32 v3  }
0x11d: {  	v6 =	vsub.f32 v18, v36;
	v48 =	vsub.f32 v0, v35;
	v12 =	vmax.f32 v7, $-5.000000000e+01  }
0x11e: {  	v14 =	vld.idx.msk [tilespmem:v8+s21+$0x0], $0xffff;
	v2 =	vtrunc.f32 v2;
	v1 =	vadd.s32 v59, v1;
	v4 =	vmax.f32 v13, $-5.000000000e+01  }
0x11f: {  	v2 =	vcvt.f32.s32 v2;
	v6 =	vmax.f32 v6, $-5.000000000e+01;
	v9 =	vmax.f32 v48, $-5.000000000e+01  }
0x120: {  	v13 =	vsub.f32 v58, v30;
	v1 =	vadd.s32 $0x13EC, v1;
	v4 =	vmin.f32 v4, $5.000000000e+01  }
0x121: {  	v55 =	vmin.f32 v6, $5.000000000e+01;
	v6 =	vmin.f32 v9, $5.000000000e+01;
	v4 =	vtrunc.f32 v4  }
0x122: {  	v23 =	vld [tilespmem:$0x1FBE0];
	v2 =	vmul.u32 $0x65, v2;
	v11 =	vtrunc.f32 v6;
	v6 =	vmin.f32 v12, $5.000000000e+01  }
0x123: {  	v59 =	vld [tilespmem:s25+$0xFFFFFFB0];
	v4 =	vcvt.f32.s32 v4;
	v60 =	vadd.f32 v14, v60;
	v14 =	vsub.f32 v0, v33  }
0x124: {  	v9 =	vld.idx.msk [tilespmem:v8+s22+$0x0], $0xffff;
	v48 =	vmax.f32 v13, $-5.000000000e+01;
	v2 =	vadd.s32 v2, v3;
	v0 =	vsub.f32 v0, v19  }
0x125: {  	v4 =	vmul.u32 $0x65, v4;
	v2 =	vadd.s32 $0x13EC, v2;
	v5 =	vmax.f32 v14, $-5.000000000e+01  }
0x126: {  	v37 =	vmovc v33;
	v33 =	vmovc v19;
	v19 =	vld [tilespmem:$0x1FFE0];
	v14 =	vtrunc.f32 v6;
	v0 =	vmax.f32 v0, $-5.000000000e+01;
	v6 =	vmin.f32 v48, $5.000000000e+01  }
0x127: {  	v36 =	vmovc v35;
	v35 =	vmovc v30;
	v30 =	vld [tilespmem:$0x1FC00];
	v5 =	vmin.f32 v5, $5.000000000e+01;
	v0 =	vmin.f32 v0, $5.000000000e+01;
	v6 =	vtrunc.f32 v6  }
0x128: {  	v17 =	vsub.f32 v59, v47;
	v10 =	vld.idx.msk [tilespmem:v1+s21+$0x0], $0xffff;
	v5 =	vtrunc.f32 v5;
	v0 =	vtrunc.f32 v0  }
0x129: {  	v8 =	vld.idx.msk [tilespmem:v8+s23+$0x0], $0xffff;
	v9 =	vadd.f32 v9, v23;
	v53 =	vcvt.f32.s32 v5;
	v5 =	vtrunc.f32 v55  }
0x12a: {  	v23 =	vld [tilespmem:$0x1FBF0];
	v17 =	vmax.f32 v17, $-5.000000000e+01;
	v6 =	vcvt.f32.s32 v6;
	v5 =	vcvt.f32.s32 v5  }
0x12b: {  	v0 =	vcvt.f32.s32 v0;
	v55 =	vld [tilespmem:$0x1FFF0];
	v19 =	vsub.f32 v58, v19;
	v3 =	vadd.s32 v4, v53  }
0x12c: {  	v13 =	vld.idx.msk [tilespmem:v2+s21+$0x0], $0xffff;
	v4 =	vcvt.f32.s32 v11;
	v53 =	vsub.f32 v59, v34;
	v5 =	vmul.u32 $0x65, v5  }
0x12d: {  	v6 =	vmul.u32 $0x65, v6;
	v11 =	vld.idx.msk [tilespmem:v1+s22+$0x0], $0xffff;
	v10 =	vadd.f32 v10, v30;
	v3 =	vadd.s32 $0x13EC, v3  }
0x12e: {  	v1 =	vld.idx.msk [tilespmem:v1+s23+$0x0], $0xffff;
	v7 =	vmax.f32 v53, $-5.000000000e+01;
	v4 =	vadd.s32 v5, v4;
	v5 =	vcvt.f32.s32 v14  }
0x12f: {  	v25 =	vmovc v32;
	v30 =	vld [tilespmem:$0x1FC10];
	v53 =	vsub.f32 v59, v32;
	v32 =	vsub.f32 v58, v26;
	v7 =	vmin.f32 v7, $5.000000000e+01  }
0x130: {  	v12 =	vsub.f32 v58, v55;
	v14 =	vld.idx.msk [tilespmem:v2+s22+$0x0], $0xffff;
	v4 =	vadd.s32 $0x13EC, v4;
	v5 =	vmul.u32 $0x65, v5  }
0x131: {  	v2 =	vld.idx.msk [tilespmem:v2+s23+$0x0], $0xffff;
	v7 =	vtrunc.f32 v7;
	v55 =	vmax.f32 v53, $-5.000000000e+01;
	v53 =	vmin.f32 v17, $5.000000000e+01  }
0x132: {  	v17 =	vmax.f32 v19, $-5.000000000e+01;
	v48 =	vmax.f32 v12, $-5.000000000e+01;
	v15 =	vld.idx.msk [tilespmem:v3+s21+$0x0], $0xffff;
	v0 =	vadd.s32 v5, v0  }
0x133: {  	v7 =	vcvt.f32.s32 v7;
	v16 =	vld.idx.msk [tilespmem:v3+s22+$0x0], $0xffff;
	v5 =	vmin.f32 v48, $5.000000000e+01;
	v0 =	vadd.s32 $0x13EC, v0  }
0x134: {  	v19 =	vsub.f32 v59, v28;
	v12 =	vmax.f32 v32, $-5.000000000e+01;
	v3 =	vld.idx.msk [tilespmem:v3+s23+$0x0], $0xffff;
	v5 =	vtrunc.f32 v5  }
0x135: {  	v6 =	vadd.s32 v6, v7;
	v7 =	vmin.f32 v55, $5.000000000e+01;
	v5 =	vcvt.f32.s32 v5;
	v18 =	vld.idx.msk [tilespmem:v4+s21+$0x0], $0xffff  }
0x136: {  	v12 =	vmin.f32 v12, $5.000000000e+01;
	v6 =	vadd.s32 $0x13EC, v6;
	v7 =	vtrunc.f32 v7;
	v20 =	vld.idx.msk [tilespmem:v4+s22+$0x0], $0xffff  }
0x137: {  	v12 =	vtrunc.f32 v12;
	v7 =	vcvt.f32.s32 v7;
	v4 =	vld.idx.msk [tilespmem:v4+s23+$0x0], $0xffff;
	v5 =	vmul.u32 $0x65, v5  }
0x138: {  	v8 =	vadd.s32 v8, v23;
	v17 =	vmin.f32 v17, $5.000000000e+01;
	v48 =	vcvt.f32.s32 v12;
	v21 =	vld.idx.msk [tilespmem:v0+s21+$0x0], $0xffff  }
0x139: {  	v19 =	vmax.f32 v19, $-5.000000000e+01;
	v12 =	vtrunc.f32 v53;
	v5 =	vadd.s32 v5, v7;
	v22 =	vld.idx.msk [tilespmem:v0+s22+$0x0], $0xffff  }
0x13a: {  	v12 =	vcvt.f32.s32 v12;
	v7 =	vmul.u32 $0x65, v48;
	v0 =	vld.idx.msk [tilespmem:v0+s23+$0x0], $0xffff;
	v5 =	vadd.s32 $0x13EC, v5  }
0x13b: {  	v11 =	vadd.f32 v11, v30;
	v17 =	vtrunc.f32 v17;
	v19 =	vmin.f32 v19, $5.000000000e+01;
	v23 =	vld.idx.msk [tilespmem:v6+s21+$0x0], $0xffff  }
0x13c: {  	v17 =	vcvt.f32.s32 v17;
	v55 =	vtrunc.f32 v19;
	v19 =	vld.idx.msk [tilespmem:v6+s22+$0x0], $0xffff;
	v7 =	vadd.s32 v7, v12  }
0x13d: {  	v12 =	vcvt.f32.s32 v55;
	v55 =	vadd.s32 v1, v38;
	v1 =	vld.idx.msk [tilespmem:v6+s23+$0x0], $0xffff;
	v7 =	vadd.s32 $0x13EC, v7  }
0x13e: {  	v53 =	vadd.f32 v13, v39;
	v14 =	vadd.f32 v14, v40;
	v41 =	vadd.s32 v2, v41;
	v6 =	vld [tilespmem:$0x1FFC0]  }
0x13f: {  	v24 =	vmovc v47;
	v17 =	vmul.u32 $0x65, v17;
	v47 =	vadd.f32 v16, v43;
	v48 =	vadd.s32 v3, v44;
	v32 =	vld.idx.msk [tilespmem:v5+s21+$0x0], $0xffff  }
0x140: {  	v49 =	vadd.f32 v18, v49;
	v43 =	vadd.f32 v20, v45;
	v4 =	vadd.s32 v4, v46;
	v2 =	vld.idx.msk [tilespmem:v5+s22+$0x0], $0xffff  }
0x141: {  	v38 =	vadd.f32 v15, v42;
	v42 =	vsub.f32 v59, v31;
	v12 =	vadd.s32 v17, v12;
	v3 =	vld.idx.msk [tilespmem:v5+s23+$0x0], $0xffff  }
0x142: {  	[tilespmem:$0x1FC40] =	vst v4;
	v12 =	vadd.s32 $0x13EC, v12;
	v50 =	vadd.f32 v21, v50;
	v0 =	vadd.s32 v0, v52;
	v4 =	vld.idx.msk [tilespmem:v7+s21+$0x0], $0xffff  }
0x143: {  	v51 =	vadd.f32 v22, v51;
	v52 =	vsub.f32 v58, v27;
	[tilespmem:$0x1FC70] =	vst v0;
	v0 =	vld.idx.msk [tilespmem:v7+s22+$0x0], $0xffff  }
0x144: {  	v44 =	vadd.f32 v23, v54;
	v45 =	vadd.f32 v19, v56;
	v13 =	vld.idx.msk [tilespmem:v7+s23+$0x0], $0xffff  }
0x145: {  	[tilespmem:$0x1FC20] =	vst v14;
	v56 =	vmax.f32 v42, $-5.000000000e+01;
	v40 =	vadd.s32 v1, v61;
	v5 =	vmax.f32 v52, $-5.000000000e+01  }
0x146: {  	[tilespmem:$0x1FC50] =	vst v50;
	v54 =	vmin.f32 v5, $5.000000000e+01;
	v39 =	vadd.f32 v32, v57;
	v50 =	vadd.f32 v2, v62  }
0x147: {  	[tilespmem:$0x1FC30] =	vst v49;
	v14 =	vld.idx.msk [tilespmem:v12+s21+$0x0], $0xffff;
	v49 =	vadd.s32 v3, v63;
	v3 =	vtrunc.f32 v54;
	v62 =	vsub.f32 v58, v29  }
0x148: {  	[tilespmem:$0x1FC60] =	vst v51;
	v46 =	vld.idx.msk [tilespmem:v12+s22+$0x0], $0xffff;
	v57 =	vcvt.f32.s32 v3;
	v3 =	vsub.f32 v58, v6;
	v51 =	vadd.f32 v4, v60  }
0x149: {  	v52 =	vadd.f32 v0, v9;
	v60 =	vmin.f32 v56, $5.000000000e+01;
	v54 =	vadd.s32 v13, v8  }
0x14a: {  	v63 =	vmax.f32 v62, $-5.000000000e+01;
	v8 =	vsub.f32 v59, v37;
	v9 =	vsub.f32 v59, v36  }
0x14b: {  	v61 =	vtrunc.f32 v60;
	v0 =	vmul.u32 $0x65, v57;
	v7 =	vmin.f32 v63, $5.000000000e+01  }
0x14c: {  	v3 =	vmax.f32 v3, $-5.000000000e+01;
	v42 =	vadd.f32 v14, v10;
	v1 =	vcvt.f32.s32 v61  }
0x14d: {  	v60 =	vld [tilespmem:s26+$0xFFFFFFC0];
	v46 =	vadd.f32 v46, v11;
	v2 =	vmax.f32 v8, $-5.000000000e+01;
	v3 =	vmin.f32 v3, $5.000000000e+01  }
0x14e: {  	v4 =	vmax.f32 v9, $-5.000000000e+01;
	v10 =	vld [tilespmem:$0x1FFD0];
	v11 =	vsub.f32 v59, v33;
	v2 =	vmin.f32 v2, $5.000000000e+01  }
0x14f: {  	v59 =	vld [tilespmem:$0x1FFF0];
	v3 =	vtrunc.f32 v3;
	v0 =	vadd.s32 v0, v1;
	v1 =	vtrunc.f32 v7  }
0x150: {  	v9 =	vld.idx.msk [tilespmem:v12+s23+$0x0], $0xffff;
	v4 =	vmin.f32 v4, $5.000000000e+01;
	v2 =	vtrunc.f32 v2;
	v3 =	vcvt.f32.s32 v3  }
0x151: {  	v4 =	vtrunc.f32 v4;
	v1 =	vcvt.f32.s32 v1  }
0x152: {  	v2 =	vcvt.f32.s32 v2;
	v4 =	vcvt.f32.s32 v4;
	v3 =	vmul.u32 $0x65, v3  }
0x153: {  	v14 =	vsub.f32 v60, v35;
	v17 =	vsub.f32 v60, v27;
	v1 =	vmul.u32 $0x65, v1  }
0x154: {  	v0 =	vadd.s32 $0x13EC, v0;
	v5 =	vsub.f32 v58, v10;
	v7 =	vsub.f32 v60, v59  }
0x155: {  	v9 =	vadd.s32 v9, v55;
	v3 =	vadd.s32 v3, v4;
	v1 =	vadd.s32 v1, v2  }
0x156: {  	v58 =	vld [tilespmem:s25+$0xFFFFFFC0];
	v13 =	vmax.f32 v5, $-5.000000000e+01;
	v2 =	vmax.f32 v11, $-5.000000000e+01;
	v3 =	vadd.s32 $0x13EC, v3  }
0x157: {  	v59 =	vld [tilespmem:$0x1FFE0];
	v5 =	vmax.f32 v14, $-5.000000000e+01;
	v7 =	vmax.f32 v7, $-5.000000000e+01;
	v1 =	vadd.s32 $0x13EC, v1  }
0x158: {  	v4 =	vmin.f32 v13, $5.000000000e+01;
	v2 =	vmin.f32 v2, $5.000000000e+01;
	v5 =	vmin.f32 v5, $5.000000000e+01  }
0x159: {  	v10 =	vmin.f32 v7, $5.000000000e+01;
	v4 =	vtrunc.f32 v4;
	v2 =	vtrunc.f32 v2  }
0x15a: {  	v13 =	vsub.f32 v60, v26;
	v5 =	vtrunc.f32 v5;
	v4 =	vcvt.f32.s32 v4  }
0x15b: {  	v63 =	vmovc v33;
	v33 =	vmovc v35;
	v35 =	vsub.f32 v58, v34;
	v2 =	vcvt.f32.s32 v2;
	v5 =	vcvt.f32.s32 v5  }
0x15c: {  	v32 =	vmovc v31;
	v12 =	vsub.f32 v60, v59;
	v59 =	vmax.f32 v17, $-5.000000000e+01;
	v17 =	vsub.f32 v58, v31;
	v31 =	vld [tilespmem:$0x1FC20]  }
0x15d: {  	v61 =	vsub.f32 v58, v25;
	v8 =	vmax.f32 v13, $-5.000000000e+01;
	v22 =	vsub.f32 v58, v37;
	v15 =	vld.idx.msk [tilespmem:v3+s21+$0x0], $0xffff  }
0x15e: {  	v8 =	vmin.f32 v8, $5.000000000e+01;
	v6 =	vmax.f32 v35, $-5.000000000e+01;
	v4 =	vmul.u32 $0x65, v4;
	v16 =	vld.idx.msk [tilespmem:v3+s22+$0x0], $0xffff  }
0x15f: {  	v5 =	vmul.u32 $0x65, v5;
	v11 =	vmax.f32 v61, $-5.000000000e+01;
	v35 =	vsub.f32 v58, v24;
	v3 =	vld.idx.msk [tilespmem:v3+s23+$0x0], $0xffff  }
0x160: {  	v61 =	vtrunc.f32 v8;
	v6 =	vmin.f32 v6, $5.000000000e+01;
	v7 =	vmin.f32 v11, $5.000000000e+01;
	v8 =	vld.idx.msk [tilespmem:v1+s21+$0x0], $0xffff  }
0x161: {  	v12 =	vmax.f32 v12, $-5.000000000e+01;
	v6 =	vtrunc.f32 v6;
	v14 =	vtrunc.f32 v7;
	v7 =	vld.idx.msk [tilespmem:v0+s21+$0x0], $0xffff  }
0x162: {  	v22 =	vmax.f32 v22, $-5.000000000e+01;
	v62 =	vcvt.f32.s32 v6;
	v6 =	vtrunc.f32 v10;
	v10 =	vld.idx.msk [tilespmem:v0+s22+$0x0], $0xffff  }
0x163: {  	v12 =	vmin.f32 v12, $5.000000000e+01;
	v2 =	vadd.s32 v4, v2;
	v11 =	vmax.f32 v35, $-5.000000000e+01;
	v0 =	vld.idx.msk [tilespmem:v0+s23+$0x0], $0xffff  }
0x164: {  	v2 =	vadd.s32 $0x13EC, v2;
	v4 =	vadd.s32 v5, v62;
	v5 =	vcvt.f32.s32 v14;
	v14 =	vld.idx.msk [tilespmem:v1+s22+$0x0], $0xffff  }
0x165: {  	v35 =	vsub.f32 v58, v28;
	v12 =	vtrunc.f32 v12;
	v11 =	vmin.f32 v11, $5.000000000e+01;
	v1 =	vld.idx.msk [tilespmem:v1+s23+$0x0], $0xffff  }
0x166: {  	v12 =	vcvt.f32.s32 v12;
	v6 =	vcvt.f32.s32 v6;
	v16 =	vadd.f32 v16, v43;
	v43 =	vld [tilespmem:$0x1FC60]  }
0x167: {  	v11 =	vtrunc.f32 v11;
	v13 =	vmax.f32 v35, $-5.000000000e+01;
	v8 =	vadd.f32 v8, v38;
	v38 =	vld [tilespmem:$0x1FC40]  }
0x168: {  	v11 =	vcvt.f32.s32 v11;
	v13 =	vmin.f32 v13, $5.000000000e+01;
	v6 =	vmul.u32 $0x65, v6;
	v62 =	vmovc v24;
	v24 =	vld [tilespmem:$0x1FFC0]  }
0x169: {  	v12 =	vmul.u32 $0x65, v12;
	v4 =	vadd.s32 $0x13EC, v4;
	v13 =	vtrunc.f32 v13;
	v18 =	vld.idx.msk [tilespmem:v2+s21+$0x0], $0xffff  }
0x16a: {  	v13 =	vcvt.f32.s32 v13;
	v5 =	vadd.s32 v6, v5;
	v6 =	vcvt.f32.s32 v61;
	v19 =	vld.idx.msk [tilespmem:v2+s22+$0x0], $0xffff  }
0x16b: {  	v2 =	vld.idx.msk [tilespmem:v2+s23+$0x0], $0xffff;
	v61 =	vmax.f32 v17, $-5.000000000e+01;
	v17 =	vsub.f32 v60, v29;
	v55 =	vadd.s32 v0, v41  }
0x16c: {  	v41 =	vld [tilespmem:$0x1FC50];
	v5 =	vadd.s32 $0x13EC, v5;
	v12 =	vadd.s32 v12, v13;
	v13 =	vmin.f32 v61, $5.000000000e+01  }
0x16d: {  	v6 =	vmul.u32 $0x65, v6;
	v17 =	vmax.f32 v17, $-5.000000000e+01;
	v14 =	vadd.f32 v14, v47;
	v47 =	vld [tilespmem:$0x1FC70]  }
0x16e: {  	v12 =	vadd.s32 $0x13EC, v12;
	v13 =	vtrunc.f32 v13;
	v20 =	vld.idx.msk [tilespmem:v4+s21+$0x0], $0xffff;
	v17 =	vmin.f32 v17, $5.000000000e+01  }
0x16f: {  	v21 =	vld.idx.msk [tilespmem:v4+s22+$0x0], $0xffff;
	v6 =	vadd.s32 v6, v11;
	v11 =	vmin.f32 v59, $5.000000000e+01;
	v17 =	vtrunc.f32 v17  }
0x170: {  	v4 =	vld.idx.msk [tilespmem:v4+s23+$0x0], $0xffff;
	v24 =	vsub.f32 v60, v24;
	v6 =	vadd.s32 $0x13EC, v6;
	v11 =	vtrunc.f32 v11  }
0x171: {  	v35 =	vcvt.f32.s32 v17;
	v17 =	vmin.f32 v22, $5.000000000e+01;
	v11 =	vcvt.f32.s32 v11;
	v23 =	vld.idx.msk [tilespmem:v5+s21+$0x0], $0xffff  }
0x172: {  	v56 =	vmovc v25;
	v13 =	vcvt.f32.s32 v13;
	v25 =	vld.idx.msk [tilespmem:v5+s22+$0x0], $0xffff;
	v17 =	vtrunc.f32 v17;
	v22 =	vmax.f32 v24, $-5.000000000e+01  }
0x173: {  	v5 =	vld.idx.msk [tilespmem:v5+s23+$0x0], $0xffff;
	v24 =	vsub.f32 v58, v36;
	v22 =	vmin.f32 v22, $5.000000000e+01;
	v11 =	vmul.u32 $0x65, v11  }
0x174: {  	v7 =	vadd.f32 v7, v53;
	v17 =	vcvt.f32.s32 v17;
	v53 =	vld.idx.msk [tilespmem:v12+s21+$0x0], $0xffff;
	v22 =	vtrunc.f32 v22  }
0x175: {  	v57 =	vmovc v34;
	v34 =	vmovc v26;
	v24 =	vmax.f32 v24, $-5.000000000e+01;
	v11 =	vadd.s32 v11, v13;
	v26 =	vld.idx.msk [tilespmem:v6+s21+$0x0], $0xffff;
	v13 =	vmul.u32 $0x65, v35  }
0x176: {  	v22 =	vcvt.f32.s32 v22;
	v24 =	vmin.f32 v24, $5.000000000e+01;
	v61 =	vld.idx.msk [tilespmem:v6+s22+$0x0], $0xffff  }
0x177: {  	v6 =	vld.idx.msk [tilespmem:v6+s23+$0x0], $0xffff;
	v11 =	vadd.s32 $0x13EC, v11;
	v13 =	vadd.s32 v13, v17;
	v17 =	vtrunc.f32 v24  }
0x178: {  	v22 =	vmul.u32 $0x65, v22;
	v24 =	vld.idx.msk [tilespmem:v12+s22+$0x0], $0xffff;
	v17 =	vcvt.f32.s32 v17  }
0x179: {  	v12 =	vld.idx.msk [tilespmem:v12+s23+$0x0], $0xffff  }
0x17a: {  	v30 =	vmov v37;
	v13 =	vadd.s32 $0x13EC, v13;
	v37 =	vadd.s32 v22, v17;
	v17 =	vld [tilespmem:$0x1FC30]  }
0x17b: {  	v35 =	vadd.f32 v26, v51;
	v51 =	vld [tilespmem:$0x1FFD0]  }
0x17c: {  	v10 =	vadd.f32 v10, v31;
	v1 =	vadd.s32 v1, v48;
	v59 =	vadd.f32 v18, v41;
	v48 =	vld.idx.msk [tilespmem:v11+s21+$0x0], $0xffff  }
0x17d: {  	v0 =	vadd.s32 v3, v38;
	v38 =	vadd.f32 v19, v43;
	v44 =	vadd.f32 v20, v44;
	v3 =	vld.idx.msk [tilespmem:v11+s23+$0x0], $0xffff  }
0x17e: {  	v43 =	vadd.f32 v61, v52;
	v61 =	vadd.f32 v24, v46;
	v46 =	vadd.s32 v12, v9;
	v9 =	vld [tilespmem:s25+$0xFFFFFFD0]  }
0x17f: {  	v47 =	vadd.s32 v2, v47;
	v39 =	vadd.f32 v23, v39;
	v42 =	vadd.f32 v53, v42;
	v2 =	vld.idx.msk [tilespmem:v13+s21+$0x0], $0xffff  }
0x180: {  	v22 =	vadd.s32 $0x13EC, v37;
	v37 =	vadd.f32 v21, v45;
	v45 =	vadd.s32 v4, v40;
	v4 =	vld.idx.msk [tilespmem:v13+s22+$0x0], $0xffff  }
0x181: {  	v40 =	vadd.f32 v25, v50;
	v25 =	vadd.s32 v5, v49;
	v5 =	vld.idx.msk [tilespmem:v13+s23+$0x0], $0xffff;
	v15 =	vadd.f32 v15, v17  }
0x182: {  	v17 =	vld.idx.msk [tilespmem:v11+s22+$0x0], $0xffff;
	v11 =	vsub.f32 v60, v51;
	v60 =	vsub.f32 v58, v63  }
0x183: {  	v18 =	vld [tilespmem:s26+$0xFFFFFFD0];
	v41 =	vadd.s32 v6, v54;
	v48 =	vadd.f32 v48, v7;
	v51 =	vadd.s32 v3, v55  }
0x184: {  	v11 =	vmax.f32 v11, $-5.000000000e+01;
	v13 =	vmax.f32 v60, $-5.000000000e+01;
	v20 =	vsub.f32 v9, v36  }
0x185: {  	v31 =	vmovc v63;
	v12 =	vld.idx.msk [tilespmem:v22+s22+$0x0], $0xffff;
	v63 =	vmin.f32 v11, $5.000000000e+01;
	v58 =	vmin.f32 v13, $5.000000000e+01;
	v55 =	vadd.f32 v2, v8  }
0x186: {  	v52 =	vadd.f32 v4, v14;
	v54 =	vadd.s32 v5, v1;
	v11 =	vsub.f32 v9, v56  }
0x187: {  	v13 =	vsub.f32 v9, v62;
	v7 =	vtrunc.f32 v63;
	v60 =	vtrunc.f32 v58  }
0x188: {  	v6 =	vld.idx.msk [tilespmem:v22+s21+$0x0], $0xffff;
	v63 =	vsub.f32 v18, v33;
	v20 =	vmax.f32 v20, $-5.000000000e+01;
	v50 =	vadd.f32 v17, v10  }
0x189: {  	v49 =	vcvt.f32.s32 v7;
	v2 =	vcvt.f32.s32 v60;
	v7 =	vsub.f32 v9, v57  }
0x18a: {  	v5 =	vmax.f32 v11, $-5.000000000e+01;
	v53 =	vadd.f32 v12, v16;
	v8 =	vmax.f32 v63, $-5.000000000e+01  }
0x18b: {  	v58 =	vmovc v56;
	v12 =	vsub.f32 v18, v34;
	v5 =	vmin.f32 v5, $5.000000000e+01;
	v56 =	vmax.f32 v13, $-5.000000000e+01  }
0x18c: {  	v10 =	vld [tilespmem:$0x1FFF0];
	v13 =	vsub.f32 v18, v27;
	v3 =	vmul.u32 $0x65, v49;
	v1 =	vmax.f32 v7, $-5.000000000e+01  }
0x18d: {  	v49 =	vadd.f32 v6, v15;
	v5 =	vtrunc.f32 v5;
	v1 =	vmin.f32 v1, $5.000000000e+01  }
0x18e: {  	v6 =	vmax.f32 v12, $-5.000000000e+01;
	v14 =	vcvt.f32.s32 v5;
	v12 =	vsub.f32 v9, v28  }
0x18f: {  	v2 =	vadd.s32 v3, v2;
	v3 =	vmin.f32 v8, $5.000000000e+01;
	v1 =	vtrunc.f32 v1  }
0x190: {  	v63 =	vld [tilespmem:$0x1FFE0];
	v60 =	vmovc v34;
	v34 =	vmin.f32 v6, $5.000000000e+01;
	v6 =	vmin.f32 v56, $5.000000000e+01;
	v8 =	vmax.f32 v13, $-5.000000000e+01  }
0x191: {  	v17 =	vld [tilespmem:$0x1FFC0];
	v56 =	vsub.f32 v18, v29;
	v4 =	vsub.f32 v18, v10;
	v3 =	vtrunc.f32 v3  }
0x192: {  	v2 =	vadd.s32 $0x13EC, v2;
	v1 =	vcvt.f32.s32 v1;
	v5 =	vtrunc.f32 v34  }
0x193: {  	v10 =	vtrunc.f32 v6;
	v34 =	vsub.f32 v9, v32;
	v3 =	vcvt.f32.s32 v3  }
0x194: {  	v8 =	vmin.f32 v8, $5.000000000e+01;
	v5 =	vcvt.f32.s32 v5;
	v4 =	vmax.f32 v4, $-5.000000000e+01  }
0x195: {  	v7 =	vsub.f32 v18, v63;
	v4 =	vmin.f32 v4, $5.000000000e+01;
	v3 =	vmul.u32 $0x65, v3  }
0x196: {  	v17 =	vsub.f32 v18, v17;
	v8 =	vtrunc.f32 v8;
	v4 =	vtrunc.f32 v4  }
0x197: {  	v11 =	vmax.f32 v7, $-5.000000000e+01;
	v4 =	vcvt.f32.s32 v4;
	v1 =	vadd.s32 v3, v1  }
0x198: {  	v8 =	vcvt.f32.s32 v8;
	v6 =	vmin.f32 v11, $5.000000000e+01;
	v11 =	vld.idx.msk [tilespmem:v2+s21+$0x0], $0xffff;
	v1 =	vadd.s32 $0x13EC, v1  }
0x199: {  	v17 =	vmax.f32 v17, $-5.000000000e+01;
	v7 =	vmax.f32 v12, $-5.000000000e+01;
	v12 =	vld.idx.msk [tilespmem:v2+s22+$0x0], $0xffff;
	v4 =	vmul.u32 $0x65, v4  }
0x19a: {  	v5 =	vmul.u32 $0x65, v5;
	v17 =	vmin.f32 v17, $5.000000000e+01;
	v7 =	vmin.f32 v7, $5.000000000e+01;
	v2 =	vld.idx.msk [tilespmem:v2+s23+$0x0], $0xffff  }
0x19b: {  	v8 =	vmul.u32 $0x65, v8;
	v3 =	vadd.s32 v4, v14;
	v14 =	vtrunc.f32 v6;
	v6 =	vld.idx.msk [tilespmem:v22+s23+$0x0], $0xffff  }
0x19c: {  	v4 =	vcvt.f32.s32 v10;
	v10 =	vmax.f32 v34, $-5.000000000e+01;
	v22 =	vld [tilespmem:$0x1FFD0];
	v3 =	vadd.s32 $0x13EC, v3  }
0x19d: {  	v17 =	vtrunc.f32 v17;
	v7 =	vtrunc.f32 v7;
	v10 =	vmin.f32 v10, $5.000000000e+01;
	v13 =	vld.idx.msk [tilespmem:v1+s21+$0x0], $0xffff  }
0x19e: {  	v4 =	vadd.s32 v5, v4;
	v5 =	vcvt.f32.s32 v14;
	v10 =	vtrunc.f32 v10;
	v15 =	vld.idx.msk [tilespmem:v1+s22+$0x0], $0xffff  }
0x19f: {  	v7 =	vcvt.f32.s32 v7;
	v1 =	vld.idx.msk [tilespmem:v1+s23+$0x0], $0xffff;
	v4 =	vadd.s32 $0x13EC, v4;
	v10 =	vcvt.f32.s32 v10  }
0x1a0: {  	v26 =	vmovc v30;
	v34 =	vmax.f32 v56, $-5.000000000e+01;
	v5 =	vmul.u32 $0x65, v5;
	v6 =	vadd.s32 v6, v0;
	v0 =	vld [tilespmem:s26+$0xFFFFFFE0]  }
0x1a1: {  	v56 =	vsub.f32 v9, v30;
	v30 =	vmovc v36;
	v36 =	vcvt.f32.s32 v17;
	v8 =	vadd.s32 v8, v10;
	v16 =	vld.idx.msk [tilespmem:v3+s21+$0x0], $0xffff  }
0x1a2: {  	v18 =	vsub.f32 v18, v22;
	v5 =	vadd.s32 v5, v7;
	v7 =	vmin.f32 v34, $5.000000000e+01;
	v34 =	vld.idx.msk [tilespmem:v3+s22+$0x0], $0xffff  }
0x1a3: {  	v17 =	vmin.f32 v20, $5.000000000e+01;
	v9 =	vsub.f32 v9, v31;
	v3 =	vld.idx.msk [tilespmem:v3+s23+$0x0], $0xffff;
	v8 =	vadd.s32 $0x13EC, v8  }
0x1a4: {  	v14 =	vmax.f32 v56, $-5.000000000e+01;
	v7 =	vtrunc.f32 v7;
	v18 =	vmax.f32 v18, $-5.000000000e+01;
	v19 =	vld.idx.msk [tilespmem:v4+s21+$0x0], $0xffff  }
0x1a5: {  	v14 =	vmin.f32 v14, $5.000000000e+01;
	v7 =	vcvt.f32.s32 v7;
	v21 =	vld.idx.msk [tilespmem:v4+s22+$0x0], $0xffff;
	v18 =	vmin.f32 v18, $5.000000000e+01  }
0x1a6: {  	v14 =	vtrunc.f32 v14;
	v5 =	vadd.s32 $0x13EC, v5;
	v4 =	vld.idx.msk [tilespmem:v4+s23+$0x0], $0xffff;
	v18 =	vtrunc.f32 v18  }
0x1a7: {  	v14 =	vcvt.f32.s32 v14;
	v7 =	vmul.u32 $0x65, v7;
	v56 =	vcvt.f32.s32 v18;
	v18 =	vld [tilespmem:s25+$0xFFFFFFE0]  }
0x1a8: {  	v17 =	vtrunc.f32 v17;
	v11 =	vadd.f32 v11, v59;
	v9 =	vmax.f32 v9, $-5.000000000e+01;
	v23 =	vld.idx.msk [tilespmem:v8+s21+$0x0], $0xffff  }
0x1a9: {  	v17 =	vcvt.f32.s32 v17;
	v9 =	vmin.f32 v9, $5.000000000e+01;
	v24 =	vld.idx.msk [tilespmem:v8+s22+$0x0], $0xffff;
	v7 =	vadd.s32 v7, v14  }
0x1aa: {  	v9 =	vtrunc.f32 v9;
	v8 =	vld.idx.msk [tilespmem:v8+s23+$0x0], $0xffff;
	v14 =	vmul.u32 $0x65, v36;
	v7 =	vadd.s32 $0x13EC, v7  }
0x1ab: {  	v12 =	vadd.f32 v12, v38;
	v59 =	vadd.s32 v2, v47;
	v9 =	vcvt.f32.s32 v9;
	v22 =	vld.idx.msk [tilespmem:v5+s21+$0x0], $0xffff  }
0x1ac: {  	v37 =	vadd.f32 v15, v37;
	v20 =	vld.idx.msk [tilespmem:v5+s22+$0x0], $0xffff;
	v14 =	vadd.s32 v14, v17;
	v17 =	vmul.u32 $0x65, v56  }
0x1ad: {  	v38 =	vadd.s32 v1, v45;
	v47 =	vadd.s32 v3, v25;
	v5 =	vld.idx.msk [tilespmem:v5+s23+$0x0], $0xffff;
	v14 =	vadd.s32 $0x13EC, v14  }
0x1ae: {  	v36 =	vsub.f32 v0, v33;
	v56 =	vadd.f32 v13, v44;
	v13 =	vadd.s32 v17, v9;
	v9 =	vld [tilespmem:$0x1FFF0]  }
0x1af: {  	v43 =	vadd.f32 v21, v43;
	v4 =	vadd.s32 v4, v41;
	v44 =	vadd.f32 v16, v39;
	v2 =	vld.idx.msk [tilespmem:v7+s21+$0x0], $0xffff  }
0x1b0: {  	v39 =	vadd.f32 v34, v40;
	v40 =	vadd.f32 v19, v35;
	v1 =	vadd.s32 $0x13EC, v13;
	v34 =	vld.idx.msk [tilespmem:v7+s22+$0x0], $0xffff  }
0x1b1: {  	v16 =	vsub.f32 v18, v31;
	v35 =	vadd.f32 v22, v42;
	v3 =	vld.idx.msk [tilespmem:v7+s23+$0x0], $0xffff;
	v7 =	vmax.f32 v36, $-5.000000000e+01  }
0x1b2: {  	[tilespmem:$0x1FC80] =	vst v4;
	v45 =	vadd.f32 v20, v61;
	v41 =	vadd.s32 v5, v46;
	v7 =	vmin.f32 v7, $5.000000000e+01;
	v4 =	vld.idx.msk [tilespmem:v14+s21+$0x0], $0xffff  }
0x1b3: {  	v42 =	vadd.f32 v23, v48;
	v61 =	vadd.f32 v24, v50;
	v23 =	vmovc v57;
	v5 =	vld.idx.msk [tilespmem:v14+s22+$0x0], $0xffff;
	v7 =	vtrunc.f32 v7  }
0x1b4: {  	v57 =	vsub.f32 v18, v57;
	v46 =	vadd.s32 v8, v51;
	[tilespmem:$0x1FC90] =	vst v35;
	v10 =	vld.idx.msk [tilespmem:v14+s23+$0x0], $0xffff;
	v35 =	vcvt.f32.s32 v7  }
0x1b5: {  	v16 =	vmax.f32 v16, $-5.000000000e+01;
	v14 =	vld.idx.msk [tilespmem:v1+s22+$0x0], $0xffff;
	v48 =	vadd.f32 v2, v55;
	v50 =	vadd.f32 v34, v52  }
0x1b6: {  	v2 =	vld.idx.msk [tilespmem:v1+s21+$0x0], $0xffff;
	v34 =	vmax.f32 v57, $-5.000000000e+01;
	v51 =	vadd.s32 v3, v54;
	v3 =	vmul.u32 $0x65, v35  }
0x1b7: {  	v35 =	vsub.f32 v18, v62;
	v36 =	vmin.f32 v34, $5.000000000e+01;
	v55 =	vadd.f32 v4, v49  }
0x1b8: {  	v52 =	vadd.f32 v5, v53;
	v57 =	vtrunc.f32 v36;
	v5 =	vsub.f32 v0, v9  }
0x1b9: {  	v54 =	vadd.s32 v10, v6;
	v6 =	vmax.f32 v35, $-5.000000000e+01;
	v4 =	vcvt.f32.s32 v57  }
0x1ba: {  	v6 =	vmin.f32 v6, $5.000000000e+01;
	v53 =	vadd.f32 v14, v12;
	v13 =	vmax.f32 v5, $-5.000000000e+01  }
0x1bb: {  	v57 =	vld [tilespmem:$0x1FFE0];
	v14 =	vsub.f32 v0, v60;
	v6 =	vtrunc.f32 v6;
	v49 =	vadd.f32 v2, v11  }
0x1bc: {  	v11 =	vsub.f32 v18, v58;
	v3 =	vadd.s32 v3, v4;
	v4 =	vmin.f32 v13, $5.000000000e+01  }
0x1bd: {  	v34 =	vmovc v58;
	v36 =	vmovc v62;
	v58 =	vsub.f32 v18, v28;
	v62 =	vcvt.f32.s32 v6;
	v3 =	vadd.s32 $0x13EC, v3  }
0x1be: {  	v4 =	vtrunc.f32 v4;
	v5 =	vmax.f32 v14, $-5.000000000e+01;
	v14 =	vsub.f32 v0, v27  }
0x1bf: {  	v2 =	vmax.f32 v11, $-5.000000000e+01;
	v4 =	vcvt.f32.s32 v4;
	v5 =	vmin.f32 v5, $5.000000000e+01  }
0x1c0: {  	v13 =	vmax.f32 v58, $-5.000000000e+01;
	v58 =	vsub.f32 v18, v32;
	v7 =	vsub.f32 v0, v57  }
0x1c1: {  	v2 =	vmin.f32 v2, $5.000000000e+01;
	v5 =	vtrunc.f32 v5;
	v57 =	vmax.f32 v14, $-5.000000000e+01  }
0x1c2: {  	v2 =	vtrunc.f32 v2;
	v5 =	vcvt.f32.s32 v5;
	v7 =	vmax.f32 v7, $-5.000000000e+01  }
0x1c3: {  	v4 =	vmul.u32 $0x65, v4;
	v2 =	vcvt.f32.s32 v2;
	v12 =	vmin.f32 v7, $5.000000000e+01  }
0x1c4: {  	v5 =	vmul.u32 $0x65, v5;
	v7 =	vmin.f32 v13, $5.000000000e+01;
	v13 =	vmax.f32 v58, $-5.000000000e+01  }
0x1c5: {  	v15 =	vld [tilespmem:$0x1FFD0];
	v2 =	vadd.s32 v4, v2;
	v6 =	vtrunc.f32 v12;
	v35 =	vtrunc.f32 v7  }
0x1c6: {  	v7 =	vmin.f32 v57, $5.000000000e+01;
	v57 =	vld [tilespmem:$0x1FFC0];
	v6 =	vcvt.f32.s32 v6;
	v2 =	vadd.s32 $0x13EC, v2  }
0x1c7: {  	v1 =	vld.idx.msk [tilespmem:v1+s23+$0x0], $0xffff;
	v4 =	vadd.s32 v5, v62;
	v5 =	vcvt.f32.s32 v35;
	v62 =	vsub.f32 v0, v29  }
0x1c8: {  	v10 =	vld.idx.msk [tilespmem:v3+s21+$0x0], $0xffff;
	v12 =	vtrunc.f32 v7;
	v35 =	vsub.f32 v18, v26;
	v7 =	vmin.f32 v13, $5.000000000e+01  }
0x1c9: {  	v11 =	vld.idx.msk [tilespmem:v3+s22+$0x0], $0xffff;
	v4 =	vadd.s32 $0x13EC, v4;
	v7 =	vtrunc.f32 v7;
	v6 =	vmul.u32 $0x65, v6  }
0x1ca: {  	v3 =	vld.idx.msk [tilespmem:v3+s23+$0x0], $0xffff;
	v14 =	vmax.f32 v62, $-5.000000000e+01;
	v9 =	vmax.f32 v35, $-5.000000000e+01;
	v7 =	vcvt.f32.s32 v7  }
0x1cb: {  	v8 =	vmin.f32 v14, $5.000000000e+01;
	v9 =	vmin.f32 v9, $5.000000000e+01;
	v13 =	vsub.f32 v0, v57;
	v57 =	vld [tilespmem:s26+$0xFFFFFFF0]  }
0x1cc: {  	v5 =	vadd.s32 v6, v5;
	v6 =	vcvt.f32.s32 v12;
	v8 =	vtrunc.f32 v8;
	v12 =	vld.idx.msk [tilespmem:v2+s21+$0x0], $0xffff  }
0x1cd: {  	v35 =	vsub.f32 v18, v30;
	v9 =	vtrunc.f32 v9;
	v8 =	vcvt.f32.s32 v8;
	v14 =	vld.idx.msk [tilespmem:v2+s22+$0x0], $0xffff  }
0x1ce: {  	v0 =	vsub.f32 v0, v15;
	v5 =	vadd.s32 $0x13EC, v5;
	v2 =	vld.idx.msk [tilespmem:v2+s23+$0x0], $0xffff;
	v6 =	vmul.u32 $0x65, v6  }
0x1cf: {  	v9 =	vcvt.f32.s32 v9;
	v58 =	vmax.f32 v13, $-5.000000000e+01;
	v15 =	vld.idx.msk [tilespmem:v4+s22+$0x0], $0xffff;
	v8 =	vmul.u32 $0x65, v8  }
0x1d0: {  	v1 =	vadd.s32 v1, v59;
	v6 =	vadd.s32 v6, v7;
	v7 =	vmin.f32 v58, $5.000000000e+01;
	v58 =	vld [tilespmem:s25+$0xFFFFFFF0]  }
0x1d1: {  	v13 =	vmax.f32 v35, $-5.000000000e+01;
	v6 =	vadd.s32 $0x13EC, v6;
	v8 =	vadd.s32 v8, v9;
	v9 =	vld.idx.msk [tilespmem:v4+s21+$0x0], $0xffff  }
0x1d2: {  	v0 =	vmax.f32 v0, $-5.000000000e+01;
	v13 =	vmin.f32 v13, $5.000000000e+01;
	v7 =	vtrunc.f32 v7;
	v4 =	vld.idx.msk [tilespmem:v4+s23+$0x0], $0xffff  }
0x1d3: {  	v0 =	vmin.f32 v0, $5.000000000e+01;
	v13 =	vtrunc.f32 v13;
	v7 =	vcvt.f32.s32 v7;
	v17 =	vld.idx.msk [tilespmem:v5+s21+$0x0], $0xffff  }
0x1d4: {  	v0 =	vtrunc.f32 v0;
	v18 =	vsub.f32 v57, v33;
	v8 =	vadd.s32 $0x13EC, v8;
	v19 =	vld.idx.msk [tilespmem:v5+s22+$0x0], $0xffff  }
0x1d5: {  	v13 =	vcvt.f32.s32 v13;
	v0 =	vcvt.f32.s32 v0;
	v5 =	vld.idx.msk [tilespmem:v5+s23+$0x0], $0xffff;
	v7 =	vmul.u32 $0x65, v7  }
0x1d6: {  	v24 =	vmovc v33;
	v33 =	vmin.f32 v16, $5.000000000e+01;
	v16 =	vmax.f32 v18, $-5.000000000e+01;
	v18 =	vsub.f32 v58, v23;
	v20 =	vld.idx.msk [tilespmem:v6+s21+$0x0], $0xffff  }
0x1d7: {  	v0 =	vmul.u32 $0x65, v0;
	v16 =	vmin.f32 v16, $5.000000000e+01;
	v7 =	vadd.s32 v7, v13;
	v21 =	vld.idx.msk [tilespmem:v6+s22+$0x0], $0xffff  }
0x1d8: {  	v13 =	vtrunc.f32 v33;
	v6 =	vld.idx.msk [tilespmem:v6+s23+$0x0], $0xffff;
	v7 =	vadd.s32 $0x13EC, v7;
	v18 =	vmax.f32 v18, $-5.000000000e+01  }
0x1d9: {  	v16 =	vtrunc.f32 v16;
	v13 =	vcvt.f32.s32 v13;
	v22 =	vld.idx.msk [tilespmem:v8+s21+$0x0], $0xffff;
	v18 =	vmin.f32 v18, $5.000000000e+01  }
0x1da: {  	v10 =	vadd.f32 v10, v56;
	v16 =	vcvt.f32.s32 v16;
	v59 =	vtrunc.f32 v18;
	v18 =	vld.idx.msk [tilespmem:v8+s22+$0x0], $0xffff  }
0x1db: {  	v0 =	vadd.s32 v0, v13;
	v13 =	vcvt.f32.s32 v59;
	v59 =	vadd.s32 v3, v38;
	v3 =	vld.idx.msk [tilespmem:v8+s23+$0x0], $0xffff  }
0x1dc: {  	v11 =	vadd.f32 v11, v37;
	v16 =	vmul.u32 $0x65, v16;
	v38 =	vadd.s32 v2, v47;
	v47 =	vld [tilespmem:$0x1FC80]  }
0x1dd: {  	v25 =	vmovc v28;
	v56 =	vadd.f32 v12, v44;
	v37 =	vadd.f32 v14, v39;
	v0 =	vadd.s32 $0x13EC, v0;
	v2 =	vld.idx.msk [tilespmem:v7+s21+$0x0], $0xffff  }
0x1de: {  	v28 =	vmovc v34;
	v39 =	vadd.f32 v15, v43;
	v34 =	vsub.f32 v58, v34;
	v33 =	vadd.s32 v16, v13;
	v13 =	vld [tilespmem:$0x1FC90]  }
0x1df: {  	v63 =	vmovc v32;
	v32 =	vsub.f32 v58, v32;
	v44 =	vadd.f32 v9, v40;
	v8 =	vadd.s32 $0x13EC, v33;
	v33 =	vld [tilespmem:$0x1FFF0]  }
0x1e0: {  	v43 =	vadd.f32 v19, v45;
	v5 =	vadd.s32 v5, v41;
	v14 =	vadd.f32 v20, v42;
	v9 =	vld.idx.msk [tilespmem:v7+s22+$0x0], $0xffff  }
0x1e1: {  	[tilespmem:$0x1FCA0] =	vst v5;
	v45 =	vadd.f32 v21, v61;
	v47 =	vadd.s32 v4, v47;
	v4 =	vld.idx.msk [tilespmem:v7+s23+$0x0], $0xffff  }
0x1e2: {  	v42 =	vadd.f32 v22, v48;
	[tilespmem:$0x1FCB0] =	vst v14;
	v14 =	vmax.f32 v34, $-5.000000000e+01;
	v34 =	vsub.f32 v57, v60;
	v5 =	vld.idx.msk [tilespmem:v0+s21+$0x0], $0xffff  }
0x1e3: {  	v41 =	vadd.s32 v6, v46;
	v61 =	vadd.f32 v18, v50;
	v6 =	vld.idx.msk [tilespmem:v0+s22+$0x0], $0xffff;
	v40 =	vadd.f32 v17, v13  }
0x1e4: {  	v0 =	vld.idx.msk [tilespmem:v0+s23+$0x0], $0xffff;
	v48 =	vadd.f32 v2, v55;
	v7 =	vsub.f32 v57, v33  }
0x1e5: {  	v46 =	vadd.s32 v3, v51;
	v50 =	vadd.f32 v9, v52;
	v9 =	vsub.f32 v58, v36  }
0x1e6: {  	v35 =	vmovc v31;
	v31 =	vmovc v36;
	v36 =	vmax.f32 v32, $-5.000000000e+01;
	v2 =	vld.idx.msk [tilespmem:v8+s21+$0x0], $0xffff;
	v33 =	vmin.f32 v14, $5.000000000e+01;
	v7 =	vmax.f32 v7, $-5.000000000e+01  }
0x1e7: {  	v13 =	vld.idx.msk [tilespmem:v8+s22+$0x0], $0xffff;
	v14 =	vsub.f32 v57, v27;
	v51 =	vadd.s32 v4, v54;
	v55 =	vmin.f32 v7, $5.000000000e+01  }
0x1e8: {  	v12 =	vld [tilespmem:$0x1FFE0];
	v52 =	vadd.f32 v6, v53;
	v4 =	vtrunc.f32 v33;
	v3 =	vtrunc.f32 v55  }
0x1e9: {  	v54 =	vadd.s32 v0, v1;
	v0 =	vmax.f32 v9, $-5.000000000e+01;
	v3 =	vcvt.f32.s32 v3  }
0x1ea: {  	v4 =	vcvt.f32.s32 v4;
	v0 =	vmin.f32 v0, $5.000000000e+01;
	v55 =	vadd.f32 v5, v49  }
0x1eb: {  	v0 =	vtrunc.f32 v0;
	v5 =	vmax.f32 v14, $-5.000000000e+01;
	v3 =	vmul.u32 $0x65, v3  }
0x1ec: {  	v49 =	vadd.f32 v2, v10;
	v53 =	vadd.f32 v13, v11;
	v11 =	vmax.f32 v34, $-5.000000000e+01  }
0x1ed: {  	v13 =	vsub.f32 v58, v25;
	v10 =	vadd.s32 v3, v4;
	v3 =	vsub.f32 v57, v12  }
0x1ee: {  	v0 =	vcvt.f32.s32 v0;
	v34 =	vmin.f32 v5, $5.000000000e+01;
	v5 =	vmin.f32 v36, $5.000000000e+01  }
0x1ef: {  	v2 =	vmin.f32 v11, $5.000000000e+01;
	v11 =	vtrunc.f32 v5;
	v3 =	vmax.f32 v3, $-5.000000000e+01  }
0x1f0: {  	v2 =	vtrunc.f32 v2;
	v4 =	vmax.f32 v13, $-5.000000000e+01;
	v3 =	vmin.f32 v3, $5.000000000e+01  }
0x1f1: {  	v62 =	vmovc v26;
	v2 =	vcvt.f32.s32 v2;
	v4 =	vmin.f32 v4, $5.000000000e+01;
	v3 =	vtrunc.f32 v3  }
0x1f2: {  	v14 =	vsub.f32 v58, v62;
	v4 =	vtrunc.f32 v4;
	v3 =	vcvt.f32.s32 v3  }
0x1f3: {  	v9 =	vsub.f32 v57, v29;
	v33 =	vcvt.f32.s32 v4;
	v4 =	vtrunc.f32 v34  }
0x1f4: {  	v36 =	vmax.f32 v14, $-5.000000000e+01;
	v4 =	vcvt.f32.s32 v4;
	v3 =	vmul.u32 $0x65, v3  }
0x1f5: {  	v18 =	vld [tilespmem:s25+$0x0];
	v13 =	vmax.f32 v9, $-5.000000000e+01;
	v1 =	vadd.s32 $0x13EC, v10;
	v2 =	vmul.u32 $0x65, v2  }
0x1f6: {  	v12 =	vmul.u32 $0x65, v4;
	v4 =	vmin.f32 v13, $5.000000000e+01;
	v10 =	vadd.s32 v3, v33;
	v33 =	vld [tilespmem:$0x1FFC0]  }
0x1f7: {  	v20 =	vld [tilespmem:$0x1FFF0];
	v14 =	vmin.f32 v36, $5.000000000e+01;
	v0 =	vadd.s32 v2, v0;
	v34 =	vtrunc.f32 v4  }
0x1f8: {  	v36 =	vld [tilespmem:$0x1FFD0];
	v7 =	vadd.s32 $0x13EC, v0;
	v0 =	vtrunc.f32 v14;
	v13 =	vcvt.f32.s32 v34  }
0x1f9: {  	v2 =	vcvt.f32.s32 v11;
	v34 =	vcvt.f32.s32 v0;
	v0 =	vld [tilespmem:s26+$0x0]  }
0x1fa: {  	v5 =	vld.idx.msk [tilespmem:v1+s22+$0x0], $0xffff;
	v9 =	vadd.s32 $0x13EC, v10;
	v10 =	vmul.u32 $0x65, v13  }
0x1fb: {  	v17 =	vsub.f32 v18, v23;
	v2 =	vadd.s32 v12, v2;
	v3 =	vld.idx.msk [tilespmem:v8+s23+$0x0], $0xffff;
	v6 =	vsub.f32 v57, v33  }
0x1fc: {  	v12 =	vsub.f32 v58, v30;
	v8 =	vld.idx.msk [tilespmem:v1+s21+$0x0], $0xffff;
	v2 =	vadd.s32 $0x13EC, v2;
	v10 =	vadd.s32 v10, v34  }
0x1fd: {  	v32 =	vmovc v62;
	v17 =	vmax.f32 v17, $-5.000000000e+01;
	v1 =	vld.idx.msk [tilespmem:v1+s23+$0x0], $0xffff;
	v10 =	vadd.s32 $0x13EC, v10;
	v62 =	vmax.f32 v6, $-5.000000000e+01  }
0x1fe: {  	v14 =	vld.idx.msk [tilespmem:v7+s22+$0x0], $0xffff;
	v20 =	vsub.f32 v0, v20;
	v6 =	vmax.f32 v12, $-5.000000000e+01;
	v33 =	vmin.f32 v62, $5.000000000e+01  }
0x1ff: {  	v13 =	vld.idx.msk [tilespmem:v7+s21+$0x0], $0xffff;
	v12 =	vsub.f32 v57, v36;
	v36 =	vsub.f32 v0, v24;
	v4 =	vtrunc.f32 v33  }
0x200: {  	v7 =	vld.idx.msk [tilespmem:v7+s23+$0x0], $0xffff;
	v6 =	vmin.f32 v6, $5.000000000e+01;
	v62 =	vsub.f32 v58, v35;
	v4 =	vcvt.f32.s32 v4  }
0x201: {  	v19 =	vld.idx.msk [tilespmem:v2+s21+$0x0], $0xffff;
	v58 =	vmin.f32 v17, $5.000000000e+01;
	v17 =	vmax.f32 v20, $-5.000000000e+01;
	v6 =	vtrunc.f32 v6  }
0x202: {  	v21 =	vld.idx.msk [tilespmem:v2+s22+$0x0], $0xffff;
	v57 =	vmax.f32 v12, $-5.000000000e+01;
	v6 =	vcvt.f32.s32 v6;
	v4 =	vmul.u32 $0x65, v4  }
0x203: {  	v2 =	vld.idx.msk [tilespmem:v2+s23+$0x0], $0xffff;
	v20 =	vsub.f32 v18, v28;
	v12 =	vmax.f32 v36, $-5.000000000e+01;
	v34 =	vmin.f32 v57, $5.000000000e+01  }
0x204: {  	v15 =	vld.idx.msk [tilespmem:v9+s21+$0x0], $0xffff;
	v33 =	vmovc v35;
	v35 =	vmax.f32 v62, $-5.000000000e+01;
	v4 =	vadd.s32 v4, v6;
	v6 =	vtrunc.f32 v34  }
0x205: {  	v16 =	vld.idx.msk [tilespmem:v9+s22+$0x0], $0xffff;
	v17 =	vmin.f32 v17, $5.000000000e+01;
	v11 =	vmin.f32 v35, $5.000000000e+01;
	v6 =	vcvt.f32.s32 v6  }
0x206: {  	v9 =	vld.idx.msk [tilespmem:v9+s23+$0x0], $0xffff;
	v12 =	vmin.f32 v12, $5.000000000e+01;
	v11 =	vtrunc.f32 v11;
	v4 =	vadd.s32 $0x13EC, v4  }
0x207: {  	v22 =	vld.idx.msk [tilespmem:v10+s21+$0x0], $0xffff;
	v12 =	vtrunc.f32 v12;
	v11 =	vcvt.f32.s32 v11;
	v6 =	vmul.u32 $0x65, v6  }
0x208: {  	v5 =	vadd.f32 v5, v37;
	v17 =	vtrunc.f32 v17;
	v57 =	vcvt.f32.s32 v12;
	v34 =	vmovc v23;
	v23 =	vld.idx.msk [tilespmem:v10+s22+$0x0], $0xffff  }
0x209: {  	v20 =	vmax.f32 v20, $-5.000000000e+01;
	v12 =	vtrunc.f32 v58;
	v10 =	vld.idx.msk [tilespmem:v10+s23+$0x0], $0xffff;
	v6 =	vadd.s32 v6, v11  }
0x20a: {  	v12 =	vcvt.f32.s32 v12;
	v11 =	vmul.u32 $0x65, v57;
	v57 =	vld [tilespmem:$0x1FCA0];
	v6 =	vadd.s32 $0x13EC, v6  }
0x20b: {  	v26 =	vmovc v25;
	v25 =	vmovc v24;
	v3 =	vadd.s32 v3, v59;
	v17 =	vcvt.f32.s32 v17;
	v20 =	vmin.f32 v20, $5.000000000e+01;
	v24 =	vld.idx.msk [tilespmem:v4+s21+$0x0], $0xffff  }
0x20c: {  	v8 =	vadd.f32 v8, v56;
	v59 =	vtrunc.f32 v20;
	v20 =	vld.idx.msk [tilespmem:v4+s22+$0x0], $0xffff;
	v11 =	vadd.s32 v11, v12  }
0x20d: {  	v17 =	vmul.u32 $0x65, v17;
	v12 =	vcvt.f32.s32 v59;
	v59 =	vld [tilespmem:$0x1FCB0];
	v11 =	vadd.s32 $0x13EC, v11  }
0x20e: {  	v37 =	vadd.f32 v14, v39;
	v14 =	vsub.f32 v18, v63;
	v58 =	vadd.s32 v1, v38;
	v1 =	vld.idx.msk [tilespmem:v4+s23+$0x0], $0xffff  }
0x20f: {  	v56 =	vadd.f32 v13, v44;
	v13 =	vsub.f32 v0, v27;
	v35 =	vadd.s32 v17, v12;
	v4 =	vld.idx.msk [tilespmem:v6+s21+$0x0], $0xffff  }
0x210: {  	v44 =	vadd.f32 v15, v40;
	v38 =	vadd.s32 v7, v47;
	v7 =	vadd.s32 $0x13EC, v35;
	v12 =	vld.idx.msk [tilespmem:v6+s22+$0x0], $0xffff  }
0x211: {  	v39 =	vadd.f32 v16, v43;
	v43 =	vadd.f32 v21, v45;
	v62 =	vmovc v28;
	v28 =	vmov v60;
	v6 =	vld.idx.msk [tilespmem:v6+s23+$0x0], $0xffff  }
0x212: {  	v60 =	vsub.f32 v0, v60;
	v40 =	vadd.f32 v19, v59;
	v59 =	vadd.s32 v2, v41;
	v2 =	vld.idx.msk [tilespmem:v11+s21+$0x0], $0xffff  }
0x213: {  	v45 =	vadd.f32 v23, v61;
	v61 =	vsub.f32 v18, v31;
	v41 =	vadd.s32 v10, v46;
	v10 =	vld.idx.msk [tilespmem:v11+s22+$0x0], $0xffff  }
0x214: {  	v47 =	vadd.s32 v9, v57;
	v35 =	vadd.f32 v22, v42;
	v9 =	vmax.f32 v60, $-5.000000000e+01;
	v11 =	vld.idx.msk [tilespmem:v11+s23+$0x0], $0xffff  }
0x215: {  	v60 =	vmax.f32 v61, $-5.000000000e+01;
	v42 =	vadd.f32 v24, v48;
	v46 =	vadd.s32 v1, v51;
	v1 =	vld.idx.msk [tilespmem:v7+s21+$0x0], $0xffff  }
0x216: {  	v36 =	vadd.f32 v20, v50;
	v61 =	vmin.f32 v60, $5.000000000e+01;
	v60 =	vsub.f32 v18, v32;
	v57 =	vld.idx.msk [tilespmem:v7+s22+$0x0], $0xffff  }
0x217: {  	v48 =	vadd.f32 v4, v55;
	v55 =	vmin.f32 v9, $5.000000000e+01;
	v50 =	vadd.f32 v12, v52  }
0x218: {  	v51 =	vadd.s32 v6, v54;
	v6 =	vtrunc.f32 v61;
	v4 =	vtrunc.f32 v55  }
0x219: {  	v4 =	vcvt.f32.s32 v4;
	v55 =	vadd.f32 v2, v49;
	v52 =	vadd.f32 v10, v53;
	v10 =	vld [tilespmem:$0x1FFE0]  }
0x21a: {  	v2 =	vcvt.f32.s32 v6;
	v54 =	vadd.s32 v11, v3;
	v11 =	vsub.f32 v18, v26  }
0x21b: {  	v4 =	vmul.u32 $0x65, v4;
	v49 =	vadd.f32 v1, v8;
	v53 =	vadd.f32 v57, v5  }
0x21c: {  	v1 =	vmax.f32 v11, $-5.000000000e+01;
	v5 =	vmax.f32 v14, $-5.000000000e+01;
	v57 =	vsub.f32 v0, v29  }
0x21d: {  	v11 =	vmax.f32 v60, $-5.000000000e+01;
	v1 =	vmin.f32 v1, $5.000000000e+01;
	v2 =	vadd.s32 v4, v2  }
0x21e: {  	v7 =	vld.idx.msk [tilespmem:v7+s23+$0x0], $0xffff;
	v5 =	vmin.f32 v5, $5.000000000e+01;
	v6 =	vsub.f32 v0, v10;
	v2 =	vadd.s32 $0x13EC, v2  }
0x21f: {  	v1 =	vtrunc.f32 v1;
	v4 =	vmax.f32 v13, $-5.000000000e+01;
	v5 =	vtrunc.f32 v5  }
0x220: {  	v4 =	vmin.f32 v4, $5.000000000e+01;
	v61 =	vcvt.f32.s32 v5;
	v12 =	vmax.f32 v6, $-5.000000000e+01  }
0x221: {  	v4 =	vtrunc.f32 v4;
	v6 =	vmax.f32 v57, $-5.000000000e+01;
	v3 =	vmin.f32 v12, $5.000000000e+01;
	v12 =	vld [tilespmem:$0x1FFC0]  }
0x222: {  	v4 =	vcvt.f32.s32 v4;
	v10 =	vmin.f32 v6, $5.000000000e+01;
	v3 =	vtrunc.f32 v3  }
0x223: {  	v7 =	vadd.s32 v7, v58;
	v5 =	vtrunc.f32 v10;
	v3 =	vcvt.f32.s32 v3;
	v9 =	vld.idx.msk [tilespmem:v2+s21+$0x0], $0xffff  }
0x224: {  	v1 =	vcvt.f32.s32 v1;
	v57 =	vsub.f32 v18, v30;
	v5 =	vcvt.f32.s32 v5;
	v10 =	vld.idx.msk [tilespmem:v2+s22+$0x0], $0xffff  }
0x225: {  	v6 =	vmin.f32 v11, $5.000000000e+01;
	v4 =	vmul.u32 $0x65, v4;
	v3 =	vmul.u32 $0x65, v3  }
0x226: {  	v60 =	vld [tilespmem:s26+$0x10];
	v13 =	vtrunc.f32 v6;
	v5 =	vmul.u32 $0x65, v5;
	v8 =	vsub.f32 v0, v12  }
0x227: {  	v1 =	vadd.s32 v3, v1;
	v3 =	vadd.s32 v4, v61;
	v4 =	vcvt.f32.s32 v13;
	v61 =	vld [tilespmem:$0x1FFD0]  }
0x228: {  	v13 =	vmax.f32 v57, $-5.000000000e+01;
	v1 =	vadd.s32 $0x13EC, v1;
	v14 =	vmax.f32 v8, $-5.000000000e+01  }
0x229: {  	v57 =	vld [tilespmem:s25+$0x10];
	v3 =	vadd.s32 $0x13EC, v3;
	v9 =	vadd.f32 v9, v56;
	v10 =	vadd.f32 v10, v37  }
0x22a: {  	v6 =	vmin.f32 v14, $5.000000000e+01;
	v4 =	vadd.s32 v5, v4;
	v14 =	vsub.f32 v18, v33  }
0x22b: {  	v18 =	vsub.f32 v60, v28;
	v12 =	vtrunc.f32 v6;
	v6 =	vmin.f32 v13, $5.000000000e+01  }
0x22c: {  	v5 =	vcvt.f32.s32 v12;
	v6 =	vtrunc.f32 v6;
	v0 =	vsub.f32 v0, v61  }
0x22d: {  	v8 =	vmax.f32 v14, $-5.000000000e+01;
	v6 =	vcvt.f32.s32 v6;
	v61 =	vsub.f32 v60, v25;
	v12 =	vld.idx.msk [tilespmem:v1+s21+$0x0], $0xffff  }
0x22e: {  	v24 =	vmovc v26;
	v26 =	vmovc v34;
	v34 =	vsub.f32 v57, v34;
	v5 =	vmul.u32 $0x65, v5;
	v13 =	vld.idx.msk [tilespmem:v1+s22+$0x0], $0xffff;
	v0 =	vmax.f32 v0, $-5.000000000e+01  }
0x22f: {  	v8 =	vmin.f32 v8, $5.000000000e+01;
	v14 =	vld.idx.msk [tilespmem:v3+s21+$0x0], $0xffff;
	v61 =	vmax.f32 v61, $-5.000000000e+01;
	v0 =	vmin.f32 v0, $5.000000000e+01  }
0x230: {  	v5 =	vadd.s32 v5, v6;
	v6 =	vmin.f32 v61, $5.000000000e+01;
	v61 =	vmax.f32 v34, $-5.000000000e+01;
	v34 =	vld [tilespmem:$0x1FFF0]  }
0x231: {  	v16 =	vsub.f32 v57, v62;
	v8 =	vtrunc.f32 v8;
	v15 =	vld.idx.msk [tilespmem:v3+s22+$0x0], $0xffff;
	v0 =	vtrunc.f32 v0  }
0x232: {  	v4 =	vadd.s32 $0x13EC, v4;
	v8 =	vcvt.f32.s32 v8;
	v0 =	vcvt.f32.s32 v0  }
0x233: {  	v16 =	vmax.f32 v16, $-5.000000000e+01;
	v5 =	vadd.s32 $0x13EC, v5;
	v6 =	vtrunc.f32 v6  }
0x234: {  	v58 =	vld [tilespmem:$0x1FFE0];
	v56 =	vadd.f32 v12, v44;
	v37 =	vadd.f32 v13, v39;
	v0 =	vmul.u32 $0x65, v0  }
0x235: {  	v2 =	vld.idx.msk [tilespmem:v2+s23+$0x0], $0xffff;
	v6 =	vcvt.f32.s32 v6;
	v44 =	vadd.f32 v14, v40;
	v11 =	vsub.f32 v60, v34  }
0x236: {  	v1 =	vld.idx.msk [tilespmem:v1+s23+$0x0], $0xffff;
	v39 =	vadd.f32 v15, v43;
	v0 =	vadd.s32 v0, v8;
	v8 =	vmin.f32 v61, $5.000000000e+01  }
0x237: {  	v3 =	vld.idx.msk [tilespmem:v3+s23+$0x0], $0xffff;
	v12 =	vsub.f32 v60, v29;
	v8 =	vtrunc.f32 v8;
	v11 =	vmax.f32 v11, $-5.000000000e+01  }
0x238: {  	v17 =	vld.idx.msk [tilespmem:v4+s21+$0x0], $0xffff;
	v6 =	vmul.u32 $0x65, v6;
	v8 =	vcvt.f32.s32 v8;
	v11 =	vmin.f32 v11, $5.000000000e+01  }
0x239: {  	v19 =	vld.idx.msk [tilespmem:v4+s22+$0x0], $0xffff;
	v61 =	vmin.f32 v16, $5.000000000e+01;
	v0 =	vadd.s32 $0x13EC, v0;
	v11 =	vtrunc.f32 v11  }
0x23a: {  	v4 =	vld.idx.msk [tilespmem:v4+s23+$0x0], $0xffff;
	v16 =	vmax.f32 v18, $-5.000000000e+01;
	v6 =	vadd.s32 v6, v8;
	v8 =	vcvt.f32.s32 v11  }
0x23b: {  	v18 =	vsub.f32 v57, v31;
	v20 =	vld.idx.msk [tilespmem:v5+s21+$0x0], $0xffff;
	v16 =	vmin.f32 v16, $5.000000000e+01;
	v11 =	vtrunc.f32 v61  }
0x23c: {  	v21 =	vld.idx.msk [tilespmem:v5+s22+$0x0], $0xffff;
	v6 =	vadd.s32 $0x13EC, v6;
	v11 =	vcvt.f32.s32 v11;
	v8 =	vmul.u32 $0x65, v8  }
0x23d: {  	v40 =	vadd.f32 v17, v35;
	v5 =	vld.idx.msk [tilespmem:v5+s23+$0x0], $0xffff;
	v16 =	vtrunc.f32 v16;
	v18 =	vmax.f32 v18, $-5.000000000e+01  }
0x23e: {  	v16 =	vcvt.f32.s32 v16;
	v18 =	vmin.f32 v18, $5.000000000e+01;
	v22 =	vld.idx.msk [tilespmem:v0+s21+$0x0], $0xffff;
	v8 =	vadd.s32 v8, v11  }
0x23f: {  	v43 =	vadd.f32 v19, v45;
	v61 =	vtrunc.f32 v18;
	v18 =	vld.idx.msk [tilespmem:v0+s22+$0x0], $0xffff;
	v8 =	vadd.s32 $0x13EC, v8  }
0x240: {  	v4 =	vadd.s32 v4, v41;
	v16 =	vmul.u32 $0x65, v16;
	v0 =	vld.idx.msk [tilespmem:v0+s23+$0x0], $0xffff;
	v11 =	vcvt.f32.s32 v61  }
0x241: {  	v45 =	vadd.f32 v20, v42;
	v61 =	vadd.s32 v2, v38;
	v38 =	vadd.s32 v1, v47;
	v1 =	vld.idx.msk [tilespmem:v6+s21+$0x0], $0xffff  }
0x242: {  	v47 =	vadd.s32 v3, v59;
	v59 =	vsub.f32 v57, v24;
	v13 =	vadd.s32 v16, v11;
	v11 =	vld.idx.msk [tilespmem:v6+s22+$0x0], $0xffff  }
0x243: {  	[tilespmem:$0x1FCC0] =	vst v4;
	v41 =	vadd.s32 v5, v46;
	v3 =	vld.idx.msk [tilespmem:v6+s23+$0x0], $0xffff;
	v6 =	vsub.f32 v60, v58  }
0x244: {  	[tilespmem:$0x1FCD0] =	vst v45;
	v45 =	vadd.f32 v21, v36;
	v35 =	vmax.f32 v59, $-5.000000000e+01;
	v2 =	vadd.s32 $0x13EC, v13;
	v4 =	vld.idx.msk [tilespmem:v8+s21+$0x0], $0xffff  }
0x245: {  	v59 =	vsub.f32 v60, v27;
	v42 =	vadd.f32 v22, v48;
	v6 =	vmax.f32 v6, $-5.000000000e+01;
	v5 =	vld.idx.msk [tilespmem:v8+s22+$0x0], $0xffff  }
0x246: {  	v36 =	vadd.f32 v18, v50;
	v46 =	vadd.s32 v0, v51;
	v13 =	vmin.f32 v6, $5.000000000e+01;
	v8 =	vld.idx.msk [tilespmem:v8+s23+$0x0], $0xffff  }
0x247: {  	v50 =	vmin.f32 v35, $5.000000000e+01;
	v18 =	vld [tilespmem:$0x1FFE0];
	v48 =	vadd.f32 v1, v55;
	v1 =	vtrunc.f32 v13  }
0x248: {  	v51 =	vadd.f32 v11, v52;
	v11 =	vmax.f32 v59, $-5.000000000e+01;
	v59 =	vld [tilespmem:s26+$0x20];
	v1 =	vcvt.f32.s32 v1  }
0x249: {  	v35 =	vsub.f32 v57, v30;
	v52 =	vadd.s32 v3, v54;
	v3 =	vtrunc.f32 v50;
	v0 =	vld.idx.msk [tilespmem:v2+s21+$0x0], $0xffff  }
0x24a: {  	v13 =	vsub.f32 v57, v32;
	v14 =	vld.idx.msk [tilespmem:v2+s22+$0x0], $0xffff;
	v3 =	vcvt.f32.s32 v3;
	v1 =	vmul.u32 $0x65, v1  }
0x24b: {  	v58 =	vadd.f32 v4, v49;
	v53 =	vadd.f32 v5, v53;
	v55 =	vadd.s32 v8, v7  }
0x24c: {  	v4 =	vmax.f32 v12, $-5.000000000e+01;
	v5 =	vmax.f32 v13, $-5.000000000e+01;
	v13 =	vsub.f32 v57, v33  }
0x24d: {  	v2 =	vld.idx.msk [tilespmem:v2+s23+$0x0], $0xffff;
	v1 =	vadd.s32 v1, v3;
	v3 =	vmin.f32 v11, $5.000000000e+01;
	v4 =	vmin.f32 v4, $5.000000000e+01  }
0x24e: {  	v5 =	vmin.f32 v5, $5.000000000e+01;
	v18 =	vsub.f32 v59, v18;
	v49 =	vadd.f32 v0, v9  }
0x24f: {  	v9 =	vsub.f32 v57, v63;
	v54 =	vadd.f32 v14, v10;
	v3 =	vtrunc.f32 v3;
	v14 =	vld [tilespmem:$0x1FFC0]  }
0x250: {  	v1 =	vadd.s32 $0x13EC, v1;
	v4 =	vtrunc.f32 v4;
	v5 =	vtrunc.f32 v5;
	v10 =	vld [tilespmem:$0x1FFD0]  }
0x251: {  	v57 =	vmax.f32 v13, $-5.000000000e+01;
	v3 =	vcvt.f32.s32 v3;
	v0 =	vmax.f32 v9, $-5.000000000e+01  }
0x252: {  	v2 =	vadd.s32 v2, v61;
	v4 =	vcvt.f32.s32 v4;
	v0 =	vmin.f32 v0, $5.000000000e+01  }
0x253: {  	v50 =	vcvt.f32.s32 v5;
	v3 =	vmul.u32 $0x65, v3;
	v0 =	vtrunc.f32 v0  }
0x254: {  	v4 =	vmul.u32 $0x65, v4;
	v0 =	vcvt.f32.s32 v0;
	v6 =	vsub.f32 v60, v14  }
0x255: {  	v9 =	vmax.f32 v35, $-5.000000000e+01;
	v7 =	vsub.f32 v60, v10;
	v14 =	vsub.f32 v59, v25  }
0x256: {  	v60 =	vld [tilespmem:s25+$0x20];
	v6 =	vmax.f32 v6, $-5.000000000e+01;
	v0 =	vadd.s32 v3, v0;
	v3 =	vadd.s32 v4, v50  }
0x257: {  	v12 =	vmax.f32 v7, $-5.000000000e+01;
	v8 =	vmin.f32 v6, $5.000000000e+01;
	v6 =	vmin.f32 v9, $5.000000000e+01  }
0x258: {  	v0 =	vadd.s32 $0x13EC, v0;
	v3 =	vadd.s32 $0x13EC, v3;
	v5 =	vtrunc.f32 v8  }
0x259: {  	v11 =	vtrunc.f32 v6;
	v6 =	vmin.f32 v12, $5.000000000e+01;
	v5 =	vcvt.f32.s32 v5  }
0x25a: {  	v12 =	vmax.f32 v14, $-5.000000000e+01;
	v4 =	vcvt.f32.s32 v11;
	v50 =	vtrunc.f32 v6  }
0x25b: {  	v14 =	vld [tilespmem:$0x1FFF0];
	v13 =	vsub.f32 v60, v26;
	v6 =	vmin.f32 v57, $5.000000000e+01;
	v7 =	vmin.f32 v12, $5.000000000e+01  }
0x25c: {  	v61 =	vld [tilespmem:$0x1FCC0];
	v57 =	vsub.f32 v60, v62;
	v16 =	vsub.f32 v60, v31;
	v6 =	vtrunc.f32 v6  }
0x25d: {  	v10 =	vld.idx.msk [tilespmem:v1+s22+$0x0], $0xffff;
	v7 =	vtrunc.f32 v7;
	v5 =	vmul.u32 $0x65, v5;
	v8 =	vmax.f32 v13, $-5.000000000e+01  }
0x25e: {  	v9 =	vld.idx.msk [tilespmem:v1+s21+$0x0], $0xffff;
	v6 =	vcvt.f32.s32 v6;
	v7 =	vcvt.f32.s32 v7;
	v8 =	vmin.f32 v8, $5.000000000e+01  }
0x25f: {  	v1 =	vld.idx.msk [tilespmem:v1+s23+$0x0], $0xffff;
	v4 =	vadd.s32 v5, v4;
	v5 =	vcvt.f32.s32 v50;
	v8 =	vtrunc.f32 v8  }
0x260: {  	v23 =	vmovc v33;
	v12 =	vld.idx.msk [tilespmem:v0+s21+$0x0], $0xffff;
	v11 =	vsub.f32 v59, v14;
	v7 =	vmul.u32 $0x65, v7;
	v8 =	vcvt.f32.s32 v8  }
0x261: {  	v33 =	vmovc v25;
	v25 =	vmovc v62;
	v62 =	vmax.f32 v57, $-5.000000000e+01;
	v16 =	vmax.f32 v16, $-5.000000000e+01;
	v13 =	vld.idx.msk [tilespmem:v0+s22+$0x0], $0xffff;
	v4 =	vadd.s32 $0x13EC, v4  }
0x262: {  	v0 =	vld.idx.msk [tilespmem:v0+s23+$0x0], $0xffff;
	v5 =	vmul.u32 $0x65, v5;
	v50 =	vmax.f32 v11, $-5.000000000e+01;
	v7 =	vadd.s32 v7, v8  }
0x263: {  	v15 =	vld.idx.msk [tilespmem:v3+s22+$0x0], $0xffff;
	v8 =	vmin.f32 v62, $5.000000000e+01;
	v62 =	vmin.f32 v16, $5.000000000e+01;
	v16 =	vmax.f32 v18, $-5.000000000e+01  }
0x264: {  	v34 =	vmovc v28;
	v28 =	vmovc v24;
	v14 =	vld.idx.msk [tilespmem:v3+s21+$0x0], $0xffff;
	v5 =	vadd.s32 v5, v6;
	v6 =	vmin.f32 v50, $5.000000000e+01;
	v7 =	vadd.s32 $0x13EC, v7  }
0x265: {  	v3 =	vld.idx.msk [tilespmem:v3+s23+$0x0], $0xffff;
	v18 =	vsub.f32 v60, v28;
	v50 =	vsub.f32 v59, v34;
	v6 =	vtrunc.f32 v6  }
0x266: {  	v8 =	vtrunc.f32 v8;
	v16 =	vmin.f32 v16, $5.000000000e+01;
	v6 =	vcvt.f32.s32 v6;
	v17 =	vld.idx.msk [tilespmem:v4+s21+$0x0], $0xffff  }
0x267: {  	v5 =	vadd.s32 $0x13EC, v5;
	v8 =	vcvt.f32.s32 v8;
	v11 =	vmax.f32 v50, $-5.000000000e+01;
	v19 =	vld.idx.msk [tilespmem:v4+s22+$0x0], $0xffff  }
0x268: {  	v18 =	vmax.f32 v18, $-5.000000000e+01;
	v4 =	vld.idx.msk [tilespmem:v4+s23+$0x0], $0xffff;
	v11 =	vmin.f32 v11, $5.000000000e+01;
	v6 =	vmul.u32 $0x65, v6  }
0x269: {  	v16 =	vtrunc.f32 v16;
	v18 =	vmin.f32 v18, $5.000000000e+01;
	v11 =	vtrunc.f32 v11;
	v22 =	vld.idx.msk [tilespmem:v7+s21+$0x0], $0xffff  }
0x26a: {  	v24 =	vmovc v34;
	v34 =	vtrunc.f32 v18;
	v57 =	vcvt.f32.s32 v11;
	v18 =	vld.idx.msk [tilespmem:v7+s22+$0x0], $0xffff;
	v6 =	vadd.s32 v6, v8  }
0x26b: {  	v11 =	vtrunc.f32 v62;
	v62 =	vadd.s32 v1, v38;
	v1 =	vld.idx.msk [tilespmem:v7+s23+$0x0], $0xffff;
	v6 =	vadd.s32 $0x13EC, v6  }
0x26c: {  	v10 =	vadd.f32 v10, v37;
	v9 =	vadd.f32 v9, v56;
	v16 =	vcvt.f32.s32 v16;
	v20 =	vld.idx.msk [tilespmem:v5+s21+$0x0], $0xffff  }
0x26d: {  	v56 =	vadd.f32 v12, v44;
	v11 =	vcvt.f32.s32 v11;
	v21 =	vld.idx.msk [tilespmem:v5+s22+$0x0], $0xffff;
	v8 =	vmul.u32 $0x65, v57  }
0x26e: {  	v50 =	vadd.f32 v13, v39;
	v16 =	vmul.u32 $0x65, v16;
	v38 =	vadd.s32 v0, v47;
	v5 =	vld.idx.msk [tilespmem:v5+s23+$0x0], $0xffff  }
0x26f: {  	v47 =	vadd.f32 v14, v40;
	v14 =	vld [tilespmem:$0x1FCD0];
	v8 =	vadd.s32 v8, v11;
	v11 =	vcvt.f32.s32 v34  }
0x270: {  	v43 =	vadd.f32 v15, v43;
	v34 =	vsub.f32 v59, v27;
	v8 =	vadd.s32 $0x13EC, v8;
	v0 =	vld.idx.msk [tilespmem:v6+s21+$0x0], $0xffff  }
0x271: {  	[tilespmem:$0x1FCE0] =	vst v50;
	v50 =	vadd.s32 v3, v61;
	v57 =	vadd.s32 v16, v11;
	v11 =	vld.idx.msk [tilespmem:v6+s22+$0x0], $0xffff  }
0x272: {  	v44 =	vadd.f32 v19, v45;
	v4 =	vadd.s32 v4, v41;
	v3 =	vld.idx.msk [tilespmem:v6+s23+$0x0], $0xffff;
	v6 =	vmax.f32 v34, $-5.000000000e+01  }
0x273: {  	v45 =	vadd.s32 v5, v46;
	v7 =	vadd.s32 $0x13EC, v57;
	v61 =	vmin.f32 v6, $5.000000000e+01  }
0x274: {  	v46 =	vadd.f32 v22, v48;
	v48 =	vadd.s32 v1, v52;
	v1 =	vtrunc.f32 v61;
	v61 =	vld [tilespmem:$0x1FFC0]  }
0x275: {  	v41 =	vsub.f32 v59, v29;
	[tilespmem:$0x1FCF0] =	vst v4;
	v57 =	vsub.f32 v60, v63;
	v4 =	vld.idx.msk [tilespmem:v8+s21+$0x0], $0xffff  }
0x276: {  	v37 =	vadd.f32 v17, v14;
	v40 =	vadd.f32 v18, v51;
	v5 =	vld.idx.msk [tilespmem:v8+s22+$0x0], $0xffff  }
0x277: {  	v42 =	vadd.f32 v20, v42;
	v39 =	vadd.f32 v21, v36;
	v13 =	vmax.f32 v57, $-5.000000000e+01;
	v8 =	vld.idx.msk [tilespmem:v8+s23+$0x0], $0xffff  }
0x278: {  	v35 =	vmovc v26;
	v26 =	vmovc v28;
	v1 =	vcvt.f32.s32 v1;
	v14 =	vmin.f32 v13, $5.000000000e+01;
	v51 =	vadd.f32 v0, v58;
	v0 =	vld.idx.msk [tilespmem:v7+s21+$0x0], $0xffff  }
0x279: {  	v28 =	vmovc v63;
	v36 =	vadd.f32 v11, v53;
	v63 =	vld.idx.msk [tilespmem:v7+s22+$0x0], $0xffff;
	v53 =	vadd.s32 v3, v55;
	v3 =	vtrunc.f32 v14  }
0x27a: {  	v52 =	vsub.f32 v60, v32;
	v1 =	vmul.u32 $0x65, v1;
	v3 =	vcvt.f32.s32 v3  }
0x27b: {  	v34 =	vadd.f32 v4, v49;
	v55 =	vadd.f32 v5, v54  }
0x27c: {  	v58 =	vadd.s32 v8, v2;
	v1 =	vadd.s32 v1, v3;
	v54 =	vmax.f32 v41, $-5.000000000e+01  }
0x27d: {  	v3 =	vsub.f32 v59, v61;
	v8 =	vld [tilespmem:$0x1FFD0];
	v2 =	vmin.f32 v54, $5.000000000e+01;
	v1 =	vadd.s32 $0x13EC, v1  }
0x27e: {  	v49 =	vadd.f32 v0, v9;
	v57 =	vadd.f32 v63, v10;
	v0 =	vmax.f32 v52, $-5.000000000e+01  }
0x27f: {  	v2 =	vtrunc.f32 v2;
	v3 =	vmax.f32 v3, $-5.000000000e+01;
	v63 =	vsub.f32 v60, v30  }
0x280: {  	v0 =	vmin.f32 v0, $5.000000000e+01;
	v2 =	vcvt.f32.s32 v2;
	v3 =	vmin.f32 v3, $5.000000000e+01  }
0x281: {  	v9 =	vsub.f32 v60, v23;
	v0 =	vtrunc.f32 v0;
	v3 =	vtrunc.f32 v3  }
0x282: {  	v4 =	vmax.f32 v63, $-5.000000000e+01;
	v63 =	vld [tilespmem:s25+$0x30];
	v0 =	vcvt.f32.s32 v0;
	v5 =	vsub.f32 v59, v8  }
0x283: {  	v59 =	vld [tilespmem:s26+$0x30];
	v2 =	vmul.u32 $0x65, v2;
	v3 =	vcvt.f32.s32 v3;
	v4 =	vmin.f32 v4, $5.000000000e+01  }
0x284: {  	v60 =	vld [tilespmem:$0x1FFF0];
	v12 =	vmax.f32 v9, $-5.000000000e+01;
	v4 =	vtrunc.f32 v4;
	v5 =	vmax.f32 v5, $-5.000000000e+01  }
0x285: {  	v0 =	vadd.s32 v2, v0;
	v10 =	vcvt.f32.s32 v4;
	v3 =	vmul.u32 $0x65, v3  }
0x286: {  	v11 =	vmin.f32 v5, $5.000000000e+01;
	v5 =	vmin.f32 v12, $5.000000000e+01;
	v0 =	vadd.s32 $0x13EC, v0  }
0x287: {  	v4 =	vtrunc.f32 v11;
	v2 =	vadd.s32 v3, v10;
	v14 =	vtrunc.f32 v5  }
0x288: {  	v54 =	vsub.f32 v63, v35;
	v4 =	vcvt.f32.s32 v4;
	v13 =	vsub.f32 v59, v33  }
0x289: {  	v3 =	vcvt.f32.s32 v14;
	v8 =	vsub.f32 v59, v60;
	v2 =	vadd.s32 $0x13EC, v2  }
0x28a: {  	v7 =	vld.idx.msk [tilespmem:v7+s23+$0x0], $0xffff;
	v14 =	vsub.f32 v63, v25;
	v60 =	vsub.f32 v63, v31;
	v12 =	vmax.f32 v54, $-5.000000000e+01  }
0x28b: {  	v9 =	vld.idx.msk [tilespmem:v1+s21+$0x0], $0xffff;
	v4 =	vmul.u32 $0x65, v4;
	v41 =	vmax.f32 v13, $-5.000000000e+01;
	v13 =	vmax.f32 v8, $-5.000000000e+01  }
0x28c: {  	v10 =	vld.idx.msk [tilespmem:v1+s22+$0x0], $0xffff;
	v8 =	vmax.f32 v14, $-5.000000000e+01;
	v5 =	vmin.f32 v41, $5.000000000e+01;
	v6 =	vmin.f32 v13, $5.000000000e+01  }
0x28d: {  	v1 =	vld.idx.msk [tilespmem:v1+s23+$0x0], $0xffff;
	v8 =	vmin.f32 v8, $5.000000000e+01;
	v41 =	vsub.f32 v59, v24;
	v3 =	vadd.s32 v4, v3  }
0x28e: {  	v52 =	vmovc v23;
	v23 =	vmovc v31;
	v31 =	vld [tilespmem:$0x1FCE0];
	v61 =	vtrunc.f32 v5;
	v5 =	vmin.f32 v12, $5.000000000e+01;
	v6 =	vtrunc.f32 v6  }
0x28f: {  	v8 =	vtrunc.f32 v8;
	v4 =	vcvt.f32.s32 v61;
	v54 =	vmax.f32 v41, $-5.000000000e+01;
	v41 =	vld [tilespmem:$0x1FFE0]  }
0x290: {  	v16 =	vsub.f32 v63, v26;
	v13 =	vld.idx.msk [tilespmem:v0+s22+$0x0], $0xffff;
	v5 =	vtrunc.f32 v5;
	v6 =	vcvt.f32.s32 v6  }
0x291: {  	v12 =	vld.idx.msk [tilespmem:v0+s21+$0x0], $0xffff;
	v3 =	vadd.s32 $0x13EC, v3;
	v5 =	vcvt.f32.s32 v5;
	v4 =	vmul.u32 $0x65, v4  }
0x292: {  	v18 =	vsub.f32 v59, v27;
	v16 =	vmax.f32 v16, $-5.000000000e+01;
	v0 =	vld.idx.msk [tilespmem:v0+s23+$0x0], $0xffff;
	v8 =	vcvt.f32.s32 v8  }
0x293: {  	v61 =	vmax.f32 v60, $-5.000000000e+01;
	v15 =	vld.idx.msk [tilespmem:v2+s22+$0x0], $0xffff;
	v6 =	vmul.u32 $0x65, v6;
	v4 =	vadd.s32 v4, v5  }
0x294: {  	v5 =	vmin.f32 v54, $5.000000000e+01;
	v54 =	vld.idx.msk [tilespmem:v2+s21+$0x0], $0xffff;
	v4 =	vadd.s32 $0x13EC, v4;
	v11 =	vsub.f32 v59, v41  }
0x295: {  	v6 =	vadd.s32 v6, v8;
	v8 =	vmin.f32 v61, $5.000000000e+01;
	v2 =	vld.idx.msk [tilespmem:v2+s23+$0x0], $0xffff;
	v5 =	vtrunc.f32 v5  }
0x296: {  	v61 =	vmin.f32 v16, $5.000000000e+01;
	v17 =	vld.idx.msk [tilespmem:v3+s21+$0x0], $0xffff;
	v5 =	vcvt.f32.s32 v5;
	v11 =	vmax.f32 v11, $-5.000000000e+01  }
0x297: {  	v6 =	vadd.s32 $0x13EC, v6;
	v8 =	vtrunc.f32 v8;
	v19 =	vld.idx.msk [tilespmem:v3+s22+$0x0], $0xffff;
	v11 =	vmin.f32 v11, $5.000000000e+01  }
0x298: {  	v3 =	vld.idx.msk [tilespmem:v3+s23+$0x0], $0xffff;
	v8 =	vcvt.f32.s32 v8;
	v5 =	vmul.u32 $0x65, v5;
	v11 =	vtrunc.f32 v11  }
0x299: {  	v16 =	vmax.f32 v18, $-5.000000000e+01;
	v18 =	vsub.f32 v63, v28;
	v60 =	vcvt.f32.s32 v11;
	v20 =	vld.idx.msk [tilespmem:v4+s21+$0x0], $0xffff  }
0x29a: {  	v16 =	vmin.f32 v16, $5.000000000e+01;
	v5 =	vadd.s32 v5, v8;
	v11 =	vtrunc.f32 v61;
	v21 =	vld.idx.msk [tilespmem:v4+s22+$0x0], $0xffff  }
0x29b: {  	v4 =	vld.idx.msk [tilespmem:v4+s23+$0x0], $0xffff;
	v5 =	vadd.s32 $0x13EC, v5;
	v11 =	vcvt.f32.s32 v11;
	v8 =	vmul.u32 $0x65, v60  }
0x29c: {  	v16 =	vtrunc.f32 v16;
	v18 =	vmax.f32 v18, $-5.000000000e+01;
	v22 =	vld.idx.msk [tilespmem:v6+s21+$0x0], $0xffff  }
0x29d: {  	v16 =	vcvt.f32.s32 v16;
	v18 =	vmin.f32 v18, $5.000000000e+01;
	v61 =	vld [tilespmem:$0x1FCF0];
	v8 =	vadd.s32 v8, v11  }
0x29e: {  	v7 =	vadd.s32 v7, v62;
	v41 =	vtrunc.f32 v18;
	v18 =	vld.idx.msk [tilespmem:v6+s22+$0x0], $0xffff;
	v8 =	vadd.s32 $0x13EC, v8  }
0x29f: {  	v62 =	vadd.s32 v1, v38;
	v16 =	vmul.u32 $0x65, v16;
	v1 =	vld.idx.msk [tilespmem:v6+s23+$0x0], $0xffff;
	v11 =	vcvt.f32.s32 v41  }
0x2a0: {  	v9 =	vadd.f32 v9, v56;
	v50 =	vadd.s32 v0, v50;
	v0 =	vld.idx.msk [tilespmem:v5+s21+$0x0], $0xffff  }
0x2a1: {  	v14 =	vsub.f32 v59, v29;
	v60 =	vadd.f32 v12, v47;
	v47 =	vadd.s32 v16, v11;
	v11 =	vld.idx.msk [tilespmem:v5+s22+$0x0], $0xffff  }
0x2a2: {  	v54 =	vadd.f32 v54, v37;
	v37 =	vadd.s32 v2, v61;
	v2 =	vld.idx.msk [tilespmem:v5+s23+$0x0], $0xffff;
	v6 =	vadd.s32 $0x13EC, v47  }
0x2a3: {  	v10 =	vadd.f32 v10, v31;
	v38 =	vadd.f32 v19, v39;
	v39 =	vadd.s32 v3, v45;
	v3 =	vld.idx.msk [tilespmem:v8+s21+$0x0], $0xffff  }
0x2a4: {  	v56 =	vadd.f32 v15, v44;
	v44 =	vadd.s32 v4, v48;
	v61 =	vsub.f32 v63, v32;
	v4 =	vld.idx.msk [tilespmem:v8+s22+$0x0], $0xffff  }
0x2a5: {  	v42 =	vadd.f32 v17, v42;
	v41 =	vadd.f32 v13, v43;
	v5 =	vmax.f32 v14, $-5.000000000e+01;
	v8 =	vld.idx.msk [tilespmem:v8+s23+$0x0], $0xffff  }
0x2a6: {  	v14 =	vmin.f32 v5, $5.000000000e+01;
	v47 =	vadd.f32 v11, v55;
	v55 =	vmax.f32 v61, $-5.000000000e+01;
	v61 =	vld [tilespmem:$0x1FFC0]  }
0x2a7: {  	v43 =	vadd.f32 v20, v46;
	v46 =	vadd.s32 v1, v53;
	v1 =	vtrunc.f32 v14;
	v13 =	vld.idx.msk [tilespmem:v6+s21+$0x0], $0xffff  }
0x2a8: {  	v40 =	vadd.f32 v21, v40;
	v1 =	vcvt.f32.s32 v1;
	v45 =	vadd.f32 v0, v34;
	v34 =	vld.idx.msk [tilespmem:v6+s22+$0x0], $0xffff  }
0x2a9: {  	v51 =	vadd.f32 v22, v51;
	v48 =	vadd.s32 v2, v58;
	v58 =	vmin.f32 v55, $5.000000000e+01  }
0x2aa: {  	v12 =	vld [tilespmem:$0x1FFD0];
	v36 =	vadd.f32 v18, v36;
	v1 =	vmul.u32 $0x65, v1;
	v2 =	vtrunc.f32 v58  }
0x2ab: {  	[tilespmem:$0x1FD00] =	vst v51;
	v2 =	vcvt.f32.s32 v2;
	v51 =	vadd.f32 v3, v49;
	v49 =	vadd.f32 v4, v57  }
0x2ac: {  	v55 =	vadd.s32 v8, v7;
	v57 =	vld [tilespmem:s26+$0x40];
	v3 =	vsub.f32 v59, v61;
	v58 =	vadd.f32 v13, v9  }
0x2ad: {  	v1 =	vadd.s32 v1, v2;
	v9 =	vsub.f32 v63, v30;
	v53 =	vadd.f32 v34, v10  }
0x2ae: {  	v1 =	vadd.s32 $0x13EC, v1;
	v13 =	vsub.f32 v63, v52;
	v11 =	vmax.f32 v3, $-5.000000000e+01  }
0x2af: {  	v3 =	vsub.f32 v59, v12;
	v2 =	vmin.f32 v11, $5.000000000e+01;
	v0 =	vmax.f32 v9, $-5.000000000e+01  }
0x2b0: {  	v59 =	vld [tilespmem:s25+$0x40];
	v4 =	vmax.f32 v13, $-5.000000000e+01;
	v2 =	vtrunc.f32 v2;
	v0 =	vmin.f32 v0, $5.000000000e+01  }
0x2b1: {  	v3 =	vmax.f32 v3, $-5.000000000e+01;
	v14 =	vsub.f32 v57, v33;
	v4 =	vmin.f32 v4, $5.000000000e+01  }
0x2b2: {  	v9 =	vld [tilespmem:$0x1FFF0];
	v13 =	vsub.f32 v57, v24;
	v0 =	vtrunc.f32 v0;
	v2 =	vcvt.f32.s32 v2  }
0x2b3: {  	v3 =	vmin.f32 v3, $5.000000000e+01;
	v4 =	vtrunc.f32 v4;
	v0 =	vcvt.f32.s32 v0  }
0x2b4: {  	v3 =	vtrunc.f32 v3;
	v5 =	vmax.f32 v14, $-5.000000000e+01;
	v2 =	vmul.u32 $0x65, v2  }
0x2b5: {  	v3 =	vcvt.f32.s32 v3;
	v34 =	vsub.f32 v59, v35;
	v63 =	vmin.f32 v5, $5.000000000e+01  }
0x2b6: {  	v61 =	vmovc v35;
	v35 =	vcvt.f32.s32 v4;
	v12 =	vsub.f32 v59, v25;
	v4 =	vtrunc.f32 v63  }
0x2b7: {  	v7 =	vsub.f32 v57, v9;
	v3 =	vmul.u32 $0x65, v3;
	v8 =	vmax.f32 v34, $-5.000000000e+01  }
0x2b8: {  	v6 =	vld.idx.msk [tilespmem:v6+s23+$0x0], $0xffff;
	v0 =	vadd.s32 v2, v0;
	v4 =	vcvt.f32.s32 v4;
	v5 =	vmin.f32 v8, $5.000000000e+01  }
0x2b9: {  	v11 =	vmax.f32 v7, $-5.000000000e+01;
	v2 =	vadd.s32 v3, v35;
	v10 =	vtrunc.f32 v5  }
0x2ba: {  	v4 =	vmul.u32 $0x65, v4;
	v5 =	vmin.f32 v11, $5.000000000e+01;
	v3 =	vcvt.f32.s32 v10  }
0x2bb: {  	v63 =	vmax.f32 v12, $-5.000000000e+01;
	v12 =	vmax.f32 v13, $-5.000000000e+01;
	v14 =	vtrunc.f32 v5  }
0x2bc: {  	v13 =	vsub.f32 v59, v23;
	v3 =	vadd.s32 v4, v3;
	v4 =	vcvt.f32.s32 v14;
	v14 =	vld [tilespmem:$0x1FFE0]  }
0x2bd: {  	v6 =	vadd.s32 v6, v62;
	v18 =	vsub.f32 v57, v29;
	v7 =	vmin.f32 v12, $5.000000000e+01  }
0x2be: {  	v0 =	vadd.s32 $0x13EC, v0;
	v7 =	vtrunc.f32 v7;
	v8 =	vmax.f32 v13, $-5.000000000e+01  }
0x2bf: {  	v9 =	vld.idx.msk [tilespmem:v1+s21+$0x0], $0xffff;
	v5 =	vmin.f32 v63, $5.000000000e+01;
	v7 =	vcvt.f32.s32 v7;
	v8 =	vmin.f32 v8, $5.000000000e+01  }
0x2c0: {  	v34 =	vmovc v23;
	v23 =	vld [tilespmem:$0x1FFC0];
	v2 =	vadd.s32 $0x13EC, v2;
	v5 =	vtrunc.f32 v5;
	v8 =	vtrunc.f32 v8  }
0x2c1: {  	v10 =	vld.idx.msk [tilespmem:v1+s22+$0x0], $0xffff;
	v5 =	vcvt.f32.s32 v5;
	v4 =	vmul.u32 $0x65, v4;
	v11 =	vsub.f32 v57, v14  }
0x2c2: {  	v16 =	vsub.f32 v59, v28;
	v1 =	vld.idx.msk [tilespmem:v1+s23+$0x0], $0xffff;
	v8 =	vcvt.f32.s32 v8;
	v7 =	vmul.u32 $0x65, v7  }
0x2c3: {  	v12 =	vld.idx.msk [tilespmem:v0+s21+$0x0], $0xffff;
	v4 =	vadd.s32 v4, v5;
	v5 =	vmax.f32 v11, $-5.000000000e+01;
	v11 =	vsub.f32 v59, v26  }
0x2c4: {  	v31 =	vmovc v24;
	v24 =	vsub.f32 v59, v30;
	v3 =	vadd.s32 $0x13EC, v3;
	v13 =	vld.idx.msk [tilespmem:v0+s22+$0x0], $0xffff;
	v5 =	vmin.f32 v5, $5.000000000e+01  }
0x2c5: {  	v0 =	vld.idx.msk [tilespmem:v0+s23+$0x0], $0xffff;
	v7 =	vadd.s32 v7, v8;
	v5 =	vtrunc.f32 v5;
	v8 =	vmax.f32 v11, $-5.000000000e+01  }
0x2c6: {  	v15 =	vld.idx.msk [tilespmem:v2+s22+$0x0], $0xffff;
	v11 =	vsub.f32 v57, v27;
	v5 =	vcvt.f32.s32 v5;
	v8 =	vmin.f32 v8, $5.000000000e+01  }
0x2c7: {  	v7 =	vadd.s32 $0x13EC, v7;
	v4 =	vadd.s32 $0x13EC, v4;
	v14 =	vld.idx.msk [tilespmem:v2+s21+$0x0], $0xffff;
	v8 =	vtrunc.f32 v8  }
0x2c8: {  	v2 =	vld.idx.msk [tilespmem:v2+s23+$0x0], $0xffff;
	v11 =	vmax.f32 v11, $-5.000000000e+01;
	v8 =	vcvt.f32.s32 v8;
	v5 =	vmul.u32 $0x65, v5  }
0x2c9: {  	v16 =	vmax.f32 v16, $-5.000000000e+01;
	v9 =	vadd.f32 v9, v60;
	v17 =	vld.idx.msk [tilespmem:v3+s21+$0x0], $0xffff;
	v11 =	vmin.f32 v11, $5.000000000e+01  }
0x2ca: {  	v23 =	vsub.f32 v57, v23;
	v19 =	vld.idx.msk [tilespmem:v3+s22+$0x0], $0xffff;
	v11 =	vtrunc.f32 v11;
	v5 =	vadd.s32 v5, v8  }
0x2cb: {  	v3 =	vld.idx.msk [tilespmem:v3+s23+$0x0], $0xffff;
	v8 =	vcvt.f32.s32 v11;
	v11 =	vmin.f32 v16, $5.000000000e+01;
	v16 =	vmax.f32 v18, $-5.000000000e+01  }
0x2cc: {  	v22 =	vld.idx.msk [tilespmem:v7+s21+$0x0], $0xffff;
	v18 =	vsub.f32 v59, v32;
	v11 =	vtrunc.f32 v11;
	v5 =	vadd.s32 $0x13EC, v5  }
0x2cd: {  	v20 =	vld.idx.msk [tilespmem:v4+s21+$0x0], $0xffff;
	v16 =	vmin.f32 v16, $5.000000000e+01;
	v11 =	vcvt.f32.s32 v11;
	v8 =	vmul.u32 $0x65, v8  }
0x2ce: {  	v10 =	vadd.f32 v10, v41;
	v21 =	vld.idx.msk [tilespmem:v4+s22+$0x0], $0xffff;
	v16 =	vtrunc.f32 v16;
	v18 =	vmax.f32 v18, $-5.000000000e+01  }
0x2cf: {  	v4 =	vld.idx.msk [tilespmem:v4+s23+$0x0], $0xffff;
	v16 =	vcvt.f32.s32 v16;
	v18 =	vmin.f32 v18, $5.000000000e+01;
	v8 =	vadd.s32 v8, v11  }
0x2d0: {  	v35 =	vmovc v25;
	v25 =	vmovc v32;
	v23 =	vmax.f32 v23, $-5.000000000e+01;
	v32 =	vtrunc.f32 v18;
	v18 =	vld.idx.msk [tilespmem:v7+s22+$0x0], $0xffff;
	v8 =	vadd.s32 $0x13EC, v8  }
0x2d1: {  	v12 =	vadd.f32 v12, v54;
	v11 =	vcvt.f32.s32 v32;
	v16 =	vmul.u32 $0x65, v16;
	v54 =	vld.idx.msk [tilespmem:v5+s21+$0x0], $0xffff  }
0x2d2: {  	v60 =	vmin.f32 v23, $5.000000000e+01;
	v41 =	vadd.s32 v0, v37;
	v62 =	vadd.f32 v15, v38;
	v0 =	vld.idx.msk [tilespmem:v5+s23+$0x0], $0xffff  }
0x2d3: {  	v15 =	vmax.f32 v24, $-5.000000000e+01;
	v11 =	vadd.s32 v16, v11;
	v16 =	vld.idx.msk [tilespmem:v5+s22+$0x0], $0xffff;
	v5 =	vtrunc.f32 v60  }
0x2d4: {  	v13 =	vadd.f32 v13, v56;
	v15 =	vmin.f32 v15, $5.000000000e+01;
	v7 =	vld.idx.msk [tilespmem:v7+s23+$0x0], $0xffff;
	v5 =	vcvt.f32.s32 v5  }
0x2d5: {  	v56 =	vadd.f32 v14, v42;
	v15 =	vtrunc.f32 v15;
	v11 =	vadd.s32 $0x13EC, v11;
	v14 =	vld.idx.msk [tilespmem:v8+s21+$0x0], $0xffff  }
0x2d6: {  	v15 =	vcvt.f32.s32 v15;
	v32 =	vld.idx.msk [tilespmem:v8+s22+$0x0], $0xffff;
	v5 =	vmul.u32 $0x65, v5  }
0x2d7: {  	v8 =	vld.idx.msk [tilespmem:v8+s23+$0x0], $0xffff  }
0x2d8: {  	v5 =	vadd.s32 v5, v15;
	v15 =	vld [tilespmem:s26+$0x50]  }
0x2d9: {  	v51 =	vadd.f32 v54, v51;
	v54 =	vadd.f32 v16, v49;
	v49 =	vld [tilespmem:$0x1FFD0]  }
0x2da: {  	v1 =	vadd.s32 v1, v50;
	v60 =	vld.idx.msk [tilespmem:v11+s21+$0x0], $0xffff  }
0x2db: {  	[tilespmem:$0x1FD30] =	vst v62;
	v37 =	vadd.s32 v2, v39;
	v42 =	vadd.f32 v17, v43;
	v62 =	vld.idx.msk [tilespmem:v11+s22+$0x0], $0xffff  }
0x2dc: {  	v39 =	vadd.f32 v19, v40;
	v38 =	vadd.s32 v3, v44;
	v43 =	vadd.f32 v21, v36;
	v36 =	vld.idx.msk [tilespmem:v11+s23+$0x0], $0xffff  }
0x2dd: {  	v40 =	vadd.s32 v4, v46;
	v44 =	vadd.f32 v18, v47;
	v47 =	vadd.s32 v0, v55;
	v11 =	vld [tilespmem:s25+$0x50]  }
0x2de: {  	v5 =	vadd.s32 $0x13EC, v5;
	v58 =	vadd.f32 v14, v58;
	v55 =	vadd.f32 v32, v53  }
0x2df: {  	v46 =	vadd.s32 v7, v48;
	v32 =	vmovc v52;
	v52 =	vsub.f32 v59, v52;
	v0 =	vsub.f32 v57, v49  }
0x2e0: {  	v48 =	vadd.s32 v8, v6;
	v53 =	vsub.f32 v15, v33;
	v14 =	vsub.f32 v15, v31  }
0x2e1: {  	[tilespmem:$0x1FD20] =	vst v56;
	v2 =	vmax.f32 v52, $-5.000000000e+01;
	v49 =	vadd.f32 v60, v9;
	v56 =	vadd.f32 v62, v10  }
0x2e2: {  	v57 =	vadd.s32 v36, v1;
	v2 =	vmin.f32 v2, $5.000000000e+01;
	v8 =	vsub.f32 v11, v61  }
0x2e3: {  	v59 =	vld.idx.msk [tilespmem:v5+s21+$0x0], $0xffff;
	v60 =	vsub.f32 v11, v34;
	v0 =	vmax.f32 v0, $-5.000000000e+01;
	v3 =	vmax.f32 v53, $-5.000000000e+01  }
0x2e4: {  	v10 =	vld [tilespmem:$0x1FFF0];
	v2 =	vtrunc.f32 v2;
	v0 =	vmin.f32 v0, $5.000000000e+01;
	v3 =	vmin.f32 v3, $5.000000000e+01  }
0x2e5: {  	v2 =	vcvt.f32.s32 v2;
	v4 =	vmax.f32 v8, $-5.000000000e+01;
	v6 =	vmax.f32 v60, $-5.000000000e+01  }
0x2e6: {  	v0 =	vtrunc.f32 v0;
	v3 =	vtrunc.f32 v3;
	v4 =	vmin.f32 v4, $5.000000000e+01  }
0x2e7: {  	v6 =	vmin.f32 v6, $5.000000000e+01;
	v0 =	vcvt.f32.s32 v0;
	v3 =	vcvt.f32.s32 v3  }
0x2e8: {  	v53 =	vsub.f32 v11, v35;
	v9 =	vtrunc.f32 v4;
	v6 =	vtrunc.f32 v6  }
0x2e9: {  	v59 =	vadd.f32 v59, v12;
	v4 =	vsub.f32 v15, v10;
	v1 =	vcvt.f32.s32 v9  }
0x2ea: {  	v6 =	vcvt.f32.s32 v6;
	v9 =	vld [tilespmem:$0x1FFE0];
	v10 =	vsub.f32 v11, v26;
	v12 =	vmul.u32 $0x65, v3  }
0x2eb: {  	[tilespmem:$0x1FD10] =	vst v13;
	v3 =	vmax.f32 v53, $-5.000000000e+01;
	v13 =	vmax.f32 v4, $-5.000000000e+01;
	v4 =	vmax.f32 v14, $-5.000000000e+01  }
0x2ec: {  	v0 =	vmul.u32 $0x65, v0;
	v3 =	vmin.f32 v3, $5.000000000e+01;
	v4 =	vmin.f32 v4, $5.000000000e+01  }
0x2ed: {  	v14 =	vsub.f32 v11, v28;
	v36 =	vmin.f32 v13, $5.000000000e+01;
	v4 =	vtrunc.f32 v4  }
0x2ee: {  	v0 =	vadd.s32 v0, v2;
	v2 =	vtrunc.f32 v36;
	v4 =	vcvt.f32.s32 v4  }
0x2ef: {  	v0 =	vadd.s32 $0x13EC, v0;
	v2 =	vcvt.f32.s32 v2;
	v7 =	vsub.f32 v15, v9  }
0x2f0: {  	v1 =	vadd.s32 v12, v1;
	v3 =	vtrunc.f32 v3;
	v4 =	vmul.u32 $0x65, v4  }
0x2f1: {  	v17 =	vld [tilespmem:$0x1FD00];
	v3 =	vcvt.f32.s32 v3;
	v2 =	vmul.u32 $0x65, v2;
	v12 =	vmax.f32 v7, $-5.000000000e+01  }
0x2f2: {  	v1 =	vadd.s32 $0x13EC, v1;
	v9 =	vld.idx.msk [tilespmem:v5+s22+$0x0], $0xffff;
	v4 =	vadd.s32 v4, v6;
	v6 =	vmin.f32 v12, $5.000000000e+01  }
0x2f3: {  	v5 =	vld.idx.msk [tilespmem:v5+s23+$0x0], $0xffff;
	v2 =	vadd.s32 v2, v3;
	v3 =	vmax.f32 v10, $-5.000000000e+01;
	v6 =	vtrunc.f32 v6  }
0x2f4: {  	v52 =	vmovc v31;
	v31 =	vmovc v34;
	v34 =	vsub.f32 v15, v29;
	v10 =	vld.idx.msk [tilespmem:v0+s21+$0x0], $0xffff;
	v3 =	vmin.f32 v3, $5.000000000e+01;
	v6 =	vcvt.f32.s32 v6  }
0x2f5: {  	v13 =	vsub.f32 v15, v27;
	v8 =	vmax.f32 v14, $-5.000000000e+01;
	v12 =	vld.idx.msk [tilespmem:v0+s22+$0x0], $0xffff;
	v3 =	vtrunc.f32 v3  }
0x2f6: {  	v14 =	vld.idx.msk [tilespmem:v0+s23+$0x0], $0xffff;
	v2 =	vadd.s32 $0x13EC, v2;
	v3 =	vcvt.f32.s32 v3;
	v6 =	vmul.u32 $0x65, v6  }
0x2f7: {  	v50 =	vadd.f32 v20, v17;
	v16 =	vld.idx.msk [tilespmem:v1+s22+$0x0], $0xffff  }
0x2f8: {  	v53 =	vmax.f32 v34, $-5.000000000e+01;
	v7 =	vmax.f32 v13, $-5.000000000e+01;
	v36 =	vadd.s32 v6, v3;
	v6 =	vld.idx.msk [tilespmem:v1+s21+$0x0], $0xffff  }
0x2f9: {  	v7 =	vmin.f32 v7, $5.000000000e+01;
	v17 =	vadd.s32 $0x13EC, v36;
	v36 =	vmin.f32 v53, $5.000000000e+01;
	v53 =	vld [tilespmem:$0x1FFC0]  }
0x2fa: {  	v7 =	vtrunc.f32 v7;
	v4 =	vadd.s32 $0x13EC, v4;
	v1 =	vld.idx.msk [tilespmem:v1+s23+$0x0], $0xffff  }
0x2fb: {  	v45 =	vadd.f32 v22, v45;
	v7 =	vcvt.f32.s32 v7;
	v13 =	vld.idx.msk [tilespmem:v2+s21+$0x0], $0xffff  }
0x2fc: {  	v18 =	vsub.f32 v11, v30;
	v60 =	vsub.f32 v11, v25;
	v8 =	vmin.f32 v8, $5.000000000e+01;
	v19 =	vld.idx.msk [tilespmem:v2+s22+$0x0], $0xffff  }
0x2fd: {  	v11 =	vsub.f32 v11, v32;
	v8 =	vtrunc.f32 v8;
	v7 =	vmul.u32 $0x65, v7;
	v2 =	vld.idx.msk [tilespmem:v2+s23+$0x0], $0xffff  }
0x2fe: {  	v3 =	vcvt.f32.s32 v8;
	v0 =	vtrunc.f32 v36;
	v8 =	vsub.f32 v15, v53;
	v53 =	vld [tilespmem:$0x1FFD0]  }
0x2ff: {  	v18 =	vmax.f32 v18, $-5.000000000e+01;
	v60 =	vmax.f32 v60, $-5.000000000e+01;
	v21 =	vld.idx.msk [tilespmem:v4+s21+$0x0], $0xffff;
	v0 =	vcvt.f32.s32 v0  }
0x300: {  	v11 =	vmax.f32 v11, $-5.000000000e+01;
	v3 =	vadd.s32 v7, v3;
	v7 =	vmin.f32 v60, $5.000000000e+01;
	v60 =	vld [tilespmem:s26+$0x60]  }
0x301: {  	v11 =	vmin.f32 v11, $5.000000000e+01;
	v20 =	vmul.u32 $0x65, v0;
	v0 =	vld [tilespmem:s25+$0x60];
	v8 =	vmax.f32 v8, $-5.000000000e+01  }
0x302: {  	v7 =	vtrunc.f32 v7;
	v3 =	vadd.s32 $0x13EC, v3;
	v22 =	vld.idx.msk [tilespmem:v17+s21+$0x0], $0xffff;
	v8 =	vmin.f32 v8, $5.000000000e+01  }
0x303: {  	v7 =	vcvt.f32.s32 v7;
	v23 =	vld.idx.msk [tilespmem:v17+s22+$0x0], $0xffff;
	v8 =	vtrunc.f32 v8;
	v15 =	vsub.f32 v15, v53  }
0x304: {  	v11 =	vtrunc.f32 v11;
	v36 =	vmin.f32 v18, $5.000000000e+01;
	v17 =	vld.idx.msk [tilespmem:v17+s23+$0x0], $0xffff;
	v8 =	vcvt.f32.s32 v8  }
0x305: {  	v18 =	vtrunc.f32 v36;
	v7 =	vadd.s32 v20, v7;
	v20 =	vld.idx.msk [tilespmem:v4+s22+$0x0], $0xffff;
	v15 =	vmax.f32 v15, $-5.000000000e+01  }
0x306: {  	v18 =	vcvt.f32.s32 v18;
	v4 =	vld.idx.msk [tilespmem:v4+s23+$0x0], $0xffff;
	v8 =	vmul.u32 $0x65, v8;
	v15 =	vmin.f32 v15, $5.000000000e+01  }
0x307: {  	v34 =	vmovc v25;
	v11 =	vcvt.f32.s32 v11;
	v25 =	vld.idx.msk [tilespmem:v3+s21+$0x0], $0xffff;
	v24 =	vsub.f32 v0, v61;
	v15 =	vtrunc.f32 v15  }
0x308: {  	v63 =	vmovc v26;
	v26 =	vld.idx.msk [tilespmem:v3+s22+$0x0], $0xffff;
	v8 =	vadd.s32 v8, v18;
	v18 =	vsub.f32 v60, v33;
	v15 =	vcvt.f32.s32 v15  }
0x309: {  	v7 =	vadd.s32 $0x13EC, v7;
	v3 =	vld.idx.msk [tilespmem:v3+s23+$0x0], $0xffff;
	v53 =	vadd.f32 v19, v43;
	v24 =	vmax.f32 v24, $-5.000000000e+01  }
0x30a: {  	v62 =	vmovc v61;
	v61 =	vld [tilespmem:$0x1FD10];
	v24 =	vmin.f32 v24, $5.000000000e+01;
	v18 =	vmax.f32 v18, $-5.000000000e+01;
	v15 =	vmul.u32 $0x65, v15  }
0x30b: {  	v19 =	vld [tilespmem:s26+$0x70];
	v24 =	vtrunc.f32 v24;
	v8 =	vadd.s32 $0x13EC, v8;
	v18 =	vmin.f32 v18, $5.000000000e+01  }
0x30c: {  	v18 =	vtrunc.f32 v18;
	v11 =	vadd.s32 v15, v11;
	v15 =	vcvt.f32.s32 v24;
	v24 =	vld [tilespmem:$0x1FD20]  }
0x30d: {  	v14 =	vadd.s32 v14, v37;
	v37 =	vadd.f32 v22, v51;
	v22 =	vld [tilespmem:$0x1FFE0];
	v18 =	vcvt.f32.s32 v18  }
0x30e: {  	v43 =	vadd.f32 v20, v44;
	v44 =	vadd.s32 v17, v47;
	v17 =	vld [tilespmem:$0x1FFF0]  }
0x30f: {  	v9 =	vadd.f32 v9, v61;
	v61 =	vld.idx.msk [tilespmem:v7+s21+$0x0], $0xffff;
	v11 =	vadd.s32 $0x13EC, v11;
	v18 =	vmul.u32 $0x65, v18  }
0x310: {  	v36 =	vadd.f32 v13, v50;
	v50 =	vld.idx.msk [tilespmem:v8+s21+$0x0], $0xffff  }
0x311: {  	v15 =	vadd.s32 v18, v15;
	v18 =	vadd.f32 v21, v45;
	v10 =	vadd.f32 v10, v24;
	v24 =	vld [tilespmem:$0x1FD30]  }
0x312: {  	v16 =	vadd.f32 v16, v39;
	v45 =	vadd.s32 v2, v40;
	v2 =	vld.idx.msk [tilespmem:v8+s23+$0x0], $0xffff  }
0x313: {  	v6 =	vadd.f32 v6, v42;
	v1 =	vadd.s32 v1, v38;
	v15 =	vadd.s32 $0x13EC, v15;
	[tilespmem:$0x1FD40] =	vst v18;
	v18 =	vld.idx.msk [tilespmem:v8+s22+$0x0], $0xffff  }
0x314: {  	v38 =	vadd.f32 v23, v54;
	v46 =	vadd.s32 v4, v46;
	v51 =	vadd.f32 v25, v58;
	v4 =	vld.idx.msk [tilespmem:v11+s21+$0x0], $0xffff  }
0x315: {  	v54 =	vadd.f32 v26, v55;
	v25 =	vsub.f32 v19, v27;
	v55 =	vld.idx.msk [tilespmem:v11+s22+$0x0], $0xffff  }
0x316: {  	v5 =	vadd.s32 v5, v41;
	v17 =	vsub.f32 v60, v17;
	v12 =	vadd.f32 v12, v24;
	v24 =	vld.idx.msk [tilespmem:v7+s22+$0x0], $0xffff  }
0x317: {  	v41 =	vadd.s32 v3, v48;
	v22 =	vsub.f32 v19, v22;
	v25 =	vmax.f32 v25, $-5.000000000e+01;
	v7 =	vld.idx.msk [tilespmem:v7+s23+$0x0], $0xffff  }
0x318: {  	v58 =	vmax.f32 v17, $-5.000000000e+01;
	v17 =	vsub.f32 v0, v35;
	v25 =	vmin.f32 v25, $5.000000000e+01;
	v3 =	vld.idx.msk [tilespmem:v15+s21+$0x0], $0xffff  }
0x319: {  	v39 =	vadd.f32 v61, v49;
	v25 =	vtrunc.f32 v25;
	v49 =	vadd.s32 v2, v5;
	v2 =	vld.idx.msk [tilespmem:v15+s23+$0x0], $0xffff  }
0x31a: {  	v13 =	vsub.f32 v60, v52;
	v22 =	vmax.f32 v22, $-5.000000000e+01;
	v25 =	vcvt.f32.s32 v25  }
0x31b: {  	v22 =	vmin.f32 v22, $5.000000000e+01;
	v61 =	vmax.f32 v17, $-5.000000000e+01;
	v48 =	vadd.f32 v18, v9;
	v9 =	vld.idx.msk [tilespmem:v15+s22+$0x0], $0xffff  }
0x31c: {  	v25 =	vmul.u32 $0x65, v25;
	v47 =	vadd.f32 v50, v59;
	v50 =	vadd.f32 v4, v10  }
0x31d: {  	[tilespmem:$0x1FD60] =	vst v54;
	v54 =	vadd.f32 v55, v12;
	v40 =	vadd.f32 v24, v56;
	v42 =	vadd.s32 v7, v57  }
0x31e: {  	[tilespmem:$0x1FD50] =	vst v51;
	v57 =	vld.idx.msk [tilespmem:v11+s23+$0x0], $0xffff;
	v11 =	vmin.f32 v58, $5.000000000e+01;
	v51 =	vadd.f32 v3, v6;
	v56 =	vadd.s32 v2, v1  }
0x31f: {  	v59 =	vtrunc.f32 v11;
	v11 =	vmin.f32 v61, $5.000000000e+01;
	v61 =	vsub.f32 v0, v31  }
0x320: {  	v55 =	vadd.f32 v9, v16;
	v10 =	vcvt.f32.s32 v59;
	v12 =	vtrunc.f32 v11  }
0x321: {  	v3 =	vcvt.f32.s32 v12;
	v11 =	vmax.f32 v61, $-5.000000000e+01;
	v61 =	vsub.f32 v0, v28  }
0x322: {  	v4 =	vmul.u32 $0x65, v10;
	v10 =	vmax.f32 v13, $-5.000000000e+01;
	v13 =	vsub.f32 v0, v63  }
0x323: {  	v12 =	vld [tilespmem:$0x1FFE0];
	v57 =	vadd.s32 v57, v14;
	v2 =	vmin.f32 v10, $5.000000000e+01;
	v14 =	vsub.f32 v60, v27  }
0x324: {  	v9 =	vadd.s32 v4, v3;
	v2 =	vtrunc.f32 v2;
	v3 =	vmin.f32 v11, $5.000000000e+01  }
0x325: {  	v5 =	vmax.f32 v13, $-5.000000000e+01;
	v11 =	vmax.f32 v61, $-5.000000000e+01;
	v13 =	vsub.f32 v0, v34  }
0x326: {  	v2 =	vcvt.f32.s32 v2;
	v3 =	vtrunc.f32 v3;
	v5 =	vmin.f32 v5, $5.000000000e+01  }
0x327: {  	v1 =	vadd.s32 $0x13EC, v9;
	v59 =	vmax.f32 v14, $-5.000000000e+01;
	v9 =	vsub.f32 v60, v29  }
0x328: {  	v4 =	vsub.f32 v60, v12;
	v3 =	vcvt.f32.s32 v3;
	v5 =	vtrunc.f32 v5  }
0x329: {  	v14 =	vld [tilespmem:$0x1FFC0];
	v7 =	vmax.f32 v13, $-5.000000000e+01;
	v13 =	vsub.f32 v0, v30;
	v2 =	vmul.u32 $0x65, v2  }
0x32a: {  	v58 =	vcvt.f32.s32 v5;
	v5 =	vmin.f32 v59, $5.000000000e+01;
	v12 =	vmax.f32 v9, $-5.000000000e+01  }
0x32b: {  	v7 =	vmin.f32 v7, $5.000000000e+01;
	v4 =	vmax.f32 v4, $-5.000000000e+01;
	v10 =	vtrunc.f32 v5  }
0x32c: {  	v61 =	vld [tilespmem:$0x1FFD0];
	v5 =	vmin.f32 v11, $5.000000000e+01;
	v6 =	vmin.f32 v12, $5.000000000e+01;
	v7 =	vtrunc.f32 v7  }
0x32d: {  	v4 =	vmin.f32 v4, $5.000000000e+01;
	v2 =	vadd.s32 v2, v3;
	v5 =	vtrunc.f32 v5  }
0x32e: {  	v6 =	vtrunc.f32 v6;
	v4 =	vtrunc.f32 v4;
	v8 =	vsub.f32 v60, v14  }
0x32f: {  	v2 =	vadd.s32 $0x13EC, v2;
	v14 =	vsub.f32 v0, v32;
	v4 =	vcvt.f32.s32 v4  }
0x330: {  	v5 =	vcvt.f32.s32 v5;
	v6 =	vcvt.f32.s32 v6;
	v0 =	vld [tilespmem:s25+$0x70];
	v59 =	vmax.f32 v8, $-5.000000000e+01  }
0x331: {  	v8 =	vsub.f32 v60, v61;
	v9 =	vmax.f32 v14, $-5.000000000e+01;
	v4 =	vmul.u32 $0x65, v4  }
0x332: {  	v18 =	vld.idx.msk [tilespmem:v1+s23+$0x0], $0xffff;
	v6 =	vmul.u32 $0x65, v6;
	v12 =	vmin.f32 v59, $5.000000000e+01;
	v9 =	vmin.f32 v9, $5.000000000e+01  }
0x333: {  	v8 =	vmax.f32 v8, $-5.000000000e+01;
	v9 =	vtrunc.f32 v9;
	v3 =	vadd.s32 v4, v58  }
0x334: {  	v4 =	vcvt.f32.s32 v10;
	v58 =	vcvt.f32.s32 v7;
	v7 =	vmax.f32 v13, $-5.000000000e+01  }
0x335: {  	v8 =	vmin.f32 v8, $5.000000000e+01;
	v9 =	vcvt.f32.s32 v9;
	v59 =	vsub.f32 v0, v62  }
0x336: {  	v27 =	vld [tilespmem:$0x1FFC0];
	v17 =	vsub.f32 v0, v31;
	v24 =	vsub.f32 v0, v63;
	v63 =	vtrunc.f32 v22  }
0x337: {  	v11 =	vld.idx.msk [tilespmem:v1+s21+$0x0], $0xffff;
	v26 =	vsub.f32 v0, v28;
	v34 =	vsub.f32 v0, v34;
	v18 =	vadd.s32 v18, v45  }
0x338: {  	v61 =	vld [tilespmem:$0x1FFF0];
	v3 =	vadd.s32 $0x13EC, v3;
	v7 =	vmin.f32 v7, $5.000000000e+01;
	v8 =	vtrunc.f32 v8  }
0x339: {  	v10 =	vld.idx.msk [tilespmem:v1+s22+$0x0], $0xffff;
	v4 =	vmul.u32 $0x65, v4;
	v7 =	vtrunc.f32 v7;
	v8 =	vcvt.f32.s32 v8  }
0x33a: {  	v20 =	vld.idx.msk [tilespmem:v2+s21+$0x0], $0xffff;
	v17 =	vmax.f32 v17, $-5.000000000e+01;
	v24 =	vmax.f32 v24, $-5.000000000e+01;
	v26 =	vmax.f32 v26, $-5.000000000e+01  }
0x33b: {  	v13 =	vld.idx.msk [tilespmem:v2+s22+$0x0], $0xffff;
	v7 =	vcvt.f32.s32 v7;
	v17 =	vmin.f32 v17, $5.000000000e+01;
	v24 =	vmin.f32 v24, $5.000000000e+01  }
0x33c: {  	v2 =	vld.idx.msk [tilespmem:v2+s23+$0x0], $0xffff;
	v26 =	vmin.f32 v26, $5.000000000e+01;
	v4 =	vadd.s32 v4, v5;
	v5 =	vadd.s32 v6, v58  }
0x33d: {  	v31 =	vld [tilespmem:$0x1FFD0];
	v6 =	vtrunc.f32 v12;
	v8 =	vmul.u32 $0x65, v8;
	v58 =	vsub.f32 v19, v33  }
0x33e: {  	v45 =	vld [tilespmem:$0x1FD40];
	v12 =	vsub.f32 v19, v61;
	v24 =	vtrunc.f32 v24;
	v26 =	vtrunc.f32 v26  }
0x33f: {  	v4 =	vadd.s32 $0x13EC, v4;
	v6 =	vcvt.f32.s32 v6;
	v10 =	vadd.f32 v10, v53;
	v53 =	vld [tilespmem:$0x1FD60]  }
0x340: {  	v5 =	vadd.s32 $0x13EC, v5;
	v8 =	vadd.s32 v8, v9;
	v60 =	vmax.f32 v58, $-5.000000000e+01;
	v15 =	vld.idx.msk [tilespmem:v3+s21+$0x0], $0xffff  }
0x341: {  	v33 =	vmax.f32 v12, $-5.000000000e+01;
	v16 =	vld.idx.msk [tilespmem:v3+s22+$0x0], $0xffff;
	v6 =	vmul.u32 $0x65, v6;
	v9 =	vmin.f32 v60, $5.000000000e+01  }
0x342: {  	v58 =	vsub.f32 v0, v35;
	v3 =	vld.idx.msk [tilespmem:v3+s23+$0x0], $0xffff;
	v1 =	vadd.s32 $0x13EC, v8;
	v62 =	vtrunc.f32 v9  }
0x343: {  	v6 =	vadd.s32 v6, v7;
	v7 =	vmax.f32 v59, $-5.000000000e+01;
	v59 =	vsub.f32 v19, v52;
	v52 =	vld [tilespmem:$0x1FD50]  }
0x344: {  	v9 =	vmin.f32 v33, $5.000000000e+01;
	v12 =	vmax.f32 v58, $-5.000000000e+01;
	v8 =	vcvt.f32.s32 v62;
	v21 =	vld.idx.msk [tilespmem:v4+s22+$0x0], $0xffff  }
0x345: {  	v9 =	vtrunc.f32 v9;
	v12 =	vmin.f32 v12, $5.000000000e+01;
	v62 =	vtrunc.f32 v17;
	v17 =	vld.idx.msk [tilespmem:v5+s21+$0x0], $0xffff  }
0x346: {  	v6 =	vadd.s32 $0x13EC, v6;
	v7 =	vmin.f32 v7, $5.000000000e+01;
	v9 =	vcvt.f32.s32 v9;
	v23 =	vld.idx.msk [tilespmem:v5+s22+$0x0], $0xffff  }
0x347: {  	v12 =	vtrunc.f32 v12;
	v5 =	vld.idx.msk [tilespmem:v5+s23+$0x0], $0xffff;
	v7 =	vtrunc.f32 v7;
	v14 =	vmax.f32 v59, $-5.000000000e+01  }
0x348: {  	v8 =	vmul.u32 $0x65, v8;
	v7 =	vcvt.f32.s32 v7;
	v61 =	vmin.f32 v14, $5.000000000e+01;
	v14 =	vld.idx.msk [tilespmem:v4+s21+$0x0], $0xffff  }
0x349: {  	v26 =	vcvt.f32.s32 v26;
	v60 =	vcvt.f32.s32 v12;
	v9 =	vmul.u32 $0x65, v9;
	v4 =	vld.idx.msk [tilespmem:v4+s23+$0x0], $0xffff  }
0x34a: {  	v35 =	vsub.f32 v19, v27;
	v33 =	vsub.f32 v19, v29;
	v59 =	vld.idx.msk [tilespmem:v1+s21+$0x0], $0xffff;
	v7 =	vadd.s32 v8, v7  }
0x34b: {  	v19 =	vsub.f32 v19, v31;
	v8 =	vadd.s32 v9, v60;
	v60 =	vld.idx.msk [tilespmem:v1+s22+$0x0], $0xffff;
	v7 =	vadd.s32 $0x13EC, v7  }
0x34c: {  	v29 =	vsub.f32 v0, v30;
	v0 =	vsub.f32 v0, v32;
	v12 =	vtrunc.f32 v61;
	v1 =	vld.idx.msk [tilespmem:v1+s23+$0x0], $0xffff  }
0x34d: {  	v25 =	vadd.s32 v25, v26;
	v19 =	vmax.f32 v19, $-5.000000000e+01;
	v12 =	vcvt.f32.s32 v12;
	v22 =	vld.idx.msk [tilespmem:v6+s21+$0x0], $0xffff  }
0x34e: {  	v0 =	vmax.f32 v0, $-5.000000000e+01;
	v19 =	vmin.f32 v19, $5.000000000e+01;
	v8 =	vadd.s32 $0x13EC, v8;
	v58 =	vld.idx.msk [tilespmem:v6+s22+$0x0], $0xffff  }
0x34f: {  	v19 =	vtrunc.f32 v19;
	v9 =	vcvt.f32.s32 v62;
	v6 =	vld.idx.msk [tilespmem:v6+s23+$0x0], $0xffff;
	v12 =	vmul.u32 $0x65, v12  }
0x350: {  	v25 =	vadd.s32 $0x13EC, v25;
	v0 =	vmin.f32 v0, $5.000000000e+01;
	v19 =	vcvt.f32.s32 v19;
	v62 =	vld.idx.msk [tilespmem:v7+s21+$0x0], $0xffff  }
0x351: {  	v0 =	vtrunc.f32 v0;
	v9 =	vadd.s32 v12, v9;
	v12 =	vcvt.f32.s32 v63;
	v63 =	vld.idx.msk [tilespmem:v7+s22+$0x0], $0xffff  }
0x352: {  	v0 =	vcvt.f32.s32 v0;
	v19 =	vmul.u32 $0x65, v19;
	v9 =	vadd.s32 $0x13EC, v9;
	v7 =	vld.idx.msk [tilespmem:v7+s23+$0x0], $0xffff  }
0x353: {  	v24 =	vcvt.f32.s32 v24;
	v26 =	vmax.f32 v34, $-5.000000000e+01;
	v12 =	vmul.u32 $0x65, v12;
	v27 =	vld.idx.msk [tilespmem:v8+s21+$0x0], $0xffff  }
0x354: {  	v26 =	vmin.f32 v26, $5.000000000e+01;
	v0 =	vadd.s32 v19, v0;
	v28 =	vld.idx.msk [tilespmem:v8+s22+$0x0], $0xffff  }
0x355: {  	v0 =	vadd.s32 $0x13EC, v0;
	v8 =	vld.idx.msk [tilespmem:v8+s23+$0x0], $0xffff;
	v12 =	vadd.s32 v12, v24;
	v24 =	vmax.f32 v33, $-5.000000000e+01  }
0x356: {  	v11 =	vadd.f32 v11, v36;
	v26 =	vtrunc.f32 v26;
	v33 =	vld.idx.msk [tilespmem:v25+s21+$0x0], $0xffff;
	v24 =	vmin.f32 v24, $5.000000000e+01  }
0x357: {  	v26 =	vcvt.f32.s32 v26;
	v29 =	vmax.f32 v29, $-5.000000000e+01;
	v24 =	vtrunc.f32 v24;
	v30 =	vld.idx.msk [tilespmem:v9+s21+$0x0], $0xffff  }
0x358: {  	v29 =	vmin.f32 v29, $5.000000000e+01;
	v61 =	vmax.f32 v35, $-5.000000000e+01;
	v31 =	vld.idx.msk [tilespmem:v9+s22+$0x0], $0xffff;
	v24 =	vcvt.f32.s32 v24  }
0x359: {  	v61 =	vmin.f32 v61, $5.000000000e+01;
	v14 =	vadd.f32 v14, v52;
	v12 =	vadd.s32 $0x13EC, v12;
	v9 =	vld.idx.msk [tilespmem:v9+s23+$0x0], $0xffff  }
0x35a: {  	v1 =	vadd.s32 v1, v57;
	v57 =	vadd.f32 v62, v51;
	v62 =	vld.idx.msk [tilespmem:v0+s21+$0x0], $0xffff;
	v24 =	vmul.u32 $0x65, v24  }
0x35b: {  	v61 =	vtrunc.f32 v61;
	v60 =	vadd.f32 v60, v54;
	v54 =	vadd.f32 v27, v11;
	v27 =	vld [tilespmem:$0x1FFA0]  }
0x35c: {  	v52 =	vadd.f32 v63, v55;
	v63 =	vld.idx.msk [tilespmem:v0+s22+$0x0], $0xffff;
	v24 =	vadd.s32 v24, v26;
	v26 =	vcvt.f32.s32 v61  }
0x35d: {  	v29 =	vtrunc.f32 v29;
	v0 =	vld.idx.msk [tilespmem:v0+s23+$0x0], $0xffff  }
0x35e: {  	v29 =	vcvt.f32.s32 v29;
	v32 =	vld.idx.msk [tilespmem:v12+s22+$0x0], $0xffff;
	v24 =	vadd.s32 $0x13EC, v24;
	v26 =	vmul.u32 $0x65, v26  }
0x35f: {  	v61 =	vld.idx.msk [tilespmem:v12+s21+$0x0], $0xffff  }
0x360: {  	v12 =	vld.idx.msk [tilespmem:v12+s23+$0x0], $0xffff;
	v26 =	vadd.s32 v26, v29  }
0x361: {  	v20 =	vadd.f32 v20, v45;
	v29 =	vld.idx.msk [tilespmem:v25+s22+$0x0], $0xffff;
	v26 =	vadd.s32 $0x13EC, v26  }
0x362: {  	v13 =	vadd.f32 v13, v43;
	v15 =	vadd.f32 v15, v37;
	v25 =	vld.idx.msk [tilespmem:v25+s23+$0x0], $0xffff  }
0x363: {  	v2 =	vadd.s32 v2, v46;
	v16 =	vadd.f32 v16, v38;
	v21 =	vadd.f32 v21, v53;
	v19 =	vld.idx.msk [tilespmem:v24+s21+$0x0], $0xffff  }
0x364: {  	v3 =	vadd.s32 v3, v44;
	v17 =	vadd.f32 v17, v39;
	v23 =	vadd.f32 v23, v40;
	v36 =	vld.idx.msk [tilespmem:v24+s22+$0x0], $0xffff  }
0x365: {  	v5 =	vadd.s32 v5, v42;
	v4 =	vadd.s32 v4, v41;
	v38 =	vadd.f32 v59, v50;
	v24 =	vld.idx.msk [tilespmem:v24+s23+$0x0], $0xffff  }
0x366: {  	v22 =	vadd.f32 v22, v47;
	v35 =	vadd.f32 v58, v48;
	v6 =	vadd.s32 v6, v49;
	v34 =	vld.idx.msk [tilespmem:v26+s21+$0x0], $0xffff  }
0x367: {  	s24 =	sadd.s32 $0x10, s24;
	v56 =	vadd.s32 v7, v56;
	v49 =	vadd.f32 v28, v10;
	v45 =	vadd.f32 v33, v14;
	v37 =	vld.idx.msk [tilespmem:v26+s22+$0x0], $0xffff  }
0x368: {  	p0 =	slt.u32 s24, $0x3F0;
	v55 =	vadd.s32 v8, v18;
	v51 =	vadd.f32 v30, v20;
	v47 =	vadd.f32 v31, v13;
	v26 =	vld.idx.msk [tilespmem:v26+s23+$0x0], $0xffff  }
.Ltmp1:
0x369: {  	v20 =	vld [tilespmem:$0x1FFC0];
	v53 =	vadd.s32 v9, v2;
	v38 =	vadd.f32 v62, v38;
	v44 =	vadd.f32 v32, v16;
	(pc) =	sbr.rel @p0 .LBB2_4-.Ltmp1, $4  }
0x36a: {  	v18 =	vadd.s32 v0, v1;
	v48 =	vadd.f32 v61, v15;
	v42 =	vadd.f32 v29, v21;
	v21 =	vld [tilespmem:$0x1FFD0]  }
0x36b: {  	v50 =	vadd.s32 v12, v3;
	v29 =	vld [tilespmem:$0x1FFB0];
	v46 =	vadd.s32 v25, v4;
	v43 =	vadd.f32 v19, v17  }
0x36c: {  	v19 =	vld [tilespmem:$0x1FFF0];
	v39 =	vadd.f32 v36, v23;
	v41 =	vadd.s32 v24, v5;
	v40 =	vadd.f32 v34, v22  }
0x36d: {  	s26 =	sadd.s32 $0x100, s26;
	s25 =	sadd.s32 $0x100, s25;
	v17 =	vld [tilespmem:$0x1FFE0];
	v37 =	vadd.f32 v37, v35;
	v36 =	vadd.s32 v26, v6;
	v35 =	vadd.f32 v63, v60  }
0x36e: {  	v0 =	vld [tilespmem:$0x1FD80]  }
0x36f: {  	v32 =	vld [tilespmem:$0x1FE40]  }
0x370: {  	v33 =	vld [tilespmem:$0x1FE10]  }
0x371: {  	v34 =	vld [tilespmem:$0x1FE30];
	(xrf0) =	vadd.scan.msk.s32 $0xffff, v56  }
0x372: {  	v58 =	vld [tilespmem:$0x1FE60];
	(xrf0) =	vadd.scan.msk.s32 $0xffff, v55  }
0x373: {  	(xrf2) =	vadd.scan.msk.f32 $0xffff, v0  }
0x374: {  	v59 =	vld [tilespmem:$0x1FE50];
	(xrf2) =	vadd.scan.msk.f32 $0xffff, v32  }
0x375: {  	v60 =	vld [tilespmem:$0x1FDE0];
	(xrf2) =	vadd.scan.msk.f32 $0xffff, v33  }
0x376: {  	v61 =	vld [tilespmem:$0x1FD90];
	(xrf2) =	vadd.scan.msk.f32 $0xffff, v34  }
0x377: {  	v1 =	vld [tilespmem:$0x1FDB0];
	(xrf2) =	vadd.scan.msk.f32 $0xffff, v58  }
0x378: {  	v3 =	vld [tilespmem:$0x1FDC0];
	v0, _, _ =	vpop (xrf0);
	(xrf0) =	vadd.scan.msk.s32 $0xffff, v53  }
0x379: {  	v4 =	vld [tilespmem:$0x1FDA0];
	(xrf2) =	vadd.scan.msk.f32 $0xffff, v59  }
0x37a: {  	v5 =	vld [tilespmem:$0x1FDF0];
	(xrf2) =	vadd.scan.msk.f32 $0xffff, v60  }
0x37b: {  	v6 =	vld [tilespmem:$0x1FE20];
	(xrf2) =	vadd.scan.msk.f32 $0xffff, v61  }
0x37c: {  	v7 =	vld [tilespmem:$0x1FDD0];
	(xrf2) =	vadd.scan.msk.f32 $0xffff, v1;
	v1, _, _ =	vpop (xrf0)  }
0x37d: {  	v2, _, _ =	vpop (xrf2);
	(xrf2) =	vadd.scan.msk.f32 $0xffff, v3  }
0x37e: {  	v9 =	vld [tilespmem:$0x1FD70];
	v62, _, _ =	vpop (xrf2);
	(xrf2) =	vadd.scan.msk.f32 $0xffff, v4  }
0x37f: {  	v10 =	vld [tilespmem:$0x1FE00];
	v63, _, _ =	vpop (xrf2);
	(xrf2) =	vadd.scan.msk.f32 $0xffff, v5  }
0x380: {  	v16, _, _ =	vpop (xrf2);
	(xrf2) =	vadd.scan.msk.f32 $0xffff, v6  }
0x381: {  	v14 =	vld [tilespmem:$0x1FED0];
	v22, _, _ =	vpop (xrf2);
	(xrf2) =	vadd.scan.msk.f32 $0xffff, v7  }
0x382: {  	v15 =	vld [tilespmem:$0x1FEF0];
	v7, _, _ =	vpop (xrf0);
	(xrf0) =	vadd.scan.msk.s32 $0xffff, v50  }
0x383: {  	v8, _, _ =	vpop (xrf2);
	(xrf2) =	vadd.scan.msk.f32 $0xffff, v9  }
0x384: {  	v23, _, _ =	vpop (xrf2);
	(xrf2) =	vadd.scan.msk.f32 $0xffff, v10  }
0x385: {  	v24, _, _ =	vpop (xrf2);
	(xrf2) =	vadd.scan.msk.f32 $0xffff, v57  }
0x386: {  	vm7 =	vmmov $0x1;
	v11, _, _ =	vpop (xrf2);
	(xrf2) =	vadd.scan.msk.f32 $0xffff, v52  }
0x387: {  	v14 =	vnsel vm7, $0x0, v14;
	v15 =	vnsel vm7, $0x0, v15;
	v0 =	vbroadcast v0, $0xF;
	v12, _, _ =	vpop (xrf2);
	(xrf2) =	vadd.scan.msk.f32 $0xffff, v54  }
0x388: {  	v30 =	vsel vm0, v15, v19;
	v1 =	vbroadcast v1, $0xF;
	v2 =	vbroadcast v2, $0xF;
	v13, _, _ =	vpop (xrf0);
	(xrf0) =	vadd.scan.msk.s32 $0xffff, v46  }
0x389: {  	v0 =	vnsel vm7, $0x0, v0;
	v3 =	vbroadcast v62, $0xF;
	v5 =	vbroadcast v16, $0xF;
	v16, _, _ =	vpop (xrf2);
	(xrf2) =	vadd.scan.msk.f32 $0xffff, v49  }
0x38a: {  	v28 =	vld [tilespmem:$0x1FE90];
	v0 =	vsel vm0, v0, v1;
	v2 =	vnsel vm7, $0x0, v2;
	v4 =	vbroadcast v63, $0xF;
	v26, _, _ =	vpop (xrf2);
	(xrf2) =	vadd.scan.msk.f32 $0xffff, v51  }
0x38b: {  	v3 =	vnsel vm7, $0x0, v3;
	v25 =	vbroadcast v22, $0xF;
	v8 =	vbroadcast v8, $0xF;
	v31, _, _ =	vpop (xrf2);
	(xrf2) =	vadd.scan.msk.f32 $0xffff, v47  }
0x38c: {  	v2 =	vsel vm0, v2, v4;
	v3 =	vsel vm0, v3, v5;
	v33 =	vbroadcast v24, $0xF;
	v34, _, _ =	vpop (xrf2);
	(xrf2) =	vadd.scan.msk.f32 $0xffff, v48  }
0x38d: {  	v2 =	vsel vm1, v2, v25;
	v32 =	vbroadcast v23, $0xF;
	v3 =	vsel vm1, v3, v8;
	v46 =	vld [tilespmem:$0x1FF70];
	v48, _, _ =	vpop (xrf2);
	(xrf2) =	vadd.scan.msk.f32 $0xffff, v44  }
0x38e: {  	v56 =	vld [tilespmem:$0x1FF50];
	v3 =	vsel vm2, v3, v33;
	v33 =	vbroadcast v7, $0xF;
	v49 =	vbroadcast v11, $0xF;
	v50, _, _ =	vpop (xrf0);
	(xrf0) =	vadd.scan.msk.s32 $0xffff, v41  }
0x38f: {  	v6 =	vsel vm0, v14, v28;
	v2 =	vsel vm2, v2, v32;
	v52 =	vbroadcast v12, $0xF;
	v51 =	vld [tilespmem:$0x1FE70];
	v53, _, _ =	vpop (xrf2);
	(xrf2) =	vadd.scan.msk.f32 $0xffff, v45  }
0x390: {  	v54 =	vbroadcast v16, $0xF;
	v0 =	vsel vm1, v0, v33;
	v47 =	vld [tilespmem:$0x1FE80];
	v2 =	vsel vm3, v2, v49;
	v55, _, _ =	vpop (xrf2);
	(xrf2) =	vadd.scan.msk.f32 $0xffff, v42  }
0x391: {  	v5 =	vbroadcast v26, $0xF;
	v3 =	vsel vm3, v3, v52;
	v57 =	vbroadcast v31, $0xF;
	v58, _, _ =	vpop (xrf2);
	(xrf2) =	vadd.scan.msk.f32 $0xffff, v43  }
0x392: {  	v49 =	vld [tilespmem:$0x10A80];
	v2 =	vsel vm4, v2, v54;
	v6 =	vsel vm1, v6, v46;
	v59 =	vbroadcast v34, $0xF;
	v60, _, _ =	vpop (xrf2);
	(xrf2) =	vadd.scan.msk.f32 $0xffff, v39  }
0x393: {  	v3 =	vsel vm4, v3, v5;
	v2 =	vsel vm5, v2, v57;
	v61 =	vbroadcast v48, $0xF;
	v63, _, _ =	vpop (xrf2);
	(xrf2) =	vadd.scan.msk.f32 $0xffff, v40  }
0x394: {  	v6 =	vsel vm2, v6, v51;
	v62 =	vbroadcast v53, $0xF;
	v3 =	vsel vm5, v3, v59;
	v23, _, _ =	vpop (xrf0);
	(xrf0) =	vadd.scan.msk.s32 $0xffff, v36  }
0x395: {  	v59 =	vimm.s32 $0x0;
	v8 =	vsel vm1, v30, v47;
	v6 =	vsel vm3, v6, v56;
	v24, _, _ =	vpop (xrf2);
	(xrf2) =	vadd.scan.msk.f32 $0xffff, v37  }
0x396: {  	v19 =	vbroadcast v55, $0xF;
	v2 =	vsel vm6, v2, v61;
	v43 =	vbroadcast v50, $0xF;
	v25, _, _ =	vpop (xrf2)  }
0x397: {  	v8 =	vsel vm2, v8, v17;
	v22 =	vbroadcast v58, $0xF;
	v58 =	vmul.f32 $9.999999970e-07, v49;
	v26, _, _ =	vpop (xrf2);
	(xrf2) =	vadd.scan.msk.f32 $0xffff, v38  }
0x398: {  	v3 =	vsel vm6, v3, v62;
	v4 =	vnsel vm7, $0x0, v19;
	v39 =	vbroadcast v13, $0xF;
	v31, _, _ =	vpop (xrf2);
	(xrf2) =	vadd.scan.msk.f32 $0xffff, v35  }
0x399: {  	v14 =	vnsel vm7, $0x0, v22;
	v5 =	vbroadcast v60, $0xF;
	v3 =	vmul.f32 v58, v3;
	v32, _, _ =	vpop (xrf2)  }
0x39a: {  	v2 =	vmul.f32 v58, v2;
	v12 =	vbroadcast v63, $0xF;
	v0 =	vsel vm2, v0, v39;
	v36, _, _ =	vpop (xrf0);
	(xrf0) =	vadd.scan.msk.s32 $0xffff, v18  }
0x39b: {  	v4 =	vsel vm0, v4, v5;
	v28 =	vbroadcast v24, $0xF;
	v48 =	vbroadcast v23, $0xF;
	v37, _, _ =	vpop (xrf2)  }
0x39c: {  	v0 =	vsel vm3, v0, v43;
	v30 =	vbroadcast v25, $0xF;
	v12 =	vsel vm0, v14, v12;
	v40, _, _ =	vpop (xrf2)  }
0x39d: {  	v4 =	vsel vm1, v4, v28;
	v35 =	vbroadcast v26, $0xF;
	v0 =	vsel vm4, v0, v48;
	v42, _, _ =	vpop (xrf2)  }
0x39e: {  	v34 =	vsel vm1, v12, v30;
	v38 =	vbroadcast v31, $0xF;
	v41 =	vbroadcast v32, $0xF;
	v44, _, _ =	vpop (xrf2)  }
0x39f: {  	v4 =	vsel vm2, v4, v35;
	v12 =	vbroadcast v37, $0xF;
	v45 =	vbroadcast v40, $0xF;
	v46, _, _ =	vpop (xrf2)  }
0x3a0: {  	v1 =	vsel vm2, v34, v38;
	v4 =	vsel vm3, v4, v41;
	v51 =	vbroadcast v36, $0xF;
	v52, _, _ =	vpop (xrf0)  }
0x3a1: {  	v1 =	vsel vm3, v1, v12;
	v47 =	vbroadcast v42, $0xF;
	v4 =	vsel vm4, v4, v45;
	v53, _, _ =	vpop (xrf2)  }
0x3a2: {  	v0 =	vsel vm5, v0, v51;
	v55 =	vbroadcast v46, $0xF;
	v54 =	vbroadcast v52, $0xF;
	v56, _, _ =	vpop (xrf2)  }
0x3a3: {  	v50 =	vbroadcast v44, $0xF;
	v1 =	vsel vm4, v1, v47;
	v9 =	vbroadcast v56, $0xF  }
0x3a4: {  	v61 =	vld [tilespmem:$0x1FF60];
	v57 =	vbroadcast v53, $0xF;
	v1 =	vsel vm5, v1, v55;
	v0 =	vsel vm6, v0, v54  }
0x3a5: {  	v62 =	vld [tilespmem:$0x1FF20];
	v4 =	vsel vm5, v4, v50;
	v5 =	vand.u32 $0xFFFE, v0;
	v1 =	vsel vm6, v1, v9  }
0x3a6: {  	v63 =	vld [tilespmem:$0x1FF80];
	v4 =	vsel vm6, v4, v57;
	vm7 =	vgt.u32 v5, $0x9;
	v1 =	vmax.f32 v1, $-4.000000000e+02  }
0x3a7: {  	v4 =	vmax.f32 v4, $-4.000000000e+02;
	v5 =	vsel vm7, $0x3F800000, v59;
	v1 =	vmin.f32 v1, $4.000000000e+02  }
0x3a8: {  	v4 =	vmin.f32 v4, $4.000000000e+02;
	v5 =	vmul.f32 $3.000000030e-03, v5;
	v1 =	vsub.f32 v1, v3  }
0x3a9: {  	v60 =	vsel vm3, v8, v27;
	v6 =	vsel vm4, v6, v61;
	v2 =	vsub.f32 v4, v2  }
0x3aa: {  	v4 =	vsel vm5, v6, v62;
	v3 =	vsel vm4, v60, v29;
	v1 =	vmul.f32 v1, v5  }
0x3ab: {  	v4 =	vsel vm6, v4, v63;
	v3 =	vsel vm5, v3, v20;
	v2 =	vmul.f32 v2, v5  }
0x3ac: {  	v0 =	vshra.s32 v0, $0x10;
	v3 =	vsel vm6, v3, v21;
	v1 =	vsub.f32 v4, v1  }
0x3ad: {  	[tilespmem:$0x10C00] =	vst v0;
	v2 =	vsub.f32 v3, v2  }
0x3ae: {  	[tilespmem:$0x10B00] =	vst v1  }
0x3af: {  	s1 =	simm.s32 $0x10B00;
	[tilespmem:$0x10B80] =	vst v2  }
0x3b0: {  	[hbm4b:s14+s2] =	stream.linear.scatter [tilespmem:s1], [sflag:$0x3], $0x10, $0x38;
	[tilespmem:$0x10C80] =	vst v63  }
0x3b1: {  	_ =	swait.ge [sflag:s0], $0x10  }
0x3b2: {  	[sflag:s0] =	ssyncset.done $0x0  }
0x3b3: {  	s28 =	simm.s32 $0x10B80;
	[sflag:s0] =	ssyncadd.s32 $0xFFFFFFF0  }
0x3b4: {  	[hbm4b:s15+s2] =	stream.linear.scatter [tilespmem:s28], [sflag:$0x3], $0x10, $0x38;
	[tilespmem:$0x10C80] =	vst v63  }
0x3b5: {  	s20 =	sadd.s32 $0x1, s20;
	_ =	swait.ge [sflag:s0], $0x10  }
0x3b6: {  	p0 =	sne.s32 s20, s17;
	[sflag:s0] =	ssyncset.done $0x0  }
.Ltmp2:
0x3b7: {  	s31 =	simm.s32 $0x10C00;
	[sflag:s0] =	ssyncadd.s32 $0xFFFFFFF0;
	(pc) =	sbr.rel @p0 .LBB2_1-.Ltmp2, $4  }
0x3b8: {  	[hbm4b:s16+s2] =	stream.linear.scatter [tilespmem:s31], [sflag:$0x3], $0x10, $0x38;
	[tilespmem:$0x10C80] =	vst v63  }
0x3b9: {  	_ =	swait.ge [sflag:s0], $0x10  }
0x3ba: {  	[sflag:s0] =	ssyncset.done $0x0  }
0x3bb: {  	[sflag:s0] =	ssyncadd.s32 $0xFFFFFFF0  }
0x3bc: {  	_ =	sfence.sel $0x180000  }
0x3bd: {  	[bflag:$0x0] =	sbarrier.arrive $0xFFFF  }
0x3be: {  	_ =	strace $0x90000047  }
0x3bf: {  	s0 =	stileid.u32;
	[bflag:$0x2] =	sbarrier.arrive $0xFFFF  }
0x3c0: {  	p0 =	sne.s32 s0, $0x0;
	s0 =	rddreg [dreg:$0x5]  }
0x3c1: {  	s0 =	sadd.s32 @!p0 $0x100000, s0  }
0x3c2: {  	[sflag:s0] =	ssyncadd.tile.s32 @!p0 $0x1;
	_ =	shalt  }
.Lfunc_end2:
_tile_overlayer_lowered:
.L_overlay_start_2:
0x3c3: {  	(tag) =	ssettag $0x2  }
0x3c4: {  	s0 =	rddreg [dreg:$0x0];
	s2 =	stileid.u32  }
0x3c5: {  	s1 =	rddreg [dreg:$0x1];
	p0 =	sne.s32 s2, $0x0  }
0x3c6: {  	s3 =	rddreg [dreg:$0x2];
	[bflag:$0x3] =	sbarrier.arrive $0xFFFF;
	s2 =	simm.s32 @!p0 $0x1C03  }
0x3c7: {  	[timem:s3], [sflag:s2] =	dma.local @!p0 [hbm:s0], s1  }
0x3c8: {  	s0 =	simm.s32 @!p0 $0x3  }
0x3c9: {  	_ =	swait.ge @!p0 [sflag:s0], s1  }
0x3ca: {  	s1 =	ssub.s32 @!p0 $0x0, s1;
	[sflag:s0] =	ssyncset.done @!p0 $0x0  }
0x3cb: {  	[sflag:s0] =	ssyncadd.s32 @!p0 s1  }
0x3cc: {  	[bflag:$0x3] =	sbarrier.arrive $0xFFFF  }
0x3cd: {  	_ =	shalt  }

</sc_bundles>
